<compile_context>
chip_gen: v7x
topology: tpu7x:2x2x1
jax: 0.10.2.dev20260603
libtpu: 0.0.44.dev20260713+nightly
codegen_flags: <defaults>
</compile_context>

<pallas_src>
import functools
import math

import jax
import jax.numpy as jnp
from jax import lax
from jax.experimental import pallas as pl
from jax.experimental.pallas import tpu as pltpu
from jax.experimental.pallas import tpu_sc as plsc

D_MODEL = 128
SCALE = math.sqrt(float(D_MODEL))
NW = 32
NROW = 4096
NCOL = 50
C = NROW // NW
LANES = 16
NIN = 4
NOUT = 2


def _body(xt_hbm, lut_hbm, out_hbm, idx_v, in0, in1, in2, in3, out0, out1,
          sg0, sg1, sg2, sg3, ss0, ss1):
    wid = lax.axis_index("s") * 2 + lax.axis_index("c")
    i0 = wid * C

    ins = (in0, in1, in2, in3)
    outs = (out0, out1)
    sgs = (sg0, sg1, sg2, sg3)
    sss = (ss0, ss1)

    pltpu.sync_copy(xt_hbm.at[pl.ds(0, 8), pl.ds(i0, C)],
                    idx_v.at[pl.ds(0, 8)])
    for k in range(NIN):
        pltpu.async_copy(lut_hbm.at[idx_v.at[k]], ins[k], sgs[k])
    pltpu.sync_copy(xt_hbm.at[pl.ds(8, NCOL - 8), pl.ds(i0, C)],
                    idx_v.at[pl.ds(8, NCOL - 8)])

    def scale_chunk(src, dst):
        def row_body(r, carry):
            for c8 in range(D_MODEL // LANES):
                sl = pl.ds(c8 * LANES, LANES)
                dst[r, sl] = src[r, sl] * SCALE
            return carry

        lax.fori_loop(0, C, row_body, 0)

    def pipe_step(c, k, wait_out, issue_gather):
        bi = k % NIN
        bo = k % NOUT
        pltpu.make_async_copy(lut_hbm.at[idx_v.at[c]], ins[bi],
                              sgs[bi]).wait()
        if wait_out:
            pltpu.make_async_copy(
                outs[bo], out_hbm.at[c - NOUT, pl.ds(i0, C)], sss[bo]).wait()
        scale_chunk(ins[bi], outs[bo])
        pltpu.async_copy(outs[bo], out_hbm.at[c, pl.ds(i0, C)], sss[bo])
        if issue_gather:
            pltpu.async_copy(lut_hbm.at[idx_v.at[c + NIN]], ins[bi], sgs[bi])

    for k in range(NIN):
        pipe_step(k, k, wait_out=(k >= NOUT), issue_gather=True)

    def loop_body(i, carry):
        for k in range(NIN):
            pipe_step(NIN * i + k, k, wait_out=True, issue_gather=True)
        return carry

    lax.fori_loop(1, 11, loop_body, 0)

    for c in range(44, NCOL):
        pipe_step(c, c % NIN, wait_out=True, issue_gather=(c + NIN < NCOL))

    for k in range(NOUT):
        c = NCOL - NOUT + k
        pltpu.make_async_copy(
            outs[c % NOUT], out_hbm.at[c, pl.ds(i0, C)], sss[c % NOUT]).wait()


_lookup = functools.partial(
    pl.kernel,
    out_type=jax.ShapeDtypeStruct((NCOL, NROW, D_MODEL), jnp.float32),
    scratch_types=[
        pltpu.VMEM((NCOL, C), jnp.int32),
        pltpu.VMEM((C, D_MODEL), jnp.float32),
        pltpu.VMEM((C, D_MODEL), jnp.float32),
        pltpu.VMEM((C, D_MODEL), jnp.float32),
        pltpu.VMEM((C, D_MODEL), jnp.float32),
        pltpu.VMEM((C, D_MODEL), jnp.float32),
        pltpu.VMEM((C, D_MODEL), jnp.float32),
        pltpu.SemaphoreType.DMA,
        pltpu.SemaphoreType.DMA,
        pltpu.SemaphoreType.DMA,
        pltpu.SemaphoreType.DMA,
        pltpu.SemaphoreType.DMA,
        pltpu.SemaphoreType.DMA,
    ],
    mesh=plsc.VectorSubcoreMesh(core_axis_name="c", subcore_axis_name="s"),
    compiler_params=pltpu.CompilerParams(use_tc_tiling_on_sc=True),
)(_body)


def kernel(x, lut):
    out = _lookup(x.T, lut)
    return out.transpose(1, 0, 2)

# --- scband reference (transcript-rebuilt; emitter-appended) ---
"""Pipeline reference for scband-embeddings-46961172415131 (READ-ONLY COPY).

The authoritative reference and input builder live on the scoring server;
editing this copy changes nothing except your own understanding.
"""

import jax, jax.numpy as jnp
import numpy as np
import math

D_MODEL = 128
VOCAB = 100000

def setup_inputs(seed: int = 0) -> dict:
    key = jax.random.key(seed)
    k1, k2 = jax.random.split(key)
    x = jax.random.randint(k1, (4096, 50), 0, VOCAB, dtype=jnp.int64 if jax.config.read('jax_enable_x64') else jnp.int32)
    lut = jax.random.normal(k2, (VOCAB, D_MODEL), dtype=jnp.float32)
    return {"x": x, "lut": lut}

def reference(x, lut):
    # Embeddings.forward: self.lut(x) * math.sqrt(self.d_model)
    emb = jnp.take(lut, x, axis=0)
    return emb * math.sqrt(D_MODEL)

if __name__ == "__main__":
    import jax
    _d = setup_inputs()
    print(jax.jit(kernel)(*tuple(_d.values())))

</pallas_src>

<mosaic_0001>
#map = affine_map<(d0, d1) -> (0, 0)>
#map1 = affine_map<(d0, d1) -> (0, 0, 0)>
module attributes {stable_mosaic.version = 14 : i64} {
  func.func @_body(%arg0: i32, %arg1: i32, %arg2: memref<50x4096xi32, #tpu.memory_space<hbm>>, %arg3: memref<100000x128xf32, #tpu.memory_space<hbm>>, %arg4: memref<50x4096x128xf32, #tpu.memory_space<hbm>>, %arg5: memref<50x128xi32, #tpu.memory_space<vmem>>, %arg6: memref<128x128xf32, #tpu.memory_space<vmem>>, %arg7: memref<128x128xf32, #tpu.memory_space<vmem>>, %arg8: memref<128x128xf32, #tpu.memory_space<vmem>>, %arg9: memref<128x128xf32, #tpu.memory_space<vmem>>, %arg10: memref<128x128xf32, #tpu.memory_space<vmem>>, %arg11: memref<128x128xf32, #tpu.memory_space<vmem>>, %arg12: memref<!tpu.dma_semaphore, #tpu.memory_space<semaphore_mem>>, %arg13: memref<!tpu.dma_semaphore, #tpu.memory_space<semaphore_mem>>, %arg14: memref<!tpu.dma_semaphore, #tpu.memory_space<semaphore_mem>>, %arg15: memref<!tpu.dma_semaphore, #tpu.memory_space<semaphore_mem>>, %arg16: memref<!tpu.dma_semaphore, #tpu.memory_space<semaphore_mem>>, %arg17: memref<!tpu.dma_semaphore, #tpu.memory_space<semaphore_mem>>) attributes {dimension_semantics = [#tpu.dimension_semantics<core_parallel>, #tpu.dimension_semantics<subcore_parallel>], iteration_bounds = array<i64: 2, 16>, scalar_prefetch = 0 : i64, scratch_operands = 13 : i64, tpu.core_type = #tpu.core_type<sc_vector_subcore>, window_params = [{transform_indices = #map}, {transform_indices = #map}, {transform_indices = #map1}]} {
    %mul3A = arith.constant 2 : i32
    %mul3A_0 = arith.muli %arg1, %mul3A : i32
    %add3A = arith.addi %mul3A_0, %arg0 : i32
    %mul3A_1 = arith.constant 128 : i32
    %mul3A_2 = arith.muli %add3A, %mul3A_1 : i32
    "tpu.region"() ({
      %run_scoped3A = tpu.sem_alloc : memref<!tpu.dma_semaphore, #tpu.memory_space<semaphore_mem>>
      %dma_start3A_346 = arith.constant 0 : i32
      %dma_start3A_347 = arith.constant 0 : i32
      %dma_start3A_348 = tpu.memref_slice %arg5[%dma_start3A_346, %dma_start3A_347] : memref<50x128xi32, #tpu.memory_space<vmem>> -> memref<8x128xi32, #tpu.memory_space<vmem>>
      %dma_start3A_349 = arith.constant 0 : i32
      %dma_start3A_350 = tpu.memref_slice %arg2[%dma_start3A_349, %mul3A_2] : memref<50x4096xi32, #tpu.memory_space<hbm>> -> memref<8x128xi32, #tpu.memory_space<hbm>>
      %dma_start3A_351 = arith.constant 0 : i32
      %dma_start3A_352 = arith.constant 0 : i32
      %dma_start3A_353 = tpu.memref_slice %arg5[%dma_start3A_351, %dma_start3A_352] : memref<50x128xi32, #tpu.memory_space<vmem>> -> memref<8x128xi32, #tpu.memory_space<vmem>>
      %dma_start3A_354 = arith.constant 0 : i32
      %dma_start3A_355 = tpu.memref_slice %arg2[%dma_start3A_354, %mul3A_2] : memref<50x4096xi32, #tpu.memory_space<hbm>> -> memref<8x128xi32, #tpu.memory_space<hbm>>
      tpu.enqueue_dma source(%dma_start3A_355 : memref<8x128xi32, #tpu.memory_space<hbm>>) target(%dma_start3A_353 : memref<8x128xi32, #tpu.memory_space<vmem>>) target_semaphore(%run_scoped3A : memref<!tpu.dma_semaphore, #tpu.memory_space<semaphore_mem>>)
      %dma_wait3A_356 = arith.constant 0 : i32
      %dma_wait3A_357 = arith.constant 0 : i32
      %dma_wait3A_358 = tpu.memref_slice %arg5[%dma_wait3A_356, %dma_wait3A_357] : memref<50x128xi32, #tpu.memory_space<vmem>> -> memref<8x128xi32, #tpu.memory_space<vmem>>
      %dma_wait3A_359 = arith.constant 0 : i32
      %dma_wait3A_360 = tpu.memref_slice %arg2[%dma_wait3A_359, %mul3A_2] : memref<50x4096xi32, #tpu.memory_space<hbm>> -> memref<8x128xi32, #tpu.memory_space<hbm>>
      %dma_wait3A_361 = arith.constant 0 : i32
      %dma_wait3A_362 = arith.constant 0 : i32
      %dma_wait3A_363 = tpu.memref_slice %arg5[%dma_wait3A_361, %dma_wait3A_362] : memref<50x128xi32, #tpu.memory_space<vmem>> -> memref<8x128xi32, #tpu.memory_space<vmem>>
      %dma_wait3A_364 = arith.constant 0 : i32
      %dma_wait3A_365 = tpu.memref_slice %arg2[%dma_wait3A_364, %mul3A_2] : memref<50x4096xi32, #tpu.memory_space<hbm>> -> memref<8x128xi32, #tpu.memory_space<hbm>>
      tpu.wait_dma2 semaphore(%run_scoped3A : memref<!tpu.dma_semaphore, #tpu.memory_space<semaphore_mem>>) src(%dma_wait3A_365 : memref<8x128xi32, #tpu.memory_space<hbm>>) dst(%dma_wait3A_363 : memref<8x128xi32, #tpu.memory_space<vmem>>)
      tpu.yield
    }) : () -> ()
    %dma_start3A = arith.constant 0 : i32
    %dma_start3A_3 = arith.constant 0 : i32
    %dma_start3A_4 = tpu.memref_slice %arg5[%dma_start3A, %dma_start3A_3] : memref<50x128xi32, #tpu.memory_space<vmem>> -> memref<1x128xi32, #tpu.memory_space<vmem>>
    %dma_start3A_5 = tpu.memref_squeeze %dma_start3A_4 : memref<1x128xi32, #tpu.memory_space<vmem>> -> memref<128xi32, #tpu.memory_space<vmem>>
    %dma_start3A_6 = arith.constant 0 : i32
    %dma_start3A_7 = arith.constant 0 : i32
    %dma_start3A_8 = tpu.memref_slice %arg3[%dma_start3A_6, %dma_start3A_7] : memref<100000x128xf32, #tpu.memory_space<hbm>> -> memref<100000x128xf32, #tpu.memory_space<hbm>>
    tpu.enqueue_indirect_dma source(%dma_start3A_8 : memref<100000x128xf32, #tpu.memory_space<hbm>>) target(%arg6 : memref<128x128xf32, #tpu.memory_space<vmem>>) offsets(%dma_start3A_5 : memref<128xi32, #tpu.memory_space<vmem>>) semaphore(%arg12 : memref<!tpu.dma_semaphore, #tpu.memory_space<semaphore_mem>>)
    %dma_start3A_9 = arith.constant 1 : i32
    %dma_start3A_10 = arith.constant 0 : i32
    %dma_start3A_11 = tpu.memref_slice %arg5[%dma_start3A_9, %dma_start3A_10] : memref<50x128xi32, #tpu.memory_space<vmem>> -> memref<1x128xi32, #tpu.memory_space<vmem>>
    %dma_start3A_12 = tpu.memref_squeeze %dma_start3A_11 : memref<1x128xi32, #tpu.memory_space<vmem>> -> memref<128xi32, #tpu.memory_space<vmem>>
    %dma_start3A_13 = arith.constant 0 : i32
    %dma_start3A_14 = arith.constant 0 : i32
    %dma_start3A_15 = tpu.memref_slice %arg3[%dma_start3A_13, %dma_start3A_14] : memref<100000x128xf32, #tpu.memory_space<hbm>> -> memref<100000x128xf32, #tpu.memory_space<hbm>>
    tpu.enqueue_indirect_dma source(%dma_start3A_15 : memref<100000x128xf32, #tpu.memory_space<hbm>>) target(%arg7 : memref<128x128xf32, #tpu.memory_space<vmem>>) offsets(%dma_start3A_12 : memref<128xi32, #tpu.memory_space<vmem>>) semaphore(%arg13 : memref<!tpu.dma_semaphore, #tpu.memory_space<semaphore_mem>>)
    %dma_start3A_16 = arith.constant 2 : i32
    %dma_start3A_17 = arith.constant 0 : i32
    %dma_start3A_18 = tpu.memref_slice %arg5[%dma_start3A_16, %dma_start3A_17] : memref<50x128xi32, #tpu.memory_space<vmem>> -> memref<1x128xi32, #tpu.memory_space<vmem>>
    %dma_start3A_19 = tpu.memref_squeeze %dma_start3A_18 : memref<1x128xi32, #tpu.memory_space<vmem>> -> memref<128xi32, #tpu.memory_space<vmem>>
    %dma_start3A_20 = arith.constant 0 : i32
    %dma_start3A_21 = arith.constant 0 : i32
    %dma_start3A_22 = tpu.memref_slice %arg3[%dma_start3A_20, %dma_start3A_21] : memref<100000x128xf32, #tpu.memory_space<hbm>> -> memref<100000x128xf32, #tpu.memory_space<hbm>>
    tpu.enqueue_indirect_dma source(%dma_start3A_22 : memref<100000x128xf32, #tpu.memory_space<hbm>>) target(%arg8 : memref<128x128xf32, #tpu.memory_space<vmem>>) offsets(%dma_start3A_19 : memref<128xi32, #tpu.memory_space<vmem>>) semaphore(%arg14 : memref<!tpu.dma_semaphore, #tpu.memory_space<semaphore_mem>>)
    %dma_start3A_23 = arith.constant 3 : i32
    %dma_start3A_24 = arith.constant 0 : i32
    %dma_start3A_25 = tpu.memref_slice %arg5[%dma_start3A_23, %dma_start3A_24] : memref<50x128xi32, #tpu.memory_space<vmem>> -> memref<1x128xi32, #tpu.memory_space<vmem>>
    %dma_start3A_26 = tpu.memref_squeeze %dma_start3A_25 : memref<1x128xi32, #tpu.memory_space<vmem>> -> memref<128xi32, #tpu.memory_space<vmem>>
    %dma_start3A_27 = arith.constant 0 : i32
    %dma_start3A_28 = arith.constant 0 : i32
    %dma_start3A_29 = tpu.memref_slice %arg3[%dma_start3A_27, %dma_start3A_28] : memref<100000x128xf32, #tpu.memory_space<hbm>> -> memref<100000x128xf32, #tpu.memory_space<hbm>>
    tpu.enqueue_indirect_dma source(%dma_start3A_29 : memref<100000x128xf32, #tpu.memory_space<hbm>>) target(%arg9 : memref<128x128xf32, #tpu.memory_space<vmem>>) offsets(%dma_start3A_26 : memref<128xi32, #tpu.memory_space<vmem>>) semaphore(%arg15 : memref<!tpu.dma_semaphore, #tpu.memory_space<semaphore_mem>>)
    "tpu.region"() ({
      %run_scoped3A = tpu.sem_alloc : memref<!tpu.dma_semaphore, #tpu.memory_space<semaphore_mem>>
      %dma_start3A_346 = arith.constant 8 : i32
      %dma_start3A_347 = arith.constant 0 : i32
      %dma_start3A_348 = tpu.memref_slice %arg5[%dma_start3A_346, %dma_start3A_347] : memref<50x128xi32, #tpu.memory_space<vmem>> -> memref<42x128xi32, #tpu.memory_space<vmem>>
      %dma_start3A_349 = arith.constant 8 : i32
      %dma_start3A_350 = tpu.memref_slice %arg2[%dma_start3A_349, %mul3A_2] : memref<50x4096xi32, #tpu.memory_space<hbm>> -> memref<42x128xi32, #tpu.memory_space<hbm>>
      %dma_start3A_351 = arith.constant 8 : i32
      %dma_start3A_352 = arith.constant 0 : i32
      %dma_start3A_353 = tpu.memref_slice %arg5[%dma_start3A_351, %dma_start3A_352] : memref<50x128xi32, #tpu.memory_space<vmem>> -> memref<42x128xi32, #tpu.memory_space<vmem>>
      %dma_start3A_354 = arith.constant 8 : i32
      %dma_start3A_355 = tpu.memref_slice %arg2[%dma_start3A_354, %mul3A_2] : memref<50x4096xi32, #tpu.memory_space<hbm>> -> memref<42x128xi32, #tpu.memory_space<hbm>>
      tpu.enqueue_dma source(%dma_start3A_355 : memref<42x128xi32, #tpu.memory_space<hbm>>) target(%dma_start3A_353 : memref<42x128xi32, #tpu.memory_space<vmem>>) target_semaphore(%run_scoped3A : memref<!tpu.dma_semaphore, #tpu.memory_space<semaphore_mem>>)
      %dma_wait3A_356 = arith.constant 8 : i32
      %dma_wait3A_357 = arith.constant 0 : i32
      %dma_wait3A_358 = tpu.memref_slice %arg5[%dma_wait3A_356, %dma_wait3A_357] : memref<50x128xi32, #tpu.memory_space<vmem>> -> memref<42x128xi32, #tpu.memory_space<vmem>>
      %dma_wait3A_359 = arith.constant 8 : i32
      %dma_wait3A_360 = tpu.memref_slice %arg2[%dma_wait3A_359, %mul3A_2] : memref<50x4096xi32, #tpu.memory_space<hbm>> -> memref<42x128xi32, #tpu.memory_space<hbm>>
      %dma_wait3A_361 = arith.constant 8 : i32
      %dma_wait3A_362 = arith.constant 0 : i32
      %dma_wait3A_363 = tpu.memref_slice %arg5[%dma_wait3A_361, %dma_wait3A_362] : memref<50x128xi32, #tpu.memory_space<vmem>> -> memref<42x128xi32, #tpu.memory_space<vmem>>
      %dma_wait3A_364 = arith.constant 8 : i32
      %dma_wait3A_365 = tpu.memref_slice %arg2[%dma_wait3A_364, %mul3A_2] : memref<50x4096xi32, #tpu.memory_space<hbm>> -> memref<42x128xi32, #tpu.memory_space<hbm>>
      tpu.wait_dma2 semaphore(%run_scoped3A : memref<!tpu.dma_semaphore, #tpu.memory_space<semaphore_mem>>) src(%dma_wait3A_365 : memref<42x128xi32, #tpu.memory_space<hbm>>) dst(%dma_wait3A_363 : memref<42x128xi32, #tpu.memory_space<vmem>>)
      tpu.yield
    }) : () -> ()
    %dma_wait3A = arith.constant 0 : i32
    %dma_wait3A_30 = arith.constant 0 : i32
    %dma_wait3A_31 = tpu.memref_slice %arg5[%dma_wait3A, %dma_wait3A_30] : memref<50x128xi32, #tpu.memory_space<vmem>> -> memref<1x128xi32, #tpu.memory_space<vmem>>
    %dma_wait3A_32 = tpu.memref_squeeze %dma_wait3A_31 : memref<1x128xi32, #tpu.memory_space<vmem>> -> memref<128xi32, #tpu.memory_space<vmem>>
    %dma_wait3A_33 = arith.constant 0 : i32
    %dma_wait3A_34 = arith.constant 0 : i32
    %dma_wait3A_35 = tpu.memref_slice %arg3[%dma_wait3A_33, %dma_wait3A_34] : memref<100000x128xf32, #tpu.memory_space<hbm>> -> memref<100000x128xf32, #tpu.memory_space<hbm>>
    tpu.wait_indirect_dma semaphore(%arg12 : memref<!tpu.dma_semaphore, #tpu.memory_space<semaphore_mem>>) src(%dma_wait3A_35 : memref<100000x128xf32, #tpu.memory_space<hbm>>) dst(%arg6 : memref<128x128xf32, #tpu.memory_space<vmem>>)
    %scan3A = arith.constant 0 : i32
    %scan3A_36 = arith.constant 0 : i32
    %scan3A_37 = arith.constant 128 : i32
    %scan3A_38 = arith.addi %scan3A_36, %scan3A_37 : i32
    %scan3A_39 = arith.constant 1 : i32
    scf.for %scan3A_346 = %scan3A_36 to %scan3A_38 step %scan3A_39  : i32 {
      %get3A = arith.index_cast %scan3A_346 : i32 to index
      %get3A_347 = arith.constant 0 : index
      %get3A_348 = tpu.vector_load %arg6[%get3A, %get3A_347] {strides = array<i32>} : memref<128x128xf32, #tpu.memory_space<vmem>>, vector<1x16xf32>,
      %get3A_349 = vector.shape_cast %get3A_348 : vector<1x16xf32> to vector<16xf32>
      %mul3A_350 = arith.constant 11.3137083 : f32
      %mul3A_351 = vector.broadcast %mul3A_350 : f32 to vector<16xf32>
      %mul3A_352 = arith.mulf %get3A_349, %mul3A_351 : vector<16xf32>
      %swap3A = arith.index_cast %scan3A_346 : i32 to index
      %swap3A_353 = arith.constant 0 : index
      %swap3A_354 = tpu.vector_load %arg10[%swap3A, %swap3A_353] {strides = array<i32>} : memref<128x128xf32, #tpu.memory_space<vmem>>, vector<1x16xf32>,
      %swap3A_355 = vector.shape_cast %swap3A_354 : vector<1x16xf32> to vector<16xf32>
      %swap3A_356 = vector.shape_cast %mul3A_352 : vector<16xf32> to vector<1x16xf32>
      tpu.vector_store %arg10[%swap3A, %swap3A_353], %swap3A_356 {strides = array<i32>} : memref<128x128xf32, #tpu.memory_space<vmem>>, vector<1x16xf32>,
      %get3A_357 = arith.index_cast %scan3A_346 : i32 to index
      %get3A_358 = arith.constant 16 : index
      %get3A_359 = tpu.vector_load %arg6[%get3A_357, %get3A_358] {strides = array<i32>} : memref<128x128xf32, #tpu.memory_space<vmem>>, vector<1x16xf32>,
      %get3A_360 = vector.shape_cast %get3A_359 : vector<1x16xf32> to vector<16xf32>
      %mul3A_361 = arith.constant 11.3137083 : f32
      %mul3A_362 = vector.broadcast %mul3A_361 : f32 to vector<16xf32>
      %mul3A_363 = arith.mulf %get3A_360, %mul3A_362 : vector<16xf32>
      %swap3A_364 = arith.index_cast %scan3A_346 : i32 to index
      %swap3A_365 = arith.constant 16 : index
      %swap3A_366 = tpu.vector_load %arg10[%swap3A_364, %swap3A_365] {strides = array<i32>} : memref<128x128xf32, #tpu.memory_space<vmem>>, vector<1x16xf32>,
      %swap3A_367 = vector.shape_cast %swap3A_366 : vector<1x16xf32> to vector<16xf32>
      %swap3A_368 = vector.shape_cast %mul3A_363 : vector<16xf32> to vector<1x16xf32>
      tpu.vector_store %arg10[%swap3A_364, %swap3A_365], %swap3A_368 {strides = array<i32>} : memref<128x128xf32, #tpu.memory_space<vmem>>, vector<1x16xf32>,
      %get3A_369 = arith.index_cast %scan3A_346 : i32 to index
      %get3A_370 = arith.constant 32 : index
      %get3A_371 = tpu.vector_load %arg6[%get3A_369, %get3A_370] {strides = array<i32>} : memref<128x128xf32, #tpu.memory_space<vmem>>, vector<1x16xf32>,
      %get3A_372 = vector.shape_cast %get3A_371 : vector<1x16xf32> to vector<16xf32>
      %mul3A_373 = arith.constant 11.3137083 : f32
      %mul3A_374 = vector.broadcast %mul3A_373 : f32 to vector<16xf32>
      %mul3A_375 = arith.mulf %get3A_372, %mul3A_374 : vector<16xf32>
      %swap3A_376 = arith.index_cast %scan3A_346 : i32 to index
      %swap3A_377 = arith.constant 32 : index
      %swap3A_378 = tpu.vector_load %arg10[%swap3A_376, %swap3A_377] {strides = array<i32>} : memref<128x128xf32, #tpu.memory_space<vmem>>, vector<1x16xf32>,
      %swap3A_379 = vector.shape_cast %swap3A_378 : vector<1x16xf32> to vector<16xf32>
      %swap3A_380 = vector.shape_cast %mul3A_375 : vector<16xf32> to vector<1x16xf32>
      tpu.vector_store %arg10[%swap3A_376, %swap3A_377], %swap3A_380 {strides = array<i32>} : memref<128x128xf32, #tpu.memory_space<vmem>>, vector<1x16xf32>,
      %get3A_381 = arith.index_cast %scan3A_346 : i32 to index
      %get3A_382 = arith.constant 48 : index
      %get3A_383 = tpu.vector_load %arg6[%get3A_381, %get3A_382] {strides = array<i32>} : memref<128x128xf32, #tpu.memory_space<vmem>>, vector<1x16xf32>,
      %get3A_384 = vector.shape_cast %get3A_383 : vector<1x16xf32> to vector<16xf32>
      %mul3A_385 = arith.constant 11.3137083 : f32
      %mul3A_386 = vector.broadcast %mul3A_385 : f32 to vector<16xf32>
      %mul3A_387 = arith.mulf %get3A_384, %mul3A_386 : vector<16xf32>
      %swap3A_388 = arith.index_cast %scan3A_346 : i32 to index
      %swap3A_389 = arith.constant 48 : index
      %swap3A_390 = tpu.vector_load %arg10[%swap3A_388, %swap3A_389] {strides = array<i32>} : memref<128x128xf32, #tpu.memory_space<vmem>>, vector<1x16xf32>,
      %swap3A_391 = vector.shape_cast %swap3A_390 : vector<1x16xf32> to vector<16xf32>
      %swap3A_392 = vector.shape_cast %mul3A_387 : vector<16xf32> to vector<1x16xf32>
      tpu.vector_store %arg10[%swap3A_388, %swap3A_389], %swap3A_392 {strides = array<i32>} : memref<128x128xf32, #tpu.memory_space<vmem>>, vector<1x16xf32>,
      %get3A_393 = arith.index_cast %scan3A_346 : i32 to index
      %get3A_394 = arith.constant 64 : index
      %get3A_395 = tpu.vector_load %arg6[%get3A_393, %get3A_394] {strides = array<i32>} : memref<128x128xf32, #tpu.memory_space<vmem>>, vector<1x16xf32>,
      %get3A_396 = vector.shape_cast %get3A_395 : vector<1x16xf32> to vector<16xf32>
      %mul3A_397 = arith.constant 11.3137083 : f32
      %mul3A_398 = vector.broadcast %mul3A_397 : f32 to vector<16xf32>
      %mul3A_399 = arith.mulf %get3A_396, %mul3A_398 : vector<16xf32>
      %swap3A_400 = arith.index_cast %scan3A_346 : i32 to index
      %swap3A_401 = arith.constant 64 : index
      %swap3A_402 = tpu.vector_load %arg10[%swap3A_400, %swap3A_401] {strides = array<i32>} : memref<128x128xf32, #tpu.memory_space<vmem>>, vector<1x16xf32>,
      %swap3A_403 = vector.shape_cast %swap3A_402 : vector<1x16xf32> to vector<16xf32>
      %swap3A_404 = vector.shape_cast %mul3A_399 : vector<16xf32> to vector<1x16xf32>
      tpu.vector_store %arg10[%swap3A_400, %swap3A_401], %swap3A_404 {strides = array<i32>} : memref<128x128xf32, #tpu.memory_space<vmem>>, vector<1x16xf32>,
      %get3A_405 = arith.index_cast %scan3A_346 : i32 to index
      %get3A_406 = arith.constant 80 : index
      %get3A_407 = tpu.vector_load %arg6[%get3A_405, %get3A_406] {strides = array<i32>} : memref<128x128xf32, #tpu.memory_space<vmem>>, vector<1x16xf32>,
      %get3A_408 = vector.shape_cast %get3A_407 : vector<1x16xf32> to vector<16xf32>
      %mul3A_409 = arith.constant 11.3137083 : f32
      %mul3A_410 = vector.broadcast %mul3A_409 : f32 to vector<16xf32>
      %mul3A_411 = arith.mulf %get3A_408, %mul3A_410 : vector<16xf32>
      %swap3A_412 = arith.index_cast %scan3A_346 : i32 to index
      %swap3A_413 = arith.constant 80 : index
      %swap3A_414 = tpu.vector_load %arg10[%swap3A_412, %swap3A_413] {strides = array<i32>} : memref<128x128xf32, #tpu.memory_space<vmem>>, vector<1x16xf32>,
      %swap3A_415 = vector.shape_cast %swap3A_414 : vector<1x16xf32> to vector<16xf32>
      %swap3A_416 = vector.shape_cast %mul3A_411 : vector<16xf32> to vector<1x16xf32>
      tpu.vector_store %arg10[%swap3A_412, %swap3A_413], %swap3A_416 {strides = array<i32>} : memref<128x128xf32, #tpu.memory_space<vmem>>, vector<1x16xf32>,
      %get3A_417 = arith.index_cast %scan3A_346 : i32 to index
      %get3A_418 = arith.constant 96 : index
      %get3A_419 = tpu.vector_load %arg6[%get3A_417, %get3A_418] {strides = array<i32>} : memref<128x128xf32, #tpu.memory_space<vmem>>, vector<1x16xf32>,
      %get3A_420 = vector.shape_cast %get3A_419 : vector<1x16xf32> to vector<16xf32>
      %mul3A_421 = arith.constant 11.3137083 : f32
      %mul3A_422 = vector.broadcast %mul3A_421 : f32 to vector<16xf32>
      %mul3A_423 = arith.mulf %get3A_420, %mul3A_422 : vector<16xf32>
      %swap3A_424 = arith.index_cast %scan3A_346 : i32 to index
      %swap3A_425 = arith.constant 96 : index
      %swap3A_426 = tpu.vector_load %arg10[%swap3A_424, %swap3A_425] {strides = array<i32>} : memref<128x128xf32, #tpu.memory_space<vmem>>, vector<1x16xf32>,
      %swap3A_427 = vector.shape_cast %swap3A_426 : vector<1x16xf32> to vector<16xf32>
      %swap3A_428 = vector.shape_cast %mul3A_423 : vector<16xf32> to vector<1x16xf32>
      tpu.vector_store %arg10[%swap3A_424, %swap3A_425], %swap3A_428 {strides = array<i32>} : memref<128x128xf32, #tpu.memory_space<vmem>>, vector<1x16xf32>,
      %get3A_429 = arith.index_cast %scan3A_346 : i32 to index
      %get3A_430 = arith.constant 112 : index
      %get3A_431 = tpu.vector_load %arg6[%get3A_429, %get3A_430] {strides = array<i32>} : memref<128x128xf32, #tpu.memory_space<vmem>>, vector<1x16xf32>,
      %get3A_432 = vector.shape_cast %get3A_431 : vector<1x16xf32> to vector<16xf32>
      %mul3A_433 = arith.constant 11.3137083 : f32
      %mul3A_434 = vector.broadcast %mul3A_433 : f32 to vector<16xf32>
      %mul3A_435 = arith.mulf %get3A_432, %mul3A_434 : vector<16xf32>
      %swap3A_436 = arith.index_cast %scan3A_346 : i32 to index
      %swap3A_437 = arith.constant 112 : index
      %swap3A_438 = tpu.vector_load %arg10[%swap3A_436, %swap3A_437] {strides = array<i32>} : memref<128x128xf32, #tpu.memory_space<vmem>>, vector<1x16xf32>,
      %swap3A_439 = vector.shape_cast %swap3A_438 : vector<1x16xf32> to vector<16xf32>
      %swap3A_440 = vector.shape_cast %mul3A_435 : vector<16xf32> to vector<1x16xf32>
      tpu.vector_store %arg10[%swap3A_436, %swap3A_437], %swap3A_440 {strides = array<i32>} : memref<128x128xf32, #tpu.memory_space<vmem>>, vector<1x16xf32>,
    }
    %scan3A_40 = arith.constant 128 : i32
    %dma_start3A_41 = arith.constant 0 : i32
    %dma_start3A_42 = arith.constant 0 : i32
    %dma_start3A_43 = tpu.memref_slice %arg4[%dma_start3A_41, %mul3A_2, %dma_start3A_42] : memref<50x4096x128xf32, #tpu.memory_space<hbm>> -> memref<1x128x128xf32, #tpu.memory_space<hbm>>
    %dma_start3A_44 = tpu.memref_squeeze %dma_start3A_43 : memref<1x128x128xf32, #tpu.memory_space<hbm>> -> memref<128x128xf32, #tpu.memory_space<hbm>>
    %dma_start3A_45 = arith.constant 0 : i32
    %dma_start3A_46 = tpu.memref_slice %arg4[%dma_start3A_41, %mul3A_2, %dma_start3A_45] : memref<50x4096x128xf32, #tpu.memory_space<hbm>> -> memref<1x128x128xf32, #tpu.memory_space<hbm>>
    %dma_start3A_47 = tpu.memref_squeeze %dma_start3A_46 : memref<1x128x128xf32, #tpu.memory_space<hbm>> -> memref<128x128xf32, #tpu.memory_space<hbm>>
    tpu.enqueue_dma source(%arg10 : memref<128x128xf32, #tpu.memory_space<vmem>>) target(%dma_start3A_47 : memref<128x128xf32, #tpu.memory_space<hbm>>) target_semaphore(%arg16 : memref<!tpu.dma_semaphore, #tpu.memory_space<semaphore_mem>>)
    %dma_start3A_48 = arith.constant 4 : i32
    %dma_start3A_49 = arith.constant 0 : i32
    %dma_start3A_50 = tpu.memref_slice %arg5[%dma_start3A_48, %dma_start3A_49] : memref<50x128xi32, #tpu.memory_space<vmem>> -> memref<1x128xi32, #tpu.memory_space<vmem>>
    %dma_start3A_51 = tpu.memref_squeeze %dma_start3A_50 : memref<1x128xi32, #tpu.memory_space<vmem>> -> memref<128xi32, #tpu.memory_space<vmem>>
    %dma_start3A_52 = arith.constant 0 : i32
    %dma_start3A_53 = arith.constant 0 : i32
    %dma_start3A_54 = tpu.memref_slice %arg3[%dma_start3A_52, %dma_start3A_53] : memref<100000x128xf32, #tpu.memory_space<hbm>> -> memref<100000x128xf32, #tpu.memory_space<hbm>>
    tpu.enqueue_indirect_dma source(%dma_start3A_54 : memref<100000x128xf32, #tpu.memory_space<hbm>>) target(%arg6 : memref<128x128xf32, #tpu.memory_space<vmem>>) offsets(%dma_start3A_51 : memref<128xi32, #tpu.memory_space<vmem>>) semaphore(%arg12 : memref<!tpu.dma_semaphore, #tpu.memory_space<semaphore_mem>>)
    %dma_wait3A_55 = arith.constant 1 : i32
    %dma_wait3A_56 = arith.constant 0 : i32
    %dma_wait3A_57 = tpu.memref_slice %arg5[%dma_wait3A_55, %dma_wait3A_56] : memref<50x128xi32, #tpu.memory_space<vmem>> -> memref<1x128xi32, #tpu.memory_space<vmem>>
    %dma_wait3A_58 = tpu.memref_squeeze %dma_wait3A_57 : memref<1x128xi32, #tpu.memory_space<vmem>> -> memref<128xi32, #tpu.memory_space<vmem>>
    %dma_wait3A_59 = arith.constant 0 : i32
    %dma_wait3A_60 = arith.constant 0 : i32
    %dma_wait3A_61 = tpu.memref_slice %arg3[%dma_wait3A_59, %dma_wait3A_60] : memref<100000x128xf32, #tpu.memory_space<hbm>> -> memref<100000x128xf32, #tpu.memory_space<hbm>>
    tpu.wait_indirect_dma semaphore(%arg13 : memref<!tpu.dma_semaphore, #tpu.memory_space<semaphore_mem>>) src(%dma_wait3A_61 : memref<100000x128xf32, #tpu.memory_space<hbm>>) dst(%arg7 : memref<128x128xf32, #tpu.memory_space<vmem>>)
    %scan3A_62 = arith.constant 0 : i32
    %scan3A_63 = arith.constant 0 : i32
    %scan3A_64 = arith.constant 128 : i32
    %scan3A_65 = arith.addi %scan3A_63, %scan3A_64 : i32
    %scan3A_66 = arith.constant 1 : i32
    scf.for %scan3A_346 = %scan3A_63 to %scan3A_65 step %scan3A_66  : i32 {
      %get3A = arith.index_cast %scan3A_346 : i32 to index
      %get3A_347 = arith.constant 0 : index
      %get3A_348 = tpu.vector_load %arg7[%get3A, %get3A_347] {strides = array<i32>} : memref<128x128xf32, #tpu.memory_space<vmem>>, vector<1x16xf32>,
      %get3A_349 = vector.shape_cast %get3A_348 : vector<1x16xf32> to vector<16xf32>
      %mul3A_350 = arith.constant 11.3137083 : f32
      %mul3A_351 = vector.broadcast %mul3A_350 : f32 to vector<16xf32>
      %mul3A_352 = arith.mulf %get3A_349, %mul3A_351 : vector<16xf32>
      %swap3A = arith.index_cast %scan3A_346 : i32 to index
      %swap3A_353 = arith.constant 0 : index
      %swap3A_354 = tpu.vector_load %arg11[%swap3A, %swap3A_353] {strides = array<i32>} : memref<128x128xf32, #tpu.memory_space<vmem>>, vector<1x16xf32>,
      %swap3A_355 = vector.shape_cast %swap3A_354 : vector<1x16xf32> to vector<16xf32>
      %swap3A_356 = vector.shape_cast %mul3A_352 : vector<16xf32> to vector<1x16xf32>
      tpu.vector_store %arg11[%swap3A, %swap3A_353], %swap3A_356 {strides = array<i32>} : memref<128x128xf32, #tpu.memory_space<vmem>>, vector<1x16xf32>,
      %get3A_357 = arith.index_cast %scan3A_346 : i32 to index
      %get3A_358 = arith.constant 16 : index
      %get3A_359 = tpu.vector_load %arg7[%get3A_357, %get3A_358] {strides = array<i32>} : memref<128x128xf32, #tpu.memory_space<vmem>>, vector<1x16xf32>,
      %get3A_360 = vector.shape_cast %get3A_359 : vector<1x16xf32> to vector<16xf32>
      %mul3A_361 = arith.constant 11.3137083 : f32
      %mul3A_362 = vector.broadcast %mul3A_361 : f32 to vector<16xf32>
      %mul3A_363 = arith.mulf %get3A_360, %mul3A_362 : vector<16xf32>
      %swap3A_364 = arith.index_cast %scan3A_346 : i32 to index
      %swap3A_365 = arith.constant 16 : index
      %swap3A_366 = tpu.vector_load %arg11[%swap3A_364, %swap3A_365] {strides = array<i32>} : memref<128x128xf32, #tpu.memory_space<vmem>>, vector<1x16xf32>,
      %swap3A_367 = vector.shape_cast %swap3A_366 : vector<1x16xf32> to vector<16xf32>
      %swap3A_368 = vector.shape_cast %mul3A_363 : vector<16xf32> to vector<1x16xf32>
      tpu.vector_store %arg11[%swap3A_364, %swap3A_365], %swap3A_368 {strides = array<i32>} : memref<128x128xf32, #tpu.memory_space<vmem>>, vector<1x16xf32>,
      %get3A_369 = arith.index_cast %scan3A_346 : i32 to index
      %get3A_370 = arith.constant 32 : index
      %get3A_371 = tpu.vector_load %arg7[%get3A_369, %get3A_370] {strides = array<i32>} : memref<128x128xf32, #tpu.memory_space<vmem>>, vector<1x16xf32>,
      %get3A_372 = vector.shape_cast %get3A_371 : vector<1x16xf32> to vector<16xf32>
      %mul3A_373 = arith.constant 11.3137083 : f32
      %mul3A_374 = vector.broadcast %mul3A_373 : f32 to vector<16xf32>
      %mul3A_375 = arith.mulf %get3A_372, %mul3A_374 : vector<16xf32>
      %swap3A_376 = arith.index_cast %scan3A_346 : i32 to index
      %swap3A_377 = arith.constant 32 : index
      %swap3A_378 = tpu.vector_load %arg11[%swap3A_376, %swap3A_377] {strides = array<i32>} : memref<128x128xf32, #tpu.memory_space<vmem>>, vector<1x16xf32>,
      %swap3A_379 = vector.shape_cast %swap3A_378 : vector<1x16xf32> to vector<16xf32>
      %swap3A_380 = vector.shape_cast %mul3A_375 : vector<16xf32> to vector<1x16xf32>
      tpu.vector_store %arg11[%swap3A_376, %swap3A_377], %swap3A_380 {strides = array<i32>} : memref<128x128xf32, #tpu.memory_space<vmem>>, vector<1x16xf32>,
      %get3A_381 = arith.index_cast %scan3A_346 : i32 to index
      %get3A_382 = arith.constant 48 : index
      %get3A_383 = tpu.vector_load %arg7[%get3A_381, %get3A_382] {strides = array<i32>} : memref<128x128xf32, #tpu.memory_space<vmem>>, vector<1x16xf32>,
      %get3A_384 = vector.shape_cast %get3A_383 : vector<1x16xf32> to vector<16xf32>
      %mul3A_385 = arith.constant 11.3137083 : f32
      %mul3A_386 = vector.broadcast %mul3A_385 : f32 to vector<16xf32>
      %mul3A_387 = arith.mulf %get3A_384, %mul3A_386 : vector<16xf32>
      %swap3A_388 = arith.index_cast %scan3A_346 : i32 to index
      %swap3A_389 = arith.constant 48 : index
      %swap3A_390 = tpu.vector_load %arg11[%swap3A_388, %swap3A_389] {strides = array<i32>} : memref<128x128xf32, #tpu.memory_space<vmem>>, vector<1x16xf32>,
      %swap3A_391 = vector.shape_cast %swap3A_390 : vector<1x16xf32> to vector<16xf32>
      %swap3A_392 = vector.shape_cast %mul3A_387 : vector<16xf32> to vector<1x16xf32>
      tpu.vector_store %arg11[%swap3A_388, %swap3A_389], %swap3A_392 {strides = array<i32>} : memref<128x128xf32, #tpu.memory_space<vmem>>, vector<1x16xf32>,
      %get3A_393 = arith.index_cast %scan3A_346 : i32 to index
      %get3A_394 = arith.constant 64 : index
      %get3A_395 = tpu.vector_load %arg7[%get3A_393, %get3A_394] {strides = array<i32>} : memref<128x128xf32, #tpu.memory_space<vmem>>, vector<1x16xf32>,
      %get3A_396 = vector.shape_cast %get3A_395 : vector<1x16xf32> to vector<16xf32>
      %mul3A_397 = arith.constant 11.3137083 : f32
      %mul3A_398 = vector.broadcast %mul3A_397 : f32 to vector<16xf32>
      %mul3A_399 = arith.mulf %get3A_396, %mul3A_398 : vector<16xf32>
      %swap3A_400 = arith.index_cast %scan3A_346 : i32 to index
      %swap3A_401 = arith.constant 64 : index
      %swap3A_402 = tpu.vector_load %arg11[%swap3A_400, %swap3A_401] {strides = array<i32>} : memref<128x128xf32, #tpu.memory_space<vmem>>, vector<1x16xf32>,
      %swap3A_403 = vector.shape_cast %swap3A_402 : vector<1x16xf32> to vector<16xf32>
      %swap3A_404 = vector.shape_cast %mul3A_399 : vector<16xf32> to vector<1x16xf32>
      tpu.vector_store %arg11[%swap3A_400, %swap3A_401], %swap3A_404 {strides = array<i32>} : memref<128x128xf32, #tpu.memory_space<vmem>>, vector<1x16xf32>,
      %get3A_405 = arith.index_cast %scan3A_346 : i32 to index
      %get3A_406 = arith.constant 80 : index
      %get3A_407 = tpu.vector_load %arg7[%get3A_405, %get3A_406] {strides = array<i32>} : memref<128x128xf32, #tpu.memory_space<vmem>>, vector<1x16xf32>,
      %get3A_408 = vector.shape_cast %get3A_407 : vector<1x16xf32> to vector<16xf32>
      %mul3A_409 = arith.constant 11.3137083 : f32
      %mul3A_410 = vector.broadcast %mul3A_409 : f32 to vector<16xf32>
      %mul3A_411 = arith.mulf %get3A_408, %mul3A_410 : vector<16xf32>
      %swap3A_412 = arith.index_cast %scan3A_346 : i32 to index
      %swap3A_413 = arith.constant 80 : index
      %swap3A_414 = tpu.vector_load %arg11[%swap3A_412, %swap3A_413] {strides = array<i32>} : memref<128x128xf32, #tpu.memory_space<vmem>>, vector<1x16xf32>,
      %swap3A_415 = vector.shape_cast %swap3A_414 : vector<1x16xf32> to vector<16xf32>
      %swap3A_416 = vector.shape_cast %mul3A_411 : vector<16xf32> to vector<1x16xf32>
      tpu.vector_store %arg11[%swap3A_412, %swap3A_413], %swap3A_416 {strides = array<i32>} : memref<128x128xf32, #tpu.memory_space<vmem>>, vector<1x16xf32>,
      %get3A_417 = arith.index_cast %scan3A_346 : i32 to index
      %get3A_418 = arith.constant 96 : index
      %get3A_419 = tpu.vector_load %arg7[%get3A_417, %get3A_418] {strides = array<i32>} : memref<128x128xf32, #tpu.memory_space<vmem>>, vector<1x16xf32>,
      %get3A_420 = vector.shape_cast %get3A_419 : vector<1x16xf32> to vector<16xf32>
      %mul3A_421 = arith.constant 11.3137083 : f32
      %mul3A_422 = vector.broadcast %mul3A_421 : f32 to vector<16xf32>
      %mul3A_423 = arith.mulf %get3A_420, %mul3A_422 : vector<16xf32>
      %swap3A_424 = arith.index_cast %scan3A_346 : i32 to index
      %swap3A_425 = arith.constant 96 : index
      %swap3A_426 = tpu.vector_load %arg11[%swap3A_424, %swap3A_425] {strides = array<i32>} : memref<128x128xf32, #tpu.memory_space<vmem>>, vector<1x16xf32>,
      %swap3A_427 = vector.shape_cast %swap3A_426 : vector<1x16xf32> to vector<16xf32>
      %swap3A_428 = vector.shape_cast %mul3A_423 : vector<16xf32> to vector<1x16xf32>
      tpu.vector_store %arg11[%swap3A_424, %swap3A_425], %swap3A_428 {strides = array<i32>} : memref<128x128xf32, #tpu.memory_space<vmem>>, vector<1x16xf32>,
      %get3A_429 = arith.index_cast %scan3A_346 : i32 to index
      %get3A_430 = arith.constant 112 : index
      %get3A_431 = tpu.vector_load %arg7[%get3A_429, %get3A_430] {strides = array<i32>} : memref<128x128xf32, #tpu.memory_space<vmem>>, vector<1x16xf32>,
      %get3A_432 = vector.shape_cast %get3A_431 : vector<1x16xf32> to vector<16xf32>
      %mul3A_433 = arith.constant 11.3137083 : f32
      %mul3A_434 = vector.broadcast %mul3A_433 : f32 to vector<16xf32>
      %mul3A_435 = arith.mulf %get3A_432, %mul3A_434 : vector<16xf32>
      %swap3A_436 = arith.index_cast %scan3A_346 : i32 to index
      %swap3A_437 = arith.constant 112 : index
      %swap3A_438 = tpu.vector_load %arg11[%swap3A_436, %swap3A_437] {strides = array<i32>} : memref<128x128xf32, #tpu.memory_space<vmem>>, vector<1x16xf32>,
      %swap3A_439 = vector.shape_cast %swap3A_438 : vector<1x16xf32> to vector<16xf32>
      %swap3A_440 = vector.shape_cast %mul3A_435 : vector<16xf32> to vector<1x16xf32>
      tpu.vector_store %arg11[%swap3A_436, %swap3A_437], %swap3A_440 {strides = array<i32>} : memref<128x128xf32, #tpu.memory_space<vmem>>, vector<1x16xf32>,
    }
    %scan3A_67 = arith.constant 128 : i32
    %dma_start3A_68 = arith.constant 1 : i32
    %dma_start3A_69 = arith.constant 0 : i32
    %dma_start3A_70 = tpu.memref_slice %arg4[%dma_start3A_68, %mul3A_2, %dma_start3A_69] : memref<50x4096x128xf32, #tpu.memory_space<hbm>> -> memref<1x128x128xf32, #tpu.memory_space<hbm>>
    %dma_start3A_71 = tpu.memref_squeeze %dma_start3A_70 : memref<1x128x128xf32, #tpu.memory_space<hbm>> -> memref<128x128xf32, #tpu.memory_space<hbm>>
    %dma_start3A_72 = arith.constant 0 : i32
    %dma_start3A_73 = tpu.memref_slice %arg4[%dma_start3A_68, %mul3A_2, %dma_start3A_72] : memref<50x4096x128xf32, #tpu.memory_space<hbm>> -> memref<1x128x128xf32, #tpu.memory_space<hbm>>
    %dma_start3A_74 = tpu.memref_squeeze %dma_start3A_73 : memref<1x128x128xf32, #tpu.memory_space<hbm>> -> memref<128x128xf32, #tpu.memory_space<hbm>>
    tpu.enqueue_dma source(%arg11 : memref<128x128xf32, #tpu.memory_space<vmem>>) target(%dma_start3A_74 : memref<128x128xf32, #tpu.memory_space<hbm>>) target_semaphore(%arg17 : memref<!tpu.dma_semaphore, #tpu.memory_space<semaphore_mem>>)
    %dma_start3A_75 = arith.constant 5 : i32
    %dma_start3A_76 = arith.constant 0 : i32
    %dma_start3A_77 = tpu.memref_slice %arg5[%dma_start3A_75, %dma_start3A_76] : memref<50x128xi32, #tpu.memory_space<vmem>> -> memref<1x128xi32, #tpu.memory_space<vmem>>
    %dma_start3A_78 = tpu.memref_squeeze %dma_start3A_77 : memref<1x128xi32, #tpu.memory_space<vmem>> -> memref<128xi32, #tpu.memory_space<vmem>>
    %dma_start3A_79 = arith.constant 0 : i32
    %dma_start3A_80 = arith.constant 0 : i32
    %dma_start3A_81 = tpu.memref_slice %arg3[%dma_start3A_79, %dma_start3A_80] : memref<100000x128xf32, #tpu.memory_space<hbm>> -> memref<100000x128xf32, #tpu.memory_space<hbm>>
    tpu.enqueue_indirect_dma source(%dma_start3A_81 : memref<100000x128xf32, #tpu.memory_space<hbm>>) target(%arg7 : memref<128x128xf32, #tpu.memory_space<vmem>>) offsets(%dma_start3A_78 : memref<128xi32, #tpu.memory_space<vmem>>) semaphore(%arg13 : memref<!tpu.dma_semaphore, #tpu.memory_space<semaphore_mem>>)
    %dma_wait3A_82 = arith.constant 2 : i32
    %dma_wait3A_83 = arith.constant 0 : i32
    %dma_wait3A_84 = tpu.memref_slice %arg5[%dma_wait3A_82, %dma_wait3A_83] : memref<50x128xi32, #tpu.memory_space<vmem>> -> memref<1x128xi32, #tpu.memory_space<vmem>>
    %dma_wait3A_85 = tpu.memref_squeeze %dma_wait3A_84 : memref<1x128xi32, #tpu.memory_space<vmem>> -> memref<128xi32, #tpu.memory_space<vmem>>
    %dma_wait3A_86 = arith.constant 0 : i32
    %dma_wait3A_87 = arith.constant 0 : i32
    %dma_wait3A_88 = tpu.memref_slice %arg3[%dma_wait3A_86, %dma_wait3A_87] : memref<100000x128xf32, #tpu.memory_space<hbm>> -> memref<100000x128xf32, #tpu.memory_space<hbm>>
    tpu.wait_indirect_dma semaphore(%arg14 : memref<!tpu.dma_semaphore, #tpu.memory_space<semaphore_mem>>) src(%dma_wait3A_88 : memref<100000x128xf32, #tpu.memory_space<hbm>>) dst(%arg8 : memref<128x128xf32, #tpu.memory_space<vmem>>)
    %dma_wait3A_89 = arith.constant 0 : i32
    %dma_wait3A_90 = arith.constant 0 : i32
    %dma_wait3A_91 = tpu.memref_slice %arg4[%dma_wait3A_89, %mul3A_2, %dma_wait3A_90] : memref<50x4096x128xf32, #tpu.memory_space<hbm>> -> memref<1x128x128xf32, #tpu.memory_space<hbm>>
    %dma_wait3A_92 = tpu.memref_squeeze %dma_wait3A_91 : memref<1x128x128xf32, #tpu.memory_space<hbm>> -> memref<128x128xf32, #tpu.memory_space<hbm>>
    %dma_wait3A_93 = arith.constant 0 : i32
    %dma_wait3A_94 = tpu.memref_slice %arg4[%dma_wait3A_89, %mul3A_2, %dma_wait3A_93] : memref<50x4096x128xf32, #tpu.memory_space<hbm>> -> memref<1x128x128xf32, #tpu.memory_space<hbm>>
    %dma_wait3A_95 = tpu.memref_squeeze %dma_wait3A_94 : memref<1x128x128xf32, #tpu.memory_space<hbm>> -> memref<128x128xf32, #tpu.memory_space<hbm>>
    tpu.wait_dma2 semaphore(%arg16 : memref<!tpu.dma_semaphore, #tpu.memory_space<semaphore_mem>>) src(%arg10 : memref<128x128xf32, #tpu.memory_space<vmem>>) dst(%dma_wait3A_95 : memref<128x128xf32, #tpu.memory_space<hbm>>)
    %scan3A_96 = arith.constant 0 : i32
    %scan3A_97 = arith.constant 0 : i32
    %scan3A_98 = arith.constant 128 : i32
    %scan3A_99 = arith.addi %scan3A_97, %scan3A_98 : i32
    %scan3A_100 = arith.constant 1 : i32
    scf.for %scan3A_346 = %scan3A_97 to %scan3A_99 step %scan3A_100  : i32 {
      %get3A = arith.index_cast %scan3A_346 : i32 to index
      %get3A_347 = arith.constant 0 : index
      %get3A_348 = tpu.vector_load %arg8[%get3A, %get3A_347] {strides = array<i32>} : memref<128x128xf32, #tpu.memory_space<vmem>>, vector<1x16xf32>,
      %get3A_349 = vector.shape_cast %get3A_348 : vector<1x16xf32> to vector<16xf32>
      %mul3A_350 = arith.constant 11.3137083 : f32
      %mul3A_351 = vector.broadcast %mul3A_350 : f32 to vector<16xf32>
      %mul3A_352 = arith.mulf %get3A_349, %mul3A_351 : vector<16xf32>
      %swap3A = arith.index_cast %scan3A_346 : i32 to index
      %swap3A_353 = arith.constant 0 : index
      %swap3A_354 = tpu.vector_load %arg10[%swap3A, %swap3A_353] {strides = array<i32>} : memref<128x128xf32, #tpu.memory_space<vmem>>, vector<1x16xf32>,
      %swap3A_355 = vector.shape_cast %swap3A_354 : vector<1x16xf32> to vector<16xf32>
      %swap3A_356 = vector.shape_cast %mul3A_352 : vector<16xf32> to vector<1x16xf32>
      tpu.vector_store %arg10[%swap3A, %swap3A_353], %swap3A_356 {strides = array<i32>} : memref<128x128xf32, #tpu.memory_space<vmem>>, vector<1x16xf32>,
      %get3A_357 = arith.index_cast %scan3A_346 : i32 to index
      %get3A_358 = arith.constant 16 : index
      %get3A_359 = tpu.vector_load %arg8[%get3A_357, %get3A_358] {strides = array<i32>} : memref<128x128xf32, #tpu.memory_space<vmem>>, vector<1x16xf32>,
      %get3A_360 = vector.shape_cast %get3A_359 : vector<1x16xf32> to vector<16xf32>
      %mul3A_361 = arith.constant 11.3137083 : f32
      %mul3A_362 = vector.broadcast %mul3A_361 : f32 to vector<16xf32>
      %mul3A_363 = arith.mulf %get3A_360, %mul3A_362 : vector<16xf32>
      %swap3A_364 = arith.index_cast %scan3A_346 : i32 to index
      %swap3A_365 = arith.constant 16 : index
      %swap3A_366 = tpu.vector_load %arg10[%swap3A_364, %swap3A_365] {strides = array<i32>} : memref<128x128xf32, #tpu.memory_space<vmem>>, vector<1x16xf32>,
      %swap3A_367 = vector.shape_cast %swap3A_366 : vector<1x16xf32> to vector<16xf32>
      %swap3A_368 = vector.shape_cast %mul3A_363 : vector<16xf32> to vector<1x16xf32>
      tpu.vector_store %arg10[%swap3A_364, %swap3A_365], %swap3A_368 {strides = array<i32>} : memref<128x128xf32, #tpu.memory_space<vmem>>, vector<1x16xf32>,
      %get3A_369 = arith.index_cast %scan3A_346 : i32 to index
      %get3A_370 = arith.constant 32 : index
      %get3A_371 = tpu.vector_load %arg8[%get3A_369, %get3A_370] {strides = array<i32>} : memref<128x128xf32, #tpu.memory_space<vmem>>, vector<1x16xf32>,
      %get3A_372 = vector.shape_cast %get3A_371 : vector<1x16xf32> to vector<16xf32>
      %mul3A_373 = arith.constant 11.3137083 : f32
      %mul3A_374 = vector.broadcast %mul3A_373 : f32 to vector<16xf32>
      %mul3A_375 = arith.mulf %get3A_372, %mul3A_374 : vector<16xf32>
      %swap3A_376 = arith.index_cast %scan3A_346 : i32 to index
      %swap3A_377 = arith.constant 32 : index
      %swap3A_378 = tpu.vector_load %arg10[%swap3A_376, %swap3A_377] {strides = array<i32>} : memref<128x128xf32, #tpu.memory_space<vmem>>, vector<1x16xf32>,
      %swap3A_379 = vector.shape_cast %swap3A_378 : vector<1x16xf32> to vector<16xf32>
      %swap3A_380 = vector.shape_cast %mul3A_375 : vector<16xf32> to vector<1x16xf32>
      tpu.vector_store %arg10[%swap3A_376, %swap3A_377], %swap3A_380 {strides = array<i32>} : memref<128x128xf32, #tpu.memory_space<vmem>>, vector<1x16xf32>,
      %get3A_381 = arith.index_cast %scan3A_346 : i32 to index
      %get3A_382 = arith.constant 48 : index
      %get3A_383 = tpu.vector_load %arg8[%get3A_381, %get3A_382] {strides = array<i32>} : memref<128x128xf32, #tpu.memory_space<vmem>>, vector<1x16xf32>,
      %get3A_384 = vector.shape_cast %get3A_383 : vector<1x16xf32> to vector<16xf32>
      %mul3A_385 = arith.constant 11.3137083 : f32
      %mul3A_386 = vector.broadcast %mul3A_385 : f32 to vector<16xf32>
      %mul3A_387 = arith.mulf %get3A_384, %mul3A_386 : vector<16xf32>
      %swap3A_388 = arith.index_cast %scan3A_346 : i32 to index
      %swap3A_389 = arith.constant 48 : index
      %swap3A_390 = tpu.vector_load %arg10[%swap3A_388, %swap3A_389] {strides = array<i32>} : memref<128x128xf32, #tpu.memory_space<vmem>>, vector<1x16xf32>,
      %swap3A_391 = vector.shape_cast %swap3A_390 : vector<1x16xf32> to vector<16xf32>
      %swap3A_392 = vector.shape_cast %mul3A_387 : vector<16xf32> to vector<1x16xf32>
      tpu.vector_store %arg10[%swap3A_388, %swap3A_389], %swap3A_392 {strides = array<i32>} : memref<128x128xf32, #tpu.memory_space<vmem>>, vector<1x16xf32>,
      %get3A_393 = arith.index_cast %scan3A_346 : i32 to index
      %get3A_394 = arith.constant 64 : index
      %get3A_395 = tpu.vector_load %arg8[%get3A_393, %get3A_394] {strides = array<i32>} : memref<128x128xf32, #tpu.memory_space<vmem>>, vector<1x16xf32>,
      %get3A_396 = vector.shape_cast %get3A_395 : vector<1x16xf32> to vector<16xf32>
      %mul3A_397 = arith.constant 11.3137083 : f32
      %mul3A_398 = vector.broadcast %mul3A_397 : f32 to vector<16xf32>
      %mul3A_399 = arith.mulf %get3A_396, %mul3A_398 : vector<16xf32>
      %swap3A_400 = arith.index_cast %scan3A_346 : i32 to index
      %swap3A_401 = arith.constant 64 : index
      %swap3A_402 = tpu.vector_load %arg10[%swap3A_400, %swap3A_401] {strides = array<i32>} : memref<128x128xf32, #tpu.memory_space<vmem>>, vector<1x16xf32>,
      %swap3A_403 = vector.shape_cast %swap3A_402 : vector<1x16xf32> to vector<16xf32>
      %swap3A_404 = vector.shape_cast %mul3A_399 : vector<16xf32> to vector<1x16xf32>
      tpu.vector_store %arg10[%swap3A_400, %swap3A_401], %swap3A_404 {strides = array<i32>} : memref<128x128xf32, #tpu.memory_space<vmem>>, vector<1x16xf32>,
      %get3A_405 = arith.index_cast %scan3A_346 : i32 to index
      %get3A_406 = arith.constant 80 : index
      %get3A_407 = tpu.vector_load %arg8[%get3A_405, %get3A_406] {strides = array<i32>} : memref<128x128xf32, #tpu.memory_space<vmem>>, vector<1x16xf32>,
      %get3A_408 = vector.shape_cast %get3A_407 : vector<1x16xf32> to vector<16xf32>
      %mul3A_409 = arith.constant 11.3137083 : f32
      %mul3A_410 = vector.broadcast %mul3A_409 : f32 to vector<16xf32>
      %mul3A_411 = arith.mulf %get3A_408, %mul3A_410 : vector<16xf32>
      %swap3A_412 = arith.index_cast %scan3A_346 : i32 to index
      %swap3A_413 = arith.constant 80 : index
      %swap3A_414 = tpu.vector_load %arg10[%swap3A_412, %swap3A_413] {strides = array<i32>} : memref<128x128xf32, #tpu.memory_space<vmem>>, vector<1x16xf32>,
      %swap3A_415 = vector.shape_cast %swap3A_414 : vector<1x16xf32> to vector<16xf32>
      %swap3A_416 = vector.shape_cast %mul3A_411 : vector<16xf32> to vector<1x16xf32>
      tpu.vector_store %arg10[%swap3A_412, %swap3A_413], %swap3A_416 {strides = array<i32>} : memref<128x128xf32, #tpu.memory_space<vmem>>, vector<1x16xf32>,
      %get3A_417 = arith.index_cast %scan3A_346 : i32 to index
      %get3A_418 = arith.constant 96 : index
      %get3A_419 = tpu.vector_load %arg8[%get3A_417, %get3A_418] {strides = array<i32>} : memref<128x128xf32, #tpu.memory_space<vmem>>, vector<1x16xf32>,
      %get3A_420 = vector.shape_cast %get3A_419 : vector<1x16xf32> to vector<16xf32>
      %mul3A_421 = arith.constant 11.3137083 : f32
      %mul3A_422 = vector.broadcast %mul3A_421 : f32 to vector<16xf32>
      %mul3A_423 = arith.mulf %get3A_420, %mul3A_422 : vector<16xf32>
      %swap3A_424 = arith.index_cast %scan3A_346 : i32 to index
      %swap3A_425 = arith.constant 96 : index
      %swap3A_426 = tpu.vector_load %arg10[%swap3A_424, %swap3A_425] {strides = array<i32>} : memref<128x128xf32, #tpu.memory_space<vmem>>, vector<1x16xf32>,
      %swap3A_427 = vector.shape_cast %swap3A_426 : vector<1x16xf32> to vector<16xf32>
      %swap3A_428 = vector.shape_cast %mul3A_423 : vector<16xf32> to vector<1x16xf32>
      tpu.vector_store %arg10[%swap3A_424, %swap3A_425], %swap3A_428 {strides = array<i32>} : memref<128x128xf32, #tpu.memory_space<vmem>>, vector<1x16xf32>,
      %get3A_429 = arith.index_cast %scan3A_346 : i32 to index
      %get3A_430 = arith.constant 112 : index
      %get3A_431 = tpu.vector_load %arg8[%get3A_429, %get3A_430] {strides = array<i32>} : memref<128x128xf32, #tpu.memory_space<vmem>>, vector<1x16xf32>,
      %get3A_432 = vector.shape_cast %get3A_431 : vector<1x16xf32> to vector<16xf32>
      %mul3A_433 = arith.constant 11.3137083 : f32
      %mul3A_434 = vector.broadcast %mul3A_433 : f32 to vector<16xf32>
      %mul3A_435 = arith.mulf %get3A_432, %mul3A_434 : vector<16xf32>
      %swap3A_436 = arith.index_cast %scan3A_346 : i32 to index
      %swap3A_437 = arith.constant 112 : index
      %swap3A_438 = tpu.vector_load %arg10[%swap3A_436, %swap3A_437] {strides = array<i32>} : memref<128x128xf32, #tpu.memory_space<vmem>>, vector<1x16xf32>,
      %swap3A_439 = vector.shape_cast %swap3A_438 : vector<1x16xf32> to vector<16xf32>
      %swap3A_440 = vector.shape_cast %mul3A_435 : vector<16xf32> to vector<1x16xf32>
      tpu.vector_store %arg10[%swap3A_436, %swap3A_437], %swap3A_440 {strides = array<i32>} : memref<128x128xf32, #tpu.memory_space<vmem>>, vector<1x16xf32>,
    }
    %scan3A_101 = arith.constant 128 : i32
    %dma_start3A_102 = arith.constant 2 : i32
    %dma_start3A_103 = arith.constant 0 : i32
    %dma_start3A_104 = tpu.memref_slice %arg4[%dma_start3A_102, %mul3A_2, %dma_start3A_103] : memref<50x4096x128xf32, #tpu.memory_space<hbm>> -> memref<1x128x128xf32, #tpu.memory_space<hbm>>
    %dma_start3A_105 = tpu.memref_squeeze %dma_start3A_104 : memref<1x128x128xf32, #tpu.memory_space<hbm>> -> memref<128x128xf32, #tpu.memory_space<hbm>>
    %dma_start3A_106 = arith.constant 0 : i32
    %dma_start3A_107 = tpu.memref_slice %arg4[%dma_start3A_102, %mul3A_2, %dma_start3A_106] : memref<50x4096x128xf32, #tpu.memory_space<hbm>> -> memref<1x128x128xf32, #tpu.memory_space<hbm>>
    %dma_start3A_108 = tpu.memref_squeeze %dma_start3A_107 : memref<1x128x128xf32, #tpu.memory_space<hbm>> -> memref<128x128xf32, #tpu.memory_space<hbm>>
    tpu.enqueue_dma source(%arg10 : memref<128x128xf32, #tpu.memory_space<vmem>>) target(%dma_start3A_108 : memref<128x128xf32, #tpu.memory_space<hbm>>) target_semaphore(%arg16 : memref<!tpu.dma_semaphore, #tpu.memory_space<semaphore_mem>>)
    %dma_start3A_109 = arith.constant 6 : i32
    %dma_start3A_110 = arith.constant 0 : i32
    %dma_start3A_111 = tpu.memref_slice %arg5[%dma_start3A_109, %dma_start3A_110] : memref<50x128xi32, #tpu.memory_space<vmem>> -> memref<1x128xi32, #tpu.memory_space<vmem>>
    %dma_start3A_112 = tpu.memref_squeeze %dma_start3A_111 : memref<1x128xi32, #tpu.memory_space<vmem>> -> memref<128xi32, #tpu.memory_space<vmem>>
    %dma_start3A_113 = arith.constant 0 : i32
    %dma_start3A_114 = arith.constant 0 : i32
    %dma_start3A_115 = tpu.memref_slice %arg3[%dma_start3A_113, %dma_start3A_114] : memref<100000x128xf32, #tpu.memory_space<hbm>> -> memref<100000x128xf32, #tpu.memory_space<hbm>>
    tpu.enqueue_indirect_dma source(%dma_start3A_115 : memref<100000x128xf32, #tpu.memory_space<hbm>>) target(%arg8 : memref<128x128xf32, #tpu.memory_space<vmem>>) offsets(%dma_start3A_112 : memref<128xi32, #tpu.memory_space<vmem>>) semaphore(%arg14 : memref<!tpu.dma_semaphore, #tpu.memory_space<semaphore_mem>>)
    %dma_wait3A_116 = arith.constant 3 : i32
    %dma_wait3A_117 = arith.constant 0 : i32
    %dma_wait3A_118 = tpu.memref_slice %arg5[%dma_wait3A_116, %dma_wait3A_117] : memref<50x128xi32, #tpu.memory_space<vmem>> -> memref<1x128xi32, #tpu.memory_space<vmem>>
    %dma_wait3A_119 = tpu.memref_squeeze %dma_wait3A_118 : memref<1x128xi32, #tpu.memory_space<vmem>> -> memref<128xi32, #tpu.memory_space<vmem>>
    %dma_wait3A_120 = arith.constant 0 : i32
    %dma_wait3A_121 = arith.constant 0 : i32
    %dma_wait3A_122 = tpu.memref_slice %arg3[%dma_wait3A_120, %dma_wait3A_121] : memref<100000x128xf32, #tpu.memory_space<hbm>> -> memref<100000x128xf32, #tpu.memory_space<hbm>>
    tpu.wait_indirect_dma semaphore(%arg15 : memref<!tpu.dma_semaphore, #tpu.memory_space<semaphore_mem>>) src(%dma_wait3A_122 : memref<100000x128xf32, #tpu.memory_space<hbm>>) dst(%arg9 : memref<128x128xf32, #tpu.memory_space<vmem>>)
    %dma_wait3A_123 = arith.constant 1 : i32
    %dma_wait3A_124 = arith.constant 0 : i32
    %dma_wait3A_125 = tpu.memref_slice %arg4[%dma_wait3A_123, %mul3A_2, %dma_wait3A_124] : memref<50x4096x128xf32, #tpu.memory_space<hbm>> -> memref<1x128x128xf32, #tpu.memory_space<hbm>>
    %dma_wait3A_126 = tpu.memref_squeeze %dma_wait3A_125 : memref<1x128x128xf32, #tpu.memory_space<hbm>> -> memref<128x128xf32, #tpu.memory_space<hbm>>
    %dma_wait3A_127 = arith.constant 0 : i32
    %dma_wait3A_128 = tpu.memref_slice %arg4[%dma_wait3A_123, %mul3A_2, %dma_wait3A_127] : memref<50x4096x128xf32, #tpu.memory_space<hbm>> -> memref<1x128x128xf32, #tpu.memory_space<hbm>>
    %dma_wait3A_129 = tpu.memref_squeeze %dma_wait3A_128 : memref<1x128x128xf32, #tpu.memory_space<hbm>> -> memref<128x128xf32, #tpu.memory_space<hbm>>
    tpu.wait_dma2 semaphore(%arg17 : memref<!tpu.dma_semaphore, #tpu.memory_space<semaphore_mem>>) src(%arg11 : memref<128x128xf32, #tpu.memory_space<vmem>>) dst(%dma_wait3A_129 : memref<128x128xf32, #tpu.memory_space<hbm>>)
    %scan3A_130 = arith.constant 0 : i32
    %scan3A_131 = arith.constant 0 : i32
    %scan3A_132 = arith.constant 128 : i32
    %scan3A_133 = arith.addi %scan3A_131, %scan3A_132 : i32
    %scan3A_134 = arith.constant 1 : i32
    scf.for %scan3A_346 = %scan3A_131 to %scan3A_133 step %scan3A_134  : i32 {
      %get3A = arith.index_cast %scan3A_346 : i32 to index
      %get3A_347 = arith.constant 0 : index
      %get3A_348 = tpu.vector_load %arg9[%get3A, %get3A_347] {strides = array<i32>} : memref<128x128xf32, #tpu.memory_space<vmem>>, vector<1x16xf32>,
      %get3A_349 = vector.shape_cast %get3A_348 : vector<1x16xf32> to vector<16xf32>
      %mul3A_350 = arith.constant 11.3137083 : f32
      %mul3A_351 = vector.broadcast %mul3A_350 : f32 to vector<16xf32>
      %mul3A_352 = arith.mulf %get3A_349, %mul3A_351 : vector<16xf32>
      %swap3A = arith.index_cast %scan3A_346 : i32 to index
      %swap3A_353 = arith.constant 0 : index
      %swap3A_354 = tpu.vector_load %arg11[%swap3A, %swap3A_353] {strides = array<i32>} : memref<128x128xf32, #tpu.memory_space<vmem>>, vector<1x16xf32>,
      %swap3A_355 = vector.shape_cast %swap3A_354 : vector<1x16xf32> to vector<16xf32>
      %swap3A_356 = vector.shape_cast %mul3A_352 : vector<16xf32> to vector<1x16xf32>
      tpu.vector_store %arg11[%swap3A, %swap3A_353], %swap3A_356 {strides = array<i32>} : memref<128x128xf32, #tpu.memory_space<vmem>>, vector<1x16xf32>,
      %get3A_357 = arith.index_cast %scan3A_346 : i32 to index
      %get3A_358 = arith.constant 16 : index
      %get3A_359 = tpu.vector_load %arg9[%get3A_357, %get3A_358] {strides = array<i32>} : memref<128x128xf32, #tpu.memory_space<vmem>>, vector<1x16xf32>,
      %get3A_360 = vector.shape_cast %get3A_359 : vector<1x16xf32> to vector<16xf32>
      %mul3A_361 = arith.constant 11.3137083 : f32
      %mul3A_362 = vector.broadcast %mul3A_361 : f32 to vector<16xf32>
      %mul3A_363 = arith.mulf %get3A_360, %mul3A_362 : vector<16xf32>
      %swap3A_364 = arith.index_cast %scan3A_346 : i32 to index
      %swap3A_365 = arith.constant 16 : index
      %swap3A_366 = tpu.vector_load %arg11[%swap3A_364, %swap3A_365] {strides = array<i32>} : memref<128x128xf32, #tpu.memory_space<vmem>>, vector<1x16xf32>,
      %swap3A_367 = vector.shape_cast %swap3A_366 : vector<1x16xf32> to vector<16xf32>
      %swap3A_368 = vector.shape_cast %mul3A_363 : vector<16xf32> to vector<1x16xf32>
      tpu.vector_store %arg11[%swap3A_364, %swap3A_365], %swap3A_368 {strides = array<i32>} : memref<128x128xf32, #tpu.memory_space<vmem>>, vector<1x16xf32>,
      %get3A_369 = arith.index_cast %scan3A_346 : i32 to index
      %get3A_370 = arith.constant 32 : index
      %get3A_371 = tpu.vector_load %arg9[%get3A_369, %get3A_370] {strides = array<i32>} : memref<128x128xf32, #tpu.memory_space<vmem>>, vector<1x16xf32>,
      %get3A_372 = vector.shape_cast %get3A_371 : vector<1x16xf32> to vector<16xf32>
      %mul3A_373 = arith.constant 11.3137083 : f32
      %mul3A_374 = vector.broadcast %mul3A_373 : f32 to vector<16xf32>
      %mul3A_375 = arith.mulf %get3A_372, %mul3A_374 : vector<16xf32>
      %swap3A_376 = arith.index_cast %scan3A_346 : i32 to index
      %swap3A_377 = arith.constant 32 : index
      %swap3A_378 = tpu.vector_load %arg11[%swap3A_376, %swap3A_377] {strides = array<i32>} : memref<128x128xf32, #tpu.memory_space<vmem>>, vector<1x16xf32>,
      %swap3A_379 = vector.shape_cast %swap3A_378 : vector<1x16xf32> to vector<16xf32>
      %swap3A_380 = vector.shape_cast %mul3A_375 : vector<16xf32> to vector<1x16xf32>
      tpu.vector_store %arg11[%swap3A_376, %swap3A_377], %swap3A_380 {strides = array<i32>} : memref<128x128xf32, #tpu.memory_space<vmem>>, vector<1x16xf32>,
      %get3A_381 = arith.index_cast %scan3A_346 : i32 to index
      %get3A_382 = arith.constant 48 : index
      %get3A_383 = tpu.vector_load %arg9[%get3A_381, %get3A_382] {strides = array<i32>} : memref<128x128xf32, #tpu.memory_space<vmem>>, vector<1x16xf32>,
      %get3A_384 = vector.shape_cast %get3A_383 : vector<1x16xf32> to vector<16xf32>
      %mul3A_385 = arith.constant 11.3137083 : f32
      %mul3A_386 = vector.broadcast %mul3A_385 : f32 to vector<16xf32>
      %mul3A_387 = arith.mulf %get3A_384, %mul3A_386 : vector<16xf32>
      %swap3A_388 = arith.index_cast %scan3A_346 : i32 to index
      %swap3A_389 = arith.constant 48 : index
      %swap3A_390 = tpu.vector_load %arg11[%swap3A_388, %swap3A_389] {strides = array<i32>} : memref<128x128xf32, #tpu.memory_space<vmem>>, vector<1x16xf32>,
      %swap3A_391 = vector.shape_cast %swap3A_390 : vector<1x16xf32> to vector<16xf32>
      %swap3A_392 = vector.shape_cast %mul3A_387 : vector<16xf32> to vector<1x16xf32>
      tpu.vector_store %arg11[%swap3A_388, %swap3A_389], %swap3A_392 {strides = array<i32>} : memref<128x128xf32, #tpu.memory_space<vmem>>, vector<1x16xf32>,
      %get3A_393 = arith.index_cast %scan3A_346 : i32 to index
      %get3A_394 = arith.constant 64 : index
      %get3A_395 = tpu.vector_load %arg9[%get3A_393, %get3A_394] {strides = array<i32>} : memref<128x128xf32, #tpu.memory_space<vmem>>, vector<1x16xf32>,
      %get3A_396 = vector.shape_cast %get3A_395 : vector<1x16xf32> to vector<16xf32>
      %mul3A_397 = arith.constant 11.3137083 : f32
      %mul3A_398 = vector.broadcast %mul3A_397 : f32 to vector<16xf32>
      %mul3A_399 = arith.mulf %get3A_396, %mul3A_398 : vector<16xf32>
      %swap3A_400 = arith.index_cast %scan3A_346 : i32 to index
      %swap3A_401 = arith.constant 64 : index
      %swap3A_402 = tpu.vector_load %arg11[%swap3A_400, %swap3A_401] {strides = array<i32>} : memref<128x128xf32, #tpu.memory_space<vmem>>, vector<1x16xf32>,
      %swap3A_403 = vector.shape_cast %swap3A_402 : vector<1x16xf32> to vector<16xf32>
      %swap3A_404 = vector.shape_cast %mul3A_399 : vector<16xf32> to vector<1x16xf32>
      tpu.vector_store %arg11[%swap3A_400, %swap3A_401], %swap3A_404 {strides = array<i32>} : memref<128x128xf32, #tpu.memory_space<vmem>>, vector<1x16xf32>,
      %get3A_405 = arith.index_cast %scan3A_346 : i32 to index
      %get3A_406 = arith.constant 80 : index
      %get3A_407 = tpu.vector_load %arg9[%get3A_405, %get3A_406] {strides = array<i32>} : memref<128x128xf32, #tpu.memory_space<vmem>>, vector<1x16xf32>,
      %get3A_408 = vector.shape_cast %get3A_407 : vector<1x16xf32> to vector<16xf32>
      %mul3A_409 = arith.constant 11.3137083 : f32
      %mul3A_410 = vector.broadcast %mul3A_409 : f32 to vector<16xf32>
      %mul3A_411 = arith.mulf %get3A_408, %mul3A_410 : vector<16xf32>
      %swap3A_412 = arith.index_cast %scan3A_346 : i32 to index
      %swap3A_413 = arith.constant 80 : index
      %swap3A_414 = tpu.vector_load %arg11[%swap3A_412, %swap3A_413] {strides = array<i32>} : memref<128x128xf32, #tpu.memory_space<vmem>>, vector<1x16xf32>,
      %swap3A_415 = vector.shape_cast %swap3A_414 : vector<1x16xf32> to vector<16xf32>
      %swap3A_416 = vector.shape_cast %mul3A_411 : vector<16xf32> to vector<1x16xf32>
      tpu.vector_store %arg11[%swap3A_412, %swap3A_413], %swap3A_416 {strides = array<i32>} : memref<128x128xf32, #tpu.memory_space<vmem>>, vector<1x16xf32>,
      %get3A_417 = arith.index_cast %scan3A_346 : i32 to index
      %get3A_418 = arith.constant 96 : index
      %get3A_419 = tpu.vector_load %arg9[%get3A_417, %get3A_418] {strides = array<i32>} : memref<128x128xf32, #tpu.memory_space<vmem>>, vector<1x16xf32>,
      %get3A_420 = vector.shape_cast %get3A_419 : vector<1x16xf32> to vector<16xf32>
      %mul3A_421 = arith.constant 11.3137083 : f32
      %mul3A_422 = vector.broadcast %mul3A_421 : f32 to vector<16xf32>
      %mul3A_423 = arith.mulf %get3A_420, %mul3A_422 : vector<16xf32>
      %swap3A_424 = arith.index_cast %scan3A_346 : i32 to index
      %swap3A_425 = arith.constant 96 : index
      %swap3A_426 = tpu.vector_load %arg11[%swap3A_424, %swap3A_425] {strides = array<i32>} : memref<128x128xf32, #tpu.memory_space<vmem>>, vector<1x16xf32>,
      %swap3A_427 = vector.shape_cast %swap3A_426 : vector<1x16xf32> to vector<16xf32>
      %swap3A_428 = vector.shape_cast %mul3A_423 : vector<16xf32> to vector<1x16xf32>
      tpu.vector_store %arg11[%swap3A_424, %swap3A_425], %swap3A_428 {strides = array<i32>} : memref<128x128xf32, #tpu.memory_space<vmem>>, vector<1x16xf32>,
      %get3A_429 = arith.index_cast %scan3A_346 : i32 to index
      %get3A_430 = arith.constant 112 : index
      %get3A_431 = tpu.vector_load %arg9[%get3A_429, %get3A_430] {strides = array<i32>} : memref<128x128xf32, #tpu.memory_space<vmem>>, vector<1x16xf32>,
      %get3A_432 = vector.shape_cast %get3A_431 : vector<1x16xf32> to vector<16xf32>
      %mul3A_433 = arith.constant 11.3137083 : f32
      %mul3A_434 = vector.broadcast %mul3A_433 : f32 to vector<16xf32>
      %mul3A_435 = arith.mulf %get3A_432, %mul3A_434 : vector<16xf32>
      %swap3A_436 = arith.index_cast %scan3A_346 : i32 to index
      %swap3A_437 = arith.constant 112 : index
      %swap3A_438 = tpu.vector_load %arg11[%swap3A_436, %swap3A_437] {strides = array<i32>} : memref<128x128xf32, #tpu.memory_space<vmem>>, vector<1x16xf32>,
      %swap3A_439 = vector.shape_cast %swap3A_438 : vector<1x16xf32> to vector<16xf32>
      %swap3A_440 = vector.shape_cast %mul3A_435 : vector<16xf32> to vector<1x16xf32>
      tpu.vector_store %arg11[%swap3A_436, %swap3A_437], %swap3A_440 {strides = array<i32>} : memref<128x128xf32, #tpu.memory_space<vmem>>, vector<1x16xf32>,
    }
    %scan3A_135 = arith.constant 128 : i32
    %dma_start3A_136 = arith.constant 3 : i32
    %dma_start3A_137 = arith.constant 0 : i32
    %dma_start3A_138 = tpu.memref_slice %arg4[%dma_start3A_136, %mul3A_2, %dma_start3A_137] : memref<50x4096x128xf32, #tpu.memory_space<hbm>> -> memref<1x128x128xf32, #tpu.memory_space<hbm>>
    %dma_start3A_139 = tpu.memref_squeeze %dma_start3A_138 : memref<1x128x128xf32, #tpu.memory_space<hbm>> -> memref<128x128xf32, #tpu.memory_space<hbm>>
    %dma_start3A_140 = arith.constant 0 : i32
    %dma_start3A_141 = tpu.memref_slice %arg4[%dma_start3A_136, %mul3A_2, %dma_start3A_140] : memref<50x4096x128xf32, #tpu.memory_space<hbm>> -> memref<1x128x128xf32, #tpu.memory_space<hbm>>
    %dma_start3A_142 = tpu.memref_squeeze %dma_start3A_141 : memref<1x128x128xf32, #tpu.memory_space<hbm>> -> memref<128x128xf32, #tpu.memory_space<hbm>>
    tpu.enqueue_dma source(%arg11 : memref<128x128xf32, #tpu.memory_space<vmem>>) target(%dma_start3A_142 : memref<128x128xf32, #tpu.memory_space<hbm>>) target_semaphore(%arg17 : memref<!tpu.dma_semaphore, #tpu.memory_space<semaphore_mem>>)
    %dma_start3A_143 = arith.constant 7 : i32
    %dma_start3A_144 = arith.constant 0 : i32
    %dma_start3A_145 = tpu.memref_slice %arg5[%dma_start3A_143, %dma_start3A_144] : memref<50x128xi32, #tpu.memory_space<vmem>> -> memref<1x128xi32, #tpu.memory_space<vmem>>
    %dma_start3A_146 = tpu.memref_squeeze %dma_start3A_145 : memref<1x128xi32, #tpu.memory_space<vmem>> -> memref<128xi32, #tpu.memory_space<vmem>>
    %dma_start3A_147 = arith.constant 0 : i32
    %dma_start3A_148 = arith.constant 0 : i32
    %dma_start3A_149 = tpu.memref_slice %arg3[%dma_start3A_147, %dma_start3A_148] : memref<100000x128xf32, #tpu.memory_space<hbm>> -> memref<100000x128xf32, #tpu.memory_space<hbm>>
    tpu.enqueue_indirect_dma source(%dma_start3A_149 : memref<100000x128xf32, #tpu.memory_space<hbm>>) target(%arg9 : memref<128x128xf32, #tpu.memory_space<vmem>>) offsets(%dma_start3A_146 : memref<128xi32, #tpu.memory_space<vmem>>) semaphore(%arg15 : memref<!tpu.dma_semaphore, #tpu.memory_space<semaphore_mem>>)
    %scan3A_150 = arith.constant 0 : i32
    %scan3A_151 = arith.constant 1 : i32
    %scan3A_152 = arith.constant 10 : i32
    %scan3A_153 = arith.addi %scan3A_151, %scan3A_152 : i32
    %scan3A_154 = arith.constant 1 : i32
    scf.for %scan3A_346 = %scan3A_151 to %scan3A_153 step %scan3A_154  : i32 {
      %mul3A_347 = arith.constant 4 : i32
      %mul3A_348 = arith.muli %mul3A_347, %scan3A_346 : i32
      %add3A_349 = arith.constant 0 : i32
      %add3A_350 = arith.addi %mul3A_348, %add3A_349 : i32
      %dma_wait3A_351 = arith.constant 0 : i32
      %dma_wait3A_352 = tpu.memref_slice %arg5[%add3A_350, %dma_wait3A_351] : memref<50x128xi32, #tpu.memory_space<vmem>> -> memref<1x128xi32, #tpu.memory_space<vmem>>
      %dma_wait3A_353 = tpu.memref_squeeze %dma_wait3A_352 : memref<1x128xi32, #tpu.memory_space<vmem>> -> memref<128xi32, #tpu.memory_space<vmem>>
      %dma_wait3A_354 = arith.constant 0 : i32
      %dma_wait3A_355 = arith.constant 0 : i32
      %dma_wait3A_356 = tpu.memref_slice %arg3[%dma_wait3A_354, %dma_wait3A_355] : memref<100000x128xf32, #tpu.memory_space<hbm>> -> memref<100000x128xf32, #tpu.memory_space<hbm>>
      tpu.wait_indirect_dma semaphore(%arg12 : memref<!tpu.dma_semaphore, #tpu.memory_space<semaphore_mem>>) src(%dma_wait3A_356 : memref<100000x128xf32, #tpu.memory_space<hbm>>) dst(%arg6 : memref<128x128xf32, #tpu.memory_space<vmem>>)
      %sub3A = arith.constant 2 : i32
      %sub3A_357 = arith.subi %add3A_350, %sub3A : i32
      %dma_wait3A_358 = arith.constant 0 : i32
      %dma_wait3A_359 = tpu.memref_slice %arg4[%sub3A_357, %mul3A_2, %dma_wait3A_358] : memref<50x4096x128xf32, #tpu.memory_space<hbm>> -> memref<1x128x128xf32, #tpu.memory_space<hbm>>
      %dma_wait3A_360 = tpu.memref_squeeze %dma_wait3A_359 : memref<1x128x128xf32, #tpu.memory_space<hbm>> -> memref<128x128xf32, #tpu.memory_space<hbm>>
      %dma_wait3A_361 = arith.constant 0 : i32
      %dma_wait3A_362 = tpu.memref_slice %arg4[%sub3A_357, %mul3A_2, %dma_wait3A_361] : memref<50x4096x128xf32, #tpu.memory_space<hbm>> -> memref<1x128x128xf32, #tpu.memory_space<hbm>>
      %dma_wait3A_363 = tpu.memref_squeeze %dma_wait3A_362 : memref<1x128x128xf32, #tpu.memory_space<hbm>> -> memref<128x128xf32, #tpu.memory_space<hbm>>
      tpu.wait_dma2 semaphore(%arg16 : memref<!tpu.dma_semaphore, #tpu.memory_space<semaphore_mem>>) src(%arg10 : memref<128x128xf32, #tpu.memory_space<vmem>>) dst(%dma_wait3A_363 : memref<128x128xf32, #tpu.memory_space<hbm>>)
      %scan3A_364 = arith.constant 0 : i32
      %scan3A_365 = arith.constant 0 : i32
      %scan3A_366 = arith.constant 128 : i32
      %scan3A_367 = arith.addi %scan3A_365, %scan3A_366 : i32
      %scan3A_368 = arith.constant 1 : i32
      scf.for %scan3A_498 = %scan3A_365 to %scan3A_367 step %scan3A_368  : i32 {
        %get3A = arith.index_cast %scan3A_498 : i32 to index
        %get3A_499 = arith.constant 0 : index
        %get3A_500 = tpu.vector_load %arg6[%get3A, %get3A_499] {strides = array<i32>} : memref<128x128xf32, #tpu.memory_space<vmem>>, vector<1x16xf32>,
        %get3A_501 = vector.shape_cast %get3A_500 : vector<1x16xf32> to vector<16xf32>
        %mul3A_502 = arith.constant 11.3137083 : f32
        %mul3A_503 = vector.broadcast %mul3A_502 : f32 to vector<16xf32>
        %mul3A_504 = arith.mulf %get3A_501, %mul3A_503 : vector<16xf32>
        %swap3A = arith.index_cast %scan3A_498 : i32 to index
        %swap3A_505 = arith.constant 0 : index
        %swap3A_506 = tpu.vector_load %arg10[%swap3A, %swap3A_505] {strides = array<i32>} : memref<128x128xf32, #tpu.memory_space<vmem>>, vector<1x16xf32>,
        %swap3A_507 = vector.shape_cast %swap3A_506 : vector<1x16xf32> to vector<16xf32>
        %swap3A_508 = vector.shape_cast %mul3A_504 : vector<16xf32> to vector<1x16xf32>
        tpu.vector_store %arg10[%swap3A, %swap3A_505], %swap3A_508 {strides = array<i32>} : memref<128x128xf32, #tpu.memory_space<vmem>>, vector<1x16xf32>,
        %get3A_509 = arith.index_cast %scan3A_498 : i32 to index
        %get3A_510 = arith.constant 16 : index
        %get3A_511 = tpu.vector_load %arg6[%get3A_509, %get3A_510] {strides = array<i32>} : memref<128x128xf32, #tpu.memory_space<vmem>>, vector<1x16xf32>,
        %get3A_512 = vector.shape_cast %get3A_511 : vector<1x16xf32> to vector<16xf32>
        %mul3A_513 = arith.constant 11.3137083 : f32
        %mul3A_514 = vector.broadcast %mul3A_513 : f32 to vector<16xf32>
        %mul3A_515 = arith.mulf %get3A_512, %mul3A_514 : vector<16xf32>
        %swap3A_516 = arith.index_cast %scan3A_498 : i32 to index
        %swap3A_517 = arith.constant 16 : index
        %swap3A_518 = tpu.vector_load %arg10[%swap3A_516, %swap3A_517] {strides = array<i32>} : memref<128x128xf32, #tpu.memory_space<vmem>>, vector<1x16xf32>,
        %swap3A_519 = vector.shape_cast %swap3A_518 : vector<1x16xf32> to vector<16xf32>
        %swap3A_520 = vector.shape_cast %mul3A_515 : vector<16xf32> to vector<1x16xf32>
        tpu.vector_store %arg10[%swap3A_516, %swap3A_517], %swap3A_520 {strides = array<i32>} : memref<128x128xf32, #tpu.memory_space<vmem>>, vector<1x16xf32>,
        %get3A_521 = arith.index_cast %scan3A_498 : i32 to index
        %get3A_522 = arith.constant 32 : index
        %get3A_523 = tpu.vector_load %arg6[%get3A_521, %get3A_522] {strides = array<i32>} : memref<128x128xf32, #tpu.memory_space<vmem>>, vector<1x16xf32>,
        %get3A_524 = vector.shape_cast %get3A_523 : vector<1x16xf32> to vector<16xf32>
        %mul3A_525 = arith.constant 11.3137083 : f32
        %mul3A_526 = vector.broadcast %mul3A_525 : f32 to vector<16xf32>
        %mul3A_527 = arith.mulf %get3A_524, %mul3A_526 : vector<16xf32>
        %swap3A_528 = arith.index_cast %scan3A_498 : i32 to index
        %swap3A_529 = arith.constant 32 : index
        %swap3A_530 = tpu.vector_load %arg10[%swap3A_528, %swap3A_529] {strides = array<i32>} : memref<128x128xf32, #tpu.memory_space<vmem>>, vector<1x16xf32>,
        %swap3A_531 = vector.shape_cast %swap3A_530 : vector<1x16xf32> to vector<16xf32>
        %swap3A_532 = vector.shape_cast %mul3A_527 : vector<16xf32> to vector<1x16xf32>
        tpu.vector_store %arg10[%swap3A_528, %swap3A_529], %swap3A_532 {strides = array<i32>} : memref<128x128xf32, #tpu.memory_space<vmem>>, vector<1x16xf32>,
        %get3A_533 = arith.index_cast %scan3A_498 : i32 to index
        %get3A_534 = arith.constant 48 : index
        %get3A_535 = tpu.vector_load %arg6[%get3A_533, %get3A_534] {strides = array<i32>} : memref<128x128xf32, #tpu.memory_space<vmem>>, vector<1x16xf32>,
        %get3A_536 = vector.shape_cast %get3A_535 : vector<1x16xf32> to vector<16xf32>
        %mul3A_537 = arith.constant 11.3137083 : f32
        %mul3A_538 = vector.broadcast %mul3A_537 : f32 to vector<16xf32>
        %mul3A_539 = arith.mulf %get3A_536, %mul3A_538 : vector<16xf32>
        %swap3A_540 = arith.index_cast %scan3A_498 : i32 to index
        %swap3A_541 = arith.constant 48 : index
        %swap3A_542 = tpu.vector_load %arg10[%swap3A_540, %swap3A_541] {strides = array<i32>} : memref<128x128xf32, #tpu.memory_space<vmem>>, vector<1x16xf32>,
        %swap3A_543 = vector.shape_cast %swap3A_542 : vector<1x16xf32> to vector<16xf32>
        %swap3A_544 = vector.shape_cast %mul3A_539 : vector<16xf32> to vector<1x16xf32>
        tpu.vector_store %arg10[%swap3A_540, %swap3A_541], %swap3A_544 {strides = array<i32>} : memref<128x128xf32, #tpu.memory_space<vmem>>, vector<1x16xf32>,
        %get3A_545 = arith.index_cast %scan3A_498 : i32 to index
        %get3A_546 = arith.constant 64 : index
        %get3A_547 = tpu.vector_load %arg6[%get3A_545, %get3A_546] {strides = array<i32>} : memref<128x128xf32, #tpu.memory_space<vmem>>, vector<1x16xf32>,
        %get3A_548 = vector.shape_cast %get3A_547 : vector<1x16xf32> to vector<16xf32>
        %mul3A_549 = arith.constant 11.3137083 : f32
        %mul3A_550 = vector.broadcast %mul3A_549 : f32 to vector<16xf32>
        %mul3A_551 = arith.mulf %get3A_548, %mul3A_550 : vector<16xf32>
        %swap3A_552 = arith.index_cast %scan3A_498 : i32 to index
        %swap3A_553 = arith.constant 64 : index
        %swap3A_554 = tpu.vector_load %arg10[%swap3A_552, %swap3A_553] {strides = array<i32>} : memref<128x128xf32, #tpu.memory_space<vmem>>, vector<1x16xf32>,
        %swap3A_555 = vector.shape_cast %swap3A_554 : vector<1x16xf32> to vector<16xf32>
        %swap3A_556 = vector.shape_cast %mul3A_551 : vector<16xf32> to vector<1x16xf32>
        tpu.vector_store %arg10[%swap3A_552, %swap3A_553], %swap3A_556 {strides = array<i32>} : memref<128x128xf32, #tpu.memory_space<vmem>>, vector<1x16xf32>,
        %get3A_557 = arith.index_cast %scan3A_498 : i32 to index
        %get3A_558 = arith.constant 80 : index
        %get3A_559 = tpu.vector_load %arg6[%get3A_557, %get3A_558] {strides = array<i32>} : memref<128x128xf32, #tpu.memory_space<vmem>>, vector<1x16xf32>,
        %get3A_560 = vector.shape_cast %get3A_559 : vector<1x16xf32> to vector<16xf32>
        %mul3A_561 = arith.constant 11.3137083 : f32
        %mul3A_562 = vector.broadcast %mul3A_561 : f32 to vector<16xf32>
        %mul3A_563 = arith.mulf %get3A_560, %mul3A_562 : vector<16xf32>
        %swap3A_564 = arith.index_cast %scan3A_498 : i32 to index
        %swap3A_565 = arith.constant 80 : index
        %swap3A_566 = tpu.vector_load %arg10[%swap3A_564, %swap3A_565] {strides = array<i32>} : memref<128x128xf32, #tpu.memory_space<vmem>>, vector<1x16xf32>,
        %swap3A_567 = vector.shape_cast %swap3A_566 : vector<1x16xf32> to vector<16xf32>
        %swap3A_568 = vector.shape_cast %mul3A_563 : vector<16xf32> to vector<1x16xf32>
        tpu.vector_store %arg10[%swap3A_564, %swap3A_565], %swap3A_568 {strides = array<i32>} : memref<128x128xf32, #tpu.memory_space<vmem>>, vector<1x16xf32>,
        %get3A_569 = arith.index_cast %scan3A_498 : i32 to index
        %get3A_570 = arith.constant 96 : index
        %get3A_571 = tpu.vector_load %arg6[%get3A_569, %get3A_570] {strides = array<i32>} : memref<128x128xf32, #tpu.memory_space<vmem>>, vector<1x16xf32>,
        %get3A_572 = vector.shape_cast %get3A_571 : vector<1x16xf32> to vector<16xf32>
        %mul3A_573 = arith.constant 11.3137083 : f32
        %mul3A_574 = vector.broadcast %mul3A_573 : f32 to vector<16xf32>
        %mul3A_575 = arith.mulf %get3A_572, %mul3A_574 : vector<16xf32>
        %swap3A_576 = arith.index_cast %scan3A_498 : i32 to index
        %swap3A_577 = arith.constant 96 : index
        %swap3A_578 = tpu.vector_load %arg10[%swap3A_576, %swap3A_577] {strides = array<i32>} : memref<128x128xf32, #tpu.memory_space<vmem>>, vector<1x16xf32>,
        %swap3A_579 = vector.shape_cast %swap3A_578 : vector<1x16xf32> to vector<16xf32>
        %swap3A_580 = vector.shape_cast %mul3A_575 : vector<16xf32> to vector<1x16xf32>
        tpu.vector_store %arg10[%swap3A_576, %swap3A_577], %swap3A_580 {strides = array<i32>} : memref<128x128xf32, #tpu.memory_space<vmem>>, vector<1x16xf32>,
        %get3A_581 = arith.index_cast %scan3A_498 : i32 to index
        %get3A_582 = arith.constant 112 : index
        %get3A_583 = tpu.vector_load %arg6[%get3A_581, %get3A_582] {strides = array<i32>} : memref<128x128xf32, #tpu.memory_space<vmem>>, vector<1x16xf32>,
        %get3A_584 = vector.shape_cast %get3A_583 : vector<1x16xf32> to vector<16xf32>
        %mul3A_585 = arith.constant 11.3137083 : f32
        %mul3A_586 = vector.broadcast %mul3A_585 : f32 to vector<16xf32>
        %mul3A_587 = arith.mulf %get3A_584, %mul3A_586 : vector<16xf32>
        %swap3A_588 = arith.index_cast %scan3A_498 : i32 to index
        %swap3A_589 = arith.constant 112 : index
        %swap3A_590 = tpu.vector_load %arg10[%swap3A_588, %swap3A_589] {strides = array<i32>} : memref<128x128xf32, #tpu.memory_space<vmem>>, vector<1x16xf32>,
        %swap3A_591 = vector.shape_cast %swap3A_590 : vector<1x16xf32> to vector<16xf32>
        %swap3A_592 = vector.shape_cast %mul3A_587 : vector<16xf32> to vector<1x16xf32>
        tpu.vector_store %arg10[%swap3A_588, %swap3A_589], %swap3A_592 {strides = array<i32>} : memref<128x128xf32, #tpu.memory_space<vmem>>, vector<1x16xf32>,
      }
      %scan3A_369 = arith.constant 128 : i32
      %dma_start3A_370 = arith.constant 0 : i32
      %dma_start3A_371 = tpu.memref_slice %arg4[%add3A_350, %mul3A_2, %dma_start3A_370] : memref<50x4096x128xf32, #tpu.memory_space<hbm>> -> memref<1x128x128xf32, #tpu.memory_space<hbm>>
      %dma_start3A_372 = tpu.memref_squeeze %dma_start3A_371 : memref<1x128x128xf32, #tpu.memory_space<hbm>> -> memref<128x128xf32, #tpu.memory_space<hbm>>
      %dma_start3A_373 = arith.constant 0 : i32
      %dma_start3A_374 = tpu.memref_slice %arg4[%add3A_350, %mul3A_2, %dma_start3A_373] : memref<50x4096x128xf32, #tpu.memory_space<hbm>> -> memref<1x128x128xf32, #tpu.memory_space<hbm>>
      %dma_start3A_375 = tpu.memref_squeeze %dma_start3A_374 : memref<1x128x128xf32, #tpu.memory_space<hbm>> -> memref<128x128xf32, #tpu.memory_space<hbm>>
      tpu.enqueue_dma source(%arg10 : memref<128x128xf32, #tpu.memory_space<vmem>>) target(%dma_start3A_375 : memref<128x128xf32, #tpu.memory_space<hbm>>) target_semaphore(%arg16 : memref<!tpu.dma_semaphore, #tpu.memory_space<semaphore_mem>>)
      %add3A_376 = arith.constant 4 : i32
      %add3A_377 = arith.addi %add3A_350, %add3A_376 : i32
      %dma_start3A_378 = arith.constant 0 : i32
      %dma_start3A_379 = tpu.memref_slice %arg5[%add3A_377, %dma_start3A_378] : memref<50x128xi32, #tpu.memory_space<vmem>> -> memref<1x128xi32, #tpu.memory_space<vmem>>
      %dma_start3A_380 = tpu.memref_squeeze %dma_start3A_379 : memref<1x128xi32, #tpu.memory_space<vmem>> -> memref<128xi32, #tpu.memory_space<vmem>>
      %dma_start3A_381 = arith.constant 0 : i32
      %dma_start3A_382 = arith.constant 0 : i32
      %dma_start3A_383 = tpu.memref_slice %arg3[%dma_start3A_381, %dma_start3A_382] : memref<100000x128xf32, #tpu.memory_space<hbm>> -> memref<100000x128xf32, #tpu.memory_space<hbm>>
      tpu.enqueue_indirect_dma source(%dma_start3A_383 : memref<100000x128xf32, #tpu.memory_space<hbm>>) target(%arg6 : memref<128x128xf32, #tpu.memory_space<vmem>>) offsets(%dma_start3A_380 : memref<128xi32, #tpu.memory_space<vmem>>) semaphore(%arg12 : memref<!tpu.dma_semaphore, #tpu.memory_space<semaphore_mem>>)
      %mul3A_384 = arith.constant 4 : i32
      %mul3A_385 = arith.muli %mul3A_384, %scan3A_346 : i32
      %add3A_386 = arith.constant 1 : i32
      %add3A_387 = arith.addi %mul3A_385, %add3A_386 : i32
      %dma_wait3A_388 = arith.constant 0 : i32
      %dma_wait3A_389 = tpu.memref_slice %arg5[%add3A_387, %dma_wait3A_388] : memref<50x128xi32, #tpu.memory_space<vmem>> -> memref<1x128xi32, #tpu.memory_space<vmem>>
      %dma_wait3A_390 = tpu.memref_squeeze %dma_wait3A_389 : memref<1x128xi32, #tpu.memory_space<vmem>> -> memref<128xi32, #tpu.memory_space<vmem>>
      %dma_wait3A_391 = arith.constant 0 : i32
      %dma_wait3A_392 = arith.constant 0 : i32
      %dma_wait3A_393 = tpu.memref_slice %arg3[%dma_wait3A_391, %dma_wait3A_392] : memref<100000x128xf32, #tpu.memory_space<hbm>> -> memref<100000x128xf32, #tpu.memory_space<hbm>>
      tpu.wait_indirect_dma semaphore(%arg13 : memref<!tpu.dma_semaphore, #tpu.memory_space<semaphore_mem>>) src(%dma_wait3A_393 : memref<100000x128xf32, #tpu.memory_space<hbm>>) dst(%arg7 : memref<128x128xf32, #tpu.memory_space<vmem>>)
      %sub3A_394 = arith.constant 2 : i32
      %sub3A_395 = arith.subi %add3A_387, %sub3A_394 : i32
      %dma_wait3A_396 = arith.constant 0 : i32
      %dma_wait3A_397 = tpu.memref_slice %arg4[%sub3A_395, %mul3A_2, %dma_wait3A_396] : memref<50x4096x128xf32, #tpu.memory_space<hbm>> -> memref<1x128x128xf32, #tpu.memory_space<hbm>>
      %dma_wait3A_398 = tpu.memref_squeeze %dma_wait3A_397 : memref<1x128x128xf32, #tpu.memory_space<hbm>> -> memref<128x128xf32, #tpu.memory_space<hbm>>
      %dma_wait3A_399 = arith.constant 0 : i32
      %dma_wait3A_400 = tpu.memref_slice %arg4[%sub3A_395, %mul3A_2, %dma_wait3A_399] : memref<50x4096x128xf32, #tpu.memory_space<hbm>> -> memref<1x128x128xf32, #tpu.memory_space<hbm>>
      %dma_wait3A_401 = tpu.memref_squeeze %dma_wait3A_400 : memref<1x128x128xf32, #tpu.memory_space<hbm>> -> memref<128x128xf32, #tpu.memory_space<hbm>>
      tpu.wait_dma2 semaphore(%arg17 : memref<!tpu.dma_semaphore, #tpu.memory_space<semaphore_mem>>) src(%arg11 : memref<128x128xf32, #tpu.memory_space<vmem>>) dst(%dma_wait3A_401 : memref<128x128xf32, #tpu.memory_space<hbm>>)
      %scan3A_402 = arith.constant 0 : i32
      %scan3A_403 = arith.constant 0 : i32
      %scan3A_404 = arith.constant 128 : i32
      %scan3A_405 = arith.addi %scan3A_403, %scan3A_404 : i32
      %scan3A_406 = arith.constant 1 : i32
      scf.for %scan3A_498 = %scan3A_403 to %scan3A_405 step %scan3A_406  : i32 {
        %get3A = arith.index_cast %scan3A_498 : i32 to index
        %get3A_499 = arith.constant 0 : index
        %get3A_500 = tpu.vector_load %arg7[%get3A, %get3A_499] {strides = array<i32>} : memref<128x128xf32, #tpu.memory_space<vmem>>, vector<1x16xf32>,
        %get3A_501 = vector.shape_cast %get3A_500 : vector<1x16xf32> to vector<16xf32>
        %mul3A_502 = arith.constant 11.3137083 : f32
        %mul3A_503 = vector.broadcast %mul3A_502 : f32 to vector<16xf32>
        %mul3A_504 = arith.mulf %get3A_501, %mul3A_503 : vector<16xf32>
        %swap3A = arith.index_cast %scan3A_498 : i32 to index
        %swap3A_505 = arith.constant 0 : index
        %swap3A_506 = tpu.vector_load %arg11[%swap3A, %swap3A_505] {strides = array<i32>} : memref<128x128xf32, #tpu.memory_space<vmem>>, vector<1x16xf32>,
        %swap3A_507 = vector.shape_cast %swap3A_506 : vector<1x16xf32> to vector<16xf32>
        %swap3A_508 = vector.shape_cast %mul3A_504 : vector<16xf32> to vector<1x16xf32>
        tpu.vector_store %arg11[%swap3A, %swap3A_505], %swap3A_508 {strides = array<i32>} : memref<128x128xf32, #tpu.memory_space<vmem>>, vector<1x16xf32>,
        %get3A_509 = arith.index_cast %scan3A_498 : i32 to index
        %get3A_510 = arith.constant 16 : index
        %get3A_511 = tpu.vector_load %arg7[%get3A_509, %get3A_510] {strides = array<i32>} : memref<128x128xf32, #tpu.memory_space<vmem>>, vector<1x16xf32>,
        %get3A_512 = vector.shape_cast %get3A_511 : vector<1x16xf32> to vector<16xf32>
        %mul3A_513 = arith.constant 11.3137083 : f32
        %mul3A_514 = vector.broadcast %mul3A_513 : f32 to vector<16xf32>
        %mul3A_515 = arith.mulf %get3A_512, %mul3A_514 : vector<16xf32>
        %swap3A_516 = arith.index_cast %scan3A_498 : i32 to index
        %swap3A_517 = arith.constant 16 : index
        %swap3A_518 = tpu.vector_load %arg11[%swap3A_516, %swap3A_517] {strides = array<i32>} : memref<128x128xf32, #tpu.memory_space<vmem>>, vector<1x16xf32>,
        %swap3A_519 = vector.shape_cast %swap3A_518 : vector<1x16xf32> to vector<16xf32>
        %swap3A_520 = vector.shape_cast %mul3A_515 : vector<16xf32> to vector<1x16xf32>
        tpu.vector_store %arg11[%swap3A_516, %swap3A_517], %swap3A_520 {strides = array<i32>} : memref<128x128xf32, #tpu.memory_space<vmem>>, vector<1x16xf32>,
        %get3A_521 = arith.index_cast %scan3A_498 : i32 to index
        %get3A_522 = arith.constant 32 : index
        %get3A_523 = tpu.vector_load %arg7[%get3A_521, %get3A_522] {strides = array<i32>} : memref<128x128xf32, #tpu.memory_space<vmem>>, vector<1x16xf32>,
        %get3A_524 = vector.shape_cast %get3A_523 : vector<1x16xf32> to vector<16xf32>
        %mul3A_525 = arith.constant 11.3137083 : f32
        %mul3A_526 = vector.broadcast %mul3A_525 : f32 to vector<16xf32>
        %mul3A_527 = arith.mulf %get3A_524, %mul3A_526 : vector<16xf32>
        %swap3A_528 = arith.index_cast %scan3A_498 : i32 to index
        %swap3A_529 = arith.constant 32 : index
        %swap3A_530 = tpu.vector_load %arg11[%swap3A_528, %swap3A_529] {strides = array<i32>} : memref<128x128xf32, #tpu.memory_space<vmem>>, vector<1x16xf32>,
        %swap3A_531 = vector.shape_cast %swap3A_530 : vector<1x16xf32> to vector<16xf32>
        %swap3A_532 = vector.shape_cast %mul3A_527 : vector<16xf32> to vector<1x16xf32>
        tpu.vector_store %arg11[%swap3A_528, %swap3A_529], %swap3A_532 {strides = array<i32>} : memref<128x128xf32, #tpu.memory_space<vmem>>, vector<1x16xf32>,
        %get3A_533 = arith.index_cast %scan3A_498 : i32 to index
        %get3A_534 = arith.constant 48 : index
        %get3A_535 = tpu.vector_load %arg7[%get3A_533, %get3A_534] {strides = array<i32>} : memref<128x128xf32, #tpu.memory_space<vmem>>, vector<1x16xf32>,
        %get3A_536 = vector.shape_cast %get3A_535 : vector<1x16xf32> to vector<16xf32>
        %mul3A_537 = arith.constant 11.3137083 : f32
        %mul3A_538 = vector.broadcast %mul3A_537 : f32 to vector<16xf32>
        %mul3A_539 = arith.mulf %get3A_536, %mul3A_538 : vector<16xf32>
        %swap3A_540 = arith.index_cast %scan3A_498 : i32 to index
        %swap3A_541 = arith.constant 48 : index
        %swap3A_542 = tpu.vector_load %arg11[%swap3A_540, %swap3A_541] {strides = array<i32>} : memref<128x128xf32, #tpu.memory_space<vmem>>, vector<1x16xf32>,
        %swap3A_543 = vector.shape_cast %swap3A_542 : vector<1x16xf32> to vector<16xf32>
        %swap3A_544 = vector.shape_cast %mul3A_539 : vector<16xf32> to vector<1x16xf32>
        tpu.vector_store %arg11[%swap3A_540, %swap3A_541], %swap3A_544 {strides = array<i32>} : memref<128x128xf32, #tpu.memory_space<vmem>>, vector<1x16xf32>,
        %get3A_545 = arith.index_cast %scan3A_498 : i32 to index
        %get3A_546 = arith.constant 64 : index
        %get3A_547 = tpu.vector_load %arg7[%get3A_545, %get3A_546] {strides = array<i32>} : memref<128x128xf32, #tpu.memory_space<vmem>>, vector<1x16xf32>,
        %get3A_548 = vector.shape_cast %get3A_547 : vector<1x16xf32> to vector<16xf32>
        %mul3A_549 = arith.constant 11.3137083 : f32
        %mul3A_550 = vector.broadcast %mul3A_549 : f32 to vector<16xf32>
        %mul3A_551 = arith.mulf %get3A_548, %mul3A_550 : vector<16xf32>
        %swap3A_552 = arith.index_cast %scan3A_498 : i32 to index
        %swap3A_553 = arith.constant 64 : index
        %swap3A_554 = tpu.vector_load %arg11[%swap3A_552, %swap3A_553] {strides = array<i32>} : memref<128x128xf32, #tpu.memory_space<vmem>>, vector<1x16xf32>,
        %swap3A_555 = vector.shape_cast %swap3A_554 : vector<1x16xf32> to vector<16xf32>
        %swap3A_556 = vector.shape_cast %mul3A_551 : vector<16xf32> to vector<1x16xf32>
        tpu.vector_store %arg11[%swap3A_552, %swap3A_553], %swap3A_556 {strides = array<i32>} : memref<128x128xf32, #tpu.memory_space<vmem>>, vector<1x16xf32>,
        %get3A_557 = arith.index_cast %scan3A_498 : i32 to index
        %get3A_558 = arith.constant 80 : index
        %get3A_559 = tpu.vector_load %arg7[%get3A_557, %get3A_558] {strides = array<i32>} : memref<128x128xf32, #tpu.memory_space<vmem>>, vector<1x16xf32>,
        %get3A_560 = vector.shape_cast %get3A_559 : vector<1x16xf32> to vector<16xf32>
        %mul3A_561 = arith.constant 11.3137083 : f32
        %mul3A_562 = vector.broadcast %mul3A_561 : f32 to vector<16xf32>
        %mul3A_563 = arith.mulf %get3A_560, %mul3A_562 : vector<16xf32>
        %swap3A_564 = arith.index_cast %scan3A_498 : i32 to index
        %swap3A_565 = arith.constant 80 : index
        %swap3A_566 = tpu.vector_load %arg11[%swap3A_564, %swap3A_565] {strides = array<i32>} : memref<128x128xf32, #tpu.memory_space<vmem>>, vector<1x16xf32>,
        %swap3A_567 = vector.shape_cast %swap3A_566 : vector<1x16xf32> to vector<16xf32>
        %swap3A_568 = vector.shape_cast %mul3A_563 : vector<16xf32> to vector<1x16xf32>
        tpu.vector_store %arg11[%swap3A_564, %swap3A_565], %swap3A_568 {strides = array<i32>} : memref<128x128xf32, #tpu.memory_space<vmem>>, vector<1x16xf32>,
        %get3A_569 = arith.index_cast %scan3A_498 : i32 to index
        %get3A_570 = arith.constant 96 : index
        %get3A_571 = tpu.vector_load %arg7[%get3A_569, %get3A_570] {strides = array<i32>} : memref<128x128xf32, #tpu.memory_space<vmem>>, vector<1x16xf32>,
        %get3A_572 = vector.shape_cast %get3A_571 : vector<1x16xf32> to vector<16xf32>
        %mul3A_573 = arith.constant 11.3137083 : f32
        %mul3A_574 = vector.broadcast %mul3A_573 : f32 to vector<16xf32>
        %mul3A_575 = arith.mulf %get3A_572, %mul3A_574 : vector<16xf32>
        %swap3A_576 = arith.index_cast %scan3A_498 : i32 to index
        %swap3A_577 = arith.constant 96 : index
        %swap3A_578 = tpu.vector_load %arg11[%swap3A_576, %swap3A_577] {strides = array<i32>} : memref<128x128xf32, #tpu.memory_space<vmem>>, vector<1x16xf32>,
        %swap3A_579 = vector.shape_cast %swap3A_578 : vector<1x16xf32> to vector<16xf32>
        %swap3A_580 = vector.shape_cast %mul3A_575 : vector<16xf32> to vector<1x16xf32>
        tpu.vector_store %arg11[%swap3A_576, %swap3A_577], %swap3A_580 {strides = array<i32>} : memref<128x128xf32, #tpu.memory_space<vmem>>, vector<1x16xf32>,
        %get3A_581 = arith.index_cast %scan3A_498 : i32 to index
        %get3A_582 = arith.constant 112 : index
        %get3A_583 = tpu.vector_load %arg7[%get3A_581, %get3A_582] {strides = array<i32>} : memref<128x128xf32, #tpu.memory_space<vmem>>, vector<1x16xf32>,
        %get3A_584 = vector.shape_cast %get3A_583 : vector<1x16xf32> to vector<16xf32>
        %mul3A_585 = arith.constant 11.3137083 : f32
        %mul3A_586 = vector.broadcast %mul3A_585 : f32 to vector<16xf32>
        %mul3A_587 = arith.mulf %get3A_584, %mul3A_586 : vector<16xf32>
        %swap3A_588 = arith.index_cast %scan3A_498 : i32 to index
        %swap3A_589 = arith.constant 112 : index
        %swap3A_590 = tpu.vector_load %arg11[%swap3A_588, %swap3A_589] {strides = array<i32>} : memref<128x128xf32, #tpu.memory_space<vmem>>, vector<1x16xf32>,
        %swap3A_591 = vector.shape_cast %swap3A_590 : vector<1x16xf32> to vector<16xf32>
        %swap3A_592 = vector.shape_cast %mul3A_587 : vector<16xf32> to vector<1x16xf32>
        tpu.vector_store %arg11[%swap3A_588, %swap3A_589], %swap3A_592 {strides = array<i32>} : memref<128x128xf32, #tpu.memory_space<vmem>>, vector<1x16xf32>,
      }
      %scan3A_407 = arith.constant 128 : i32
      %dma_start3A_408 = arith.constant 0 : i32
      %dma_start3A_409 = tpu.memref_slice %arg4[%add3A_387, %mul3A_2, %dma_start3A_408] : memref<50x4096x128xf32, #tpu.memory_space<hbm>> -> memref<1x128x128xf32, #tpu.memory_space<hbm>>
      %dma_start3A_410 = tpu.memref_squeeze %dma_start3A_409 : memref<1x128x128xf32, #tpu.memory_space<hbm>> -> memref<128x128xf32, #tpu.memory_space<hbm>>
      %dma_start3A_411 = arith.constant 0 : i32
      %dma_start3A_412 = tpu.memref_slice %arg4[%add3A_387, %mul3A_2, %dma_start3A_411] : memref<50x4096x128xf32, #tpu.memory_space<hbm>> -> memref<1x128x128xf32, #tpu.memory_space<hbm>>
      %dma_start3A_413 = tpu.memref_squeeze %dma_start3A_412 : memref<1x128x128xf32, #tpu.memory_space<hbm>> -> memref<128x128xf32, #tpu.memory_space<hbm>>
      tpu.enqueue_dma source(%arg11 : memref<128x128xf32, #tpu.memory_space<vmem>>) target(%dma_start3A_413 : memref<128x128xf32, #tpu.memory_space<hbm>>) target_semaphore(%arg17 : memref<!tpu.dma_semaphore, #tpu.memory_space<semaphore_mem>>)
      %add3A_414 = arith.constant 4 : i32
      %add3A_415 = arith.addi %add3A_387, %add3A_414 : i32
      %dma_start3A_416 = arith.constant 0 : i32
      %dma_start3A_417 = tpu.memref_slice %arg5[%add3A_415, %dma_start3A_416] : memref<50x128xi32, #tpu.memory_space<vmem>> -> memref<1x128xi32, #tpu.memory_space<vmem>>
      %dma_start3A_418 = tpu.memref_squeeze %dma_start3A_417 : memref<1x128xi32, #tpu.memory_space<vmem>> -> memref<128xi32, #tpu.memory_space<vmem>>
      %dma_start3A_419 = arith.constant 0 : i32
      %dma_start3A_420 = arith.constant 0 : i32
      %dma_start3A_421 = tpu.memref_slice %arg3[%dma_start3A_419, %dma_start3A_420] : memref<100000x128xf32, #tpu.memory_space<hbm>> -> memref<100000x128xf32, #tpu.memory_space<hbm>>
      tpu.enqueue_indirect_dma source(%dma_start3A_421 : memref<100000x128xf32, #tpu.memory_space<hbm>>) target(%arg7 : memref<128x128xf32, #tpu.memory_space<vmem>>) offsets(%dma_start3A_418 : memref<128xi32, #tpu.memory_space<vmem>>) semaphore(%arg13 : memref<!tpu.dma_semaphore, #tpu.memory_space<semaphore_mem>>)
      %mul3A_422 = arith.constant 4 : i32
      %mul3A_423 = arith.muli %mul3A_422, %scan3A_346 : i32
      %add3A_424 = arith.constant 2 : i32
      %add3A_425 = arith.addi %mul3A_423, %add3A_424 : i32
      %dma_wait3A_426 = arith.constant 0 : i32
      %dma_wait3A_427 = tpu.memref_slice %arg5[%add3A_425, %dma_wait3A_426] : memref<50x128xi32, #tpu.memory_space<vmem>> -> memref<1x128xi32, #tpu.memory_space<vmem>>
      %dma_wait3A_428 = tpu.memref_squeeze %dma_wait3A_427 : memref<1x128xi32, #tpu.memory_space<vmem>> -> memref<128xi32, #tpu.memory_space<vmem>>
      %dma_wait3A_429 = arith.constant 0 : i32
      %dma_wait3A_430 = arith.constant 0 : i32
      %dma_wait3A_431 = tpu.memref_slice %arg3[%dma_wait3A_429, %dma_wait3A_430] : memref<100000x128xf32, #tpu.memory_space<hbm>> -> memref<100000x128xf32, #tpu.memory_space<hbm>>
      tpu.wait_indirect_dma semaphore(%arg14 : memref<!tpu.dma_semaphore, #tpu.memory_space<semaphore_mem>>) src(%dma_wait3A_431 : memref<100000x128xf32, #tpu.memory_space<hbm>>) dst(%arg8 : memref<128x128xf32, #tpu.memory_space<vmem>>)
      %sub3A_432 = arith.constant 2 : i32
      %sub3A_433 = arith.subi %add3A_425, %sub3A_432 : i32
      %dma_wait3A_434 = arith.constant 0 : i32
      %dma_wait3A_435 = tpu.memref_slice %arg4[%sub3A_433, %mul3A_2, %dma_wait3A_434] : memref<50x4096x128xf32, #tpu.memory_space<hbm>> -> memref<1x128x128xf32, #tpu.memory_space<hbm>>
      %dma_wait3A_436 = tpu.memref_squeeze %dma_wait3A_435 : memref<1x128x128xf32, #tpu.memory_space<hbm>> -> memref<128x128xf32, #tpu.memory_space<hbm>>
      %dma_wait3A_437 = arith.constant 0 : i32
      %dma_wait3A_438 = tpu.memref_slice %arg4[%sub3A_433, %mul3A_2, %dma_wait3A_437] : memref<50x4096x128xf32, #tpu.memory_space<hbm>> -> memref<1x128x128xf32, #tpu.memory_space<hbm>>
      %dma_wait3A_439 = tpu.memref_squeeze %dma_wait3A_438 : memref<1x128x128xf32, #tpu.memory_space<hbm>> -> memref<128x128xf32, #tpu.memory_space<hbm>>
      tpu.wait_dma2 semaphore(%arg16 : memref<!tpu.dma_semaphore, #tpu.memory_space<semaphore_mem>>) src(%arg10 : memref<128x128xf32, #tpu.memory_space<vmem>>) dst(%dma_wait3A_439 : memref<128x128xf32, #tpu.memory_space<hbm>>)
      %scan3A_440 = arith.constant 0 : i32
      %scan3A_441 = arith.constant 0 : i32
      %scan3A_442 = arith.constant 128 : i32
      %scan3A_443 = arith.addi %scan3A_441, %scan3A_442 : i32
      %scan3A_444 = arith.constant 1 : i32
      scf.for %scan3A_498 = %scan3A_441 to %scan3A_443 step %scan3A_444  : i32 {
        %get3A = arith.index_cast %scan3A_498 : i32 to index
        %get3A_499 = arith.constant 0 : index
        %get3A_500 = tpu.vector_load %arg8[%get3A, %get3A_499] {strides = array<i32>} : memref<128x128xf32, #tpu.memory_space<vmem>>, vector<1x16xf32>,
        %get3A_501 = vector.shape_cast %get3A_500 : vector<1x16xf32> to vector<16xf32>
        %mul3A_502 = arith.constant 11.3137083 : f32
        %mul3A_503 = vector.broadcast %mul3A_502 : f32 to vector<16xf32>
        %mul3A_504 = arith.mulf %get3A_501, %mul3A_503 : vector<16xf32>
        %swap3A = arith.index_cast %scan3A_498 : i32 to index
        %swap3A_505 = arith.constant 0 : index
        %swap3A_506 = tpu.vector_load %arg10[%swap3A, %swap3A_505] {strides = array<i32>} : memref<128x128xf32, #tpu.memory_space<vmem>>, vector<1x16xf32>,
        %swap3A_507 = vector.shape_cast %swap3A_506 : vector<1x16xf32> to vector<16xf32>
        %swap3A_508 = vector.shape_cast %mul3A_504 : vector<16xf32> to vector<1x16xf32>
        tpu.vector_store %arg10[%swap3A, %swap3A_505], %swap3A_508 {strides = array<i32>} : memref<128x128xf32, #tpu.memory_space<vmem>>, vector<1x16xf32>,
        %get3A_509 = arith.index_cast %scan3A_498 : i32 to index
        %get3A_510 = arith.constant 16 : index
        %get3A_511 = tpu.vector_load %arg8[%get3A_509, %get3A_510] {strides = array<i32>} : memref<128x128xf32, #tpu.memory_space<vmem>>, vector<1x16xf32>,
        %get3A_512 = vector.shape_cast %get3A_511 : vector<1x16xf32> to vector<16xf32>
        %mul3A_513 = arith.constant 11.3137083 : f32
        %mul3A_514 = vector.broadcast %mul3A_513 : f32 to vector<16xf32>
        %mul3A_515 = arith.mulf %get3A_512, %mul3A_514 : vector<16xf32>
        %swap3A_516 = arith.index_cast %scan3A_498 : i32 to index
        %swap3A_517 = arith.constant 16 : index
        %swap3A_518 = tpu.vector_load %arg10[%swap3A_516, %swap3A_517] {strides = array<i32>} : memref<128x128xf32, #tpu.memory_space<vmem>>, vector<1x16xf32>,
        %swap3A_519 = vector.shape_cast %swap3A_518 : vector<1x16xf32> to vector<16xf32>
        %swap3A_520 = vector.shape_cast %mul3A_515 : vector<16xf32> to vector<1x16xf32>
        tpu.vector_store %arg10[%swap3A_516, %swap3A_517], %swap3A_520 {strides = array<i32>} : memref<128x128xf32, #tpu.memory_space<vmem>>, vector<1x16xf32>,
        %get3A_521 = arith.index_cast %scan3A_498 : i32 to index
        %get3A_522 = arith.constant 32 : index
        %get3A_523 = tpu.vector_load %arg8[%get3A_521, %get3A_522] {strides = array<i32>} : memref<128x128xf32, #tpu.memory_space<vmem>>, vector<1x16xf32>,
        %get3A_524 = vector.shape_cast %get3A_523 : vector<1x16xf32> to vector<16xf32>
        %mul3A_525 = arith.constant 11.3137083 : f32
        %mul3A_526 = vector.broadcast %mul3A_525 : f32 to vector<16xf32>
        %mul3A_527 = arith.mulf %get3A_524, %mul3A_526 : vector<16xf32>
        %swap3A_528 = arith.index_cast %scan3A_498 : i32 to index
        %swap3A_529 = arith.constant 32 : index
        %swap3A_530 = tpu.vector_load %arg10[%swap3A_528, %swap3A_529] {strides = array<i32>} : memref<128x128xf32, #tpu.memory_space<vmem>>, vector<1x16xf32>,
        %swap3A_531 = vector.shape_cast %swap3A_530 : vector<1x16xf32> to vector<16xf32>
        %swap3A_532 = vector.shape_cast %mul3A_527 : vector<16xf32> to vector<1x16xf32>
        tpu.vector_store %arg10[%swap3A_528, %swap3A_529], %swap3A_532 {strides = array<i32>} : memref<128x128xf32, #tpu.memory_space<vmem>>, vector<1x16xf32>,
        %get3A_533 = arith.index_cast %scan3A_498 : i32 to index
        %get3A_534 = arith.constant 48 : index
        %get3A_535 = tpu.vector_load %arg8[%get3A_533, %get3A_534] {strides = array<i32>} : memref<128x128xf32, #tpu.memory_space<vmem>>, vector<1x16xf32>,
        %get3A_536 = vector.shape_cast %get3A_535 : vector<1x16xf32> to vector<16xf32>
        %mul3A_537 = arith.constant 11.3137083 : f32
        %mul3A_538 = vector.broadcast %mul3A_537 : f32 to vector<16xf32>
        %mul3A_539 = arith.mulf %get3A_536, %mul3A_538 : vector<16xf32>
        %swap3A_540 = arith.index_cast %scan3A_498 : i32 to index
        %swap3A_541 = arith.constant 48 : index
        %swap3A_542 = tpu.vector_load %arg10[%swap3A_540, %swap3A_541] {strides = array<i32>} : memref<128x128xf32, #tpu.memory_space<vmem>>, vector<1x16xf32>,
        %swap3A_543 = vector.shape_cast %swap3A_542 : vector<1x16xf32> to vector<16xf32>
        %swap3A_544 = vector.shape_cast %mul3A_539 : vector<16xf32> to vector<1x16xf32>
        tpu.vector_store %arg10[%swap3A_540, %swap3A_541], %swap3A_544 {strides = array<i32>} : memref<128x128xf32, #tpu.memory_space<vmem>>, vector<1x16xf32>,
        %get3A_545 = arith.index_cast %scan3A_498 : i32 to index
        %get3A_546 = arith.constant 64 : index
        %get3A_547 = tpu.vector_load %arg8[%get3A_545, %get3A_546] {strides = array<i32>} : memref<128x128xf32, #tpu.memory_space<vmem>>, vector<1x16xf32>,
        %get3A_548 = vector.shape_cast %get3A_547 : vector<1x16xf32> to vector<16xf32>
        %mul3A_549 = arith.constant 11.3137083 : f32
        %mul3A_550 = vector.broadcast %mul3A_549 : f32 to vector<16xf32>
        %mul3A_551 = arith.mulf %get3A_548, %mul3A_550 : vector<16xf32>
        %swap3A_552 = arith.index_cast %scan3A_498 : i32 to index
        %swap3A_553 = arith.constant 64 : index
        %swap3A_554 = tpu.vector_load %arg10[%swap3A_552, %swap3A_553] {strides = array<i32>} : memref<128x128xf32, #tpu.memory_space<vmem>>, vector<1x16xf32>,
        %swap3A_555 = vector.shape_cast %swap3A_554 : vector<1x16xf32> to vector<16xf32>
        %swap3A_556 = vector.shape_cast %mul3A_551 : vector<16xf32> to vector<1x16xf32>
        tpu.vector_store %arg10[%swap3A_552, %swap3A_553], %swap3A_556 {strides = array<i32>} : memref<128x128xf32, #tpu.memory_space<vmem>>, vector<1x16xf32>,
        %get3A_557 = arith.index_cast %scan3A_498 : i32 to index
        %get3A_558 = arith.constant 80 : index
        %get3A_559 = tpu.vector_load %arg8[%get3A_557, %get3A_558] {strides = array<i32>} : memref<128x128xf32, #tpu.memory_space<vmem>>, vector<1x16xf32>,
        %get3A_560 = vector.shape_cast %get3A_559 : vector<1x16xf32> to vector<16xf32>
        %mul3A_561 = arith.constant 11.3137083 : f32
        %mul3A_562 = vector.broadcast %mul3A_561 : f32 to vector<16xf32>
        %mul3A_563 = arith.mulf %get3A_560, %mul3A_562 : vector<16xf32>
        %swap3A_564 = arith.index_cast %scan3A_498 : i32 to index
        %swap3A_565 = arith.constant 80 : index
        %swap3A_566 = tpu.vector_load %arg10[%swap3A_564, %swap3A_565] {strides = array<i32>} : memref<128x128xf32, #tpu.memory_space<vmem>>, vector<1x16xf32>,
        %swap3A_567 = vector.shape_cast %swap3A_566 : vector<1x16xf32> to vector<16xf32>
        %swap3A_568 = vector.shape_cast %mul3A_563 : vector<16xf32> to vector<1x16xf32>
        tpu.vector_store %arg10[%swap3A_564, %swap3A_565], %swap3A_568 {strides = array<i32>} : memref<128x128xf32, #tpu.memory_space<vmem>>, vector<1x16xf32>,
        %get3A_569 = arith.index_cast %scan3A_498 : i32 to index
        %get3A_570 = arith.constant 96 : index
        %get3A_571 = tpu.vector_load %arg8[%get3A_569, %get3A_570] {strides = array<i32>} : memref<128x128xf32, #tpu.memory_space<vmem>>, vector<1x16xf32>,
        %get3A_572 = vector.shape_cast %get3A_571 : vector<1x16xf32> to vector<16xf32>
        %mul3A_573 = arith.constant 11.3137083 : f32
        %mul3A_574 = vector.broadcast %mul3A_573 : f32 to vector<16xf32>
        %mul3A_575 = arith.mulf %get3A_572, %mul3A_574 : vector<16xf32>
        %swap3A_576 = arith.index_cast %scan3A_498 : i32 to index
        %swap3A_577 = arith.constant 96 : index
        %swap3A_578 = tpu.vector_load %arg10[%swap3A_576, %swap3A_577] {strides = array<i32>} : memref<128x128xf32, #tpu.memory_space<vmem>>, vector<1x16xf32>,
        %swap3A_579 = vector.shape_cast %swap3A_578 : vector<1x16xf32> to vector<16xf32>
        %swap3A_580 = vector.shape_cast %mul3A_575 : vector<16xf32> to vector<1x16xf32>
        tpu.vector_store %arg10[%swap3A_576, %swap3A_577], %swap3A_580 {strides = array<i32>} : memref<128x128xf32, #tpu.memory_space<vmem>>, vector<1x16xf32>,
        %get3A_581 = arith.index_cast %scan3A_498 : i32 to index
        %get3A_582 = arith.constant 112 : index
        %get3A_583 = tpu.vector_load %arg8[%get3A_581, %get3A_582] {strides = array<i32>} : memref<128x128xf32, #tpu.memory_space<vmem>>, vector<1x16xf32>,
        %get3A_584 = vector.shape_cast %get3A_583 : vector<1x16xf32> to vector<16xf32>
        %mul3A_585 = arith.constant 11.3137083 : f32
        %mul3A_586 = vector.broadcast %mul3A_585 : f32 to vector<16xf32>
        %mul3A_587 = arith.mulf %get3A_584, %mul3A_586 : vector<16xf32>
        %swap3A_588 = arith.index_cast %scan3A_498 : i32 to index
        %swap3A_589 = arith.constant 112 : index
        %swap3A_590 = tpu.vector_load %arg10[%swap3A_588, %swap3A_589] {strides = array<i32>} : memref<128x128xf32, #tpu.memory_space<vmem>>, vector<1x16xf32>,
        %swap3A_591 = vector.shape_cast %swap3A_590 : vector<1x16xf32> to vector<16xf32>
        %swap3A_592 = vector.shape_cast %mul3A_587 : vector<16xf32> to vector<1x16xf32>
        tpu.vector_store %arg10[%swap3A_588, %swap3A_589], %swap3A_592 {strides = array<i32>} : memref<128x128xf32, #tpu.memory_space<vmem>>, vector<1x16xf32>,
      }
      %scan3A_445 = arith.constant 128 : i32
      %dma_start3A_446 = arith.constant 0 : i32
      %dma_start3A_447 = tpu.memref_slice %arg4[%add3A_425, %mul3A_2, %dma_start3A_446] : memref<50x4096x128xf32, #tpu.memory_space<hbm>> -> memref<1x128x128xf32, #tpu.memory_space<hbm>>
      %dma_start3A_448 = tpu.memref_squeeze %dma_start3A_447 : memref<1x128x128xf32, #tpu.memory_space<hbm>> -> memref<128x128xf32, #tpu.memory_space<hbm>>
      %dma_start3A_449 = arith.constant 0 : i32
      %dma_start3A_450 = tpu.memref_slice %arg4[%add3A_425, %mul3A_2, %dma_start3A_449] : memref<50x4096x128xf32, #tpu.memory_space<hbm>> -> memref<1x128x128xf32, #tpu.memory_space<hbm>>
      %dma_start3A_451 = tpu.memref_squeeze %dma_start3A_450 : memref<1x128x128xf32, #tpu.memory_space<hbm>> -> memref<128x128xf32, #tpu.memory_space<hbm>>
      tpu.enqueue_dma source(%arg10 : memref<128x128xf32, #tpu.memory_space<vmem>>) target(%dma_start3A_451 : memref<128x128xf32, #tpu.memory_space<hbm>>) target_semaphore(%arg16 : memref<!tpu.dma_semaphore, #tpu.memory_space<semaphore_mem>>)
      %add3A_452 = arith.constant 4 : i32
      %add3A_453 = arith.addi %add3A_425, %add3A_452 : i32
      %dma_start3A_454 = arith.constant 0 : i32
      %dma_start3A_455 = tpu.memref_slice %arg5[%add3A_453, %dma_start3A_454] : memref<50x128xi32, #tpu.memory_space<vmem>> -> memref<1x128xi32, #tpu.memory_space<vmem>>
      %dma_start3A_456 = tpu.memref_squeeze %dma_start3A_455 : memref<1x128xi32, #tpu.memory_space<vmem>> -> memref<128xi32, #tpu.memory_space<vmem>>
      %dma_start3A_457 = arith.constant 0 : i32
      %dma_start3A_458 = arith.constant 0 : i32
      %dma_start3A_459 = tpu.memref_slice %arg3[%dma_start3A_457, %dma_start3A_458] : memref<100000x128xf32, #tpu.memory_space<hbm>> -> memref<100000x128xf32, #tpu.memory_space<hbm>>
      tpu.enqueue_indirect_dma source(%dma_start3A_459 : memref<100000x128xf32, #tpu.memory_space<hbm>>) target(%arg8 : memref<128x128xf32, #tpu.memory_space<vmem>>) offsets(%dma_start3A_456 : memref<128xi32, #tpu.memory_space<vmem>>) semaphore(%arg14 : memref<!tpu.dma_semaphore, #tpu.memory_space<semaphore_mem>>)
      %mul3A_460 = arith.constant 4 : i32
      %mul3A_461 = arith.muli %mul3A_460, %scan3A_346 : i32
      %add3A_462 = arith.constant 3 : i32
      %add3A_463 = arith.addi %mul3A_461, %add3A_462 : i32
      %dma_wait3A_464 = arith.constant 0 : i32
      %dma_wait3A_465 = tpu.memref_slice %arg5[%add3A_463, %dma_wait3A_464] : memref<50x128xi32, #tpu.memory_space<vmem>> -> memref<1x128xi32, #tpu.memory_space<vmem>>
      %dma_wait3A_466 = tpu.memref_squeeze %dma_wait3A_465 : memref<1x128xi32, #tpu.memory_space<vmem>> -> memref<128xi32, #tpu.memory_space<vmem>>
      %dma_wait3A_467 = arith.constant 0 : i32
      %dma_wait3A_468 = arith.constant 0 : i32
      %dma_wait3A_469 = tpu.memref_slice %arg3[%dma_wait3A_467, %dma_wait3A_468] : memref<100000x128xf32, #tpu.memory_space<hbm>> -> memref<100000x128xf32, #tpu.memory_space<hbm>>
      tpu.wait_indirect_dma semaphore(%arg15 : memref<!tpu.dma_semaphore, #tpu.memory_space<semaphore_mem>>) src(%dma_wait3A_469 : memref<100000x128xf32, #tpu.memory_space<hbm>>) dst(%arg9 : memref<128x128xf32, #tpu.memory_space<vmem>>)
      %sub3A_470 = arith.constant 2 : i32
      %sub3A_471 = arith.subi %add3A_463, %sub3A_470 : i32
      %dma_wait3A_472 = arith.constant 0 : i32
      %dma_wait3A_473 = tpu.memref_slice %arg4[%sub3A_471, %mul3A_2, %dma_wait3A_472] : memref<50x4096x128xf32, #tpu.memory_space<hbm>> -> memref<1x128x128xf32, #tpu.memory_space<hbm>>
      %dma_wait3A_474 = tpu.memref_squeeze %dma_wait3A_473 : memref<1x128x128xf32, #tpu.memory_space<hbm>> -> memref<128x128xf32, #tpu.memory_space<hbm>>
      %dma_wait3A_475 = arith.constant 0 : i32
      %dma_wait3A_476 = tpu.memref_slice %arg4[%sub3A_471, %mul3A_2, %dma_wait3A_475] : memref<50x4096x128xf32, #tpu.memory_space<hbm>> -> memref<1x128x128xf32, #tpu.memory_space<hbm>>
      %dma_wait3A_477 = tpu.memref_squeeze %dma_wait3A_476 : memref<1x128x128xf32, #tpu.memory_space<hbm>> -> memref<128x128xf32, #tpu.memory_space<hbm>>
      tpu.wait_dma2 semaphore(%arg17 : memref<!tpu.dma_semaphore, #tpu.memory_space<semaphore_mem>>) src(%arg11 : memref<128x128xf32, #tpu.memory_space<vmem>>) dst(%dma_wait3A_477 : memref<128x128xf32, #tpu.memory_space<hbm>>)
      %scan3A_478 = arith.constant 0 : i32
      %scan3A_479 = arith.constant 0 : i32
      %scan3A_480 = arith.constant 128 : i32
      %scan3A_481 = arith.addi %scan3A_479, %scan3A_480 : i32
      %scan3A_482 = arith.constant 1 : i32
      scf.for %scan3A_498 = %scan3A_479 to %scan3A_481 step %scan3A_482  : i32 {
        %get3A = arith.index_cast %scan3A_498 : i32 to index
        %get3A_499 = arith.constant 0 : index
        %get3A_500 = tpu.vector_load %arg9[%get3A, %get3A_499] {strides = array<i32>} : memref<128x128xf32, #tpu.memory_space<vmem>>, vector<1x16xf32>,
        %get3A_501 = vector.shape_cast %get3A_500 : vector<1x16xf32> to vector<16xf32>
        %mul3A_502 = arith.constant 11.3137083 : f32
        %mul3A_503 = vector.broadcast %mul3A_502 : f32 to vector<16xf32>
        %mul3A_504 = arith.mulf %get3A_501, %mul3A_503 : vector<16xf32>
        %swap3A = arith.index_cast %scan3A_498 : i32 to index
        %swap3A_505 = arith.constant 0 : index
        %swap3A_506 = tpu.vector_load %arg11[%swap3A, %swap3A_505] {strides = array<i32>} : memref<128x128xf32, #tpu.memory_space<vmem>>, vector<1x16xf32>,
        %swap3A_507 = vector.shape_cast %swap3A_506 : vector<1x16xf32> to vector<16xf32>
        %swap3A_508 = vector.shape_cast %mul3A_504 : vector<16xf32> to vector<1x16xf32>
        tpu.vector_store %arg11[%swap3A, %swap3A_505], %swap3A_508 {strides = array<i32>} : memref<128x128xf32, #tpu.memory_space<vmem>>, vector<1x16xf32>,
        %get3A_509 = arith.index_cast %scan3A_498 : i32 to index
        %get3A_510 = arith.constant 16 : index
        %get3A_511 = tpu.vector_load %arg9[%get3A_509, %get3A_510] {strides = array<i32>} : memref<128x128xf32, #tpu.memory_space<vmem>>, vector<1x16xf32>,
        %get3A_512 = vector.shape_cast %get3A_511 : vector<1x16xf32> to vector<16xf32>
        %mul3A_513 = arith.constant 11.3137083 : f32
        %mul3A_514 = vector.broadcast %mul3A_513 : f32 to vector<16xf32>
        %mul3A_515 = arith.mulf %get3A_512, %mul3A_514 : vector<16xf32>
        %swap3A_516 = arith.index_cast %scan3A_498 : i32 to index
        %swap3A_517 = arith.constant 16 : index
        %swap3A_518 = tpu.vector_load %arg11[%swap3A_516, %swap3A_517] {strides = array<i32>} : memref<128x128xf32, #tpu.memory_space<vmem>>, vector<1x16xf32>,
        %swap3A_519 = vector.shape_cast %swap3A_518 : vector<1x16xf32> to vector<16xf32>
        %swap3A_520 = vector.shape_cast %mul3A_515 : vector<16xf32> to vector<1x16xf32>
        tpu.vector_store %arg11[%swap3A_516, %swap3A_517], %swap3A_520 {strides = array<i32>} : memref<128x128xf32, #tpu.memory_space<vmem>>, vector<1x16xf32>,
        %get3A_521 = arith.index_cast %scan3A_498 : i32 to index
        %get3A_522 = arith.constant 32 : index
        %get3A_523 = tpu.vector_load %arg9[%get3A_521, %get3A_522] {strides = array<i32>} : memref<128x128xf32, #tpu.memory_space<vmem>>, vector<1x16xf32>,
        %get3A_524 = vector.shape_cast %get3A_523 : vector<1x16xf32> to vector<16xf32>
        %mul3A_525 = arith.constant 11.3137083 : f32
        %mul3A_526 = vector.broadcast %mul3A_525 : f32 to vector<16xf32>
        %mul3A_527 = arith.mulf %get3A_524, %mul3A_526 : vector<16xf32>
        %swap3A_528 = arith.index_cast %scan3A_498 : i32 to index
        %swap3A_529 = arith.constant 32 : index
        %swap3A_530 = tpu.vector_load %arg11[%swap3A_528, %swap3A_529] {strides = array<i32>} : memref<128x128xf32, #tpu.memory_space<vmem>>, vector<1x16xf32>,
        %swap3A_531 = vector.shape_cast %swap3A_530 : vector<1x16xf32> to vector<16xf32>
        %swap3A_532 = vector.shape_cast %mul3A_527 : vector<16xf32> to vector<1x16xf32>
        tpu.vector_store %arg11[%swap3A_528, %swap3A_529], %swap3A_532 {strides = array<i32>} : memref<128x128xf32, #tpu.memory_space<vmem>>, vector<1x16xf32>,
        %get3A_533 = arith.index_cast %scan3A_498 : i32 to index
        %get3A_534 = arith.constant 48 : index
        %get3A_535 = tpu.vector_load %arg9[%get3A_533, %get3A_534] {strides = array<i32>} : memref<128x128xf32, #tpu.memory_space<vmem>>, vector<1x16xf32>,
        %get3A_536 = vector.shape_cast %get3A_535 : vector<1x16xf32> to vector<16xf32>
        %mul3A_537 = arith.constant 11.3137083 : f32
        %mul3A_538 = vector.broadcast %mul3A_537 : f32 to vector<16xf32>
        %mul3A_539 = arith.mulf %get3A_536, %mul3A_538 : vector<16xf32>
        %swap3A_540 = arith.index_cast %scan3A_498 : i32 to index
        %swap3A_541 = arith.constant 48 : index
        %swap3A_542 = tpu.vector_load %arg11[%swap3A_540, %swap3A_541] {strides = array<i32>} : memref<128x128xf32, #tpu.memory_space<vmem>>, vector<1x16xf32>,
        %swap3A_543 = vector.shape_cast %swap3A_542 : vector<1x16xf32> to vector<16xf32>
        %swap3A_544 = vector.shape_cast %mul3A_539 : vector<16xf32> to vector<1x16xf32>
        tpu.vector_store %arg11[%swap3A_540, %swap3A_541], %swap3A_544 {strides = array<i32>} : memref<128x128xf32, #tpu.memory_space<vmem>>, vector<1x16xf32>,
        %get3A_545 = arith.index_cast %scan3A_498 : i32 to index
        %get3A_546 = arith.constant 64 : index
        %get3A_547 = tpu.vector_load %arg9[%get3A_545, %get3A_546] {strides = array<i32>} : memref<128x128xf32, #tpu.memory_space<vmem>>, vector<1x16xf32>,
        %get3A_548 = vector.shape_cast %get3A_547 : vector<1x16xf32> to vector<16xf32>
        %mul3A_549 = arith.constant 11.3137083 : f32
        %mul3A_550 = vector.broadcast %mul3A_549 : f32 to vector<16xf32>
        %mul3A_551 = arith.mulf %get3A_548, %mul3A_550 : vector<16xf32>
        %swap3A_552 = arith.index_cast %scan3A_498 : i32 to index
        %swap3A_553 = arith.constant 64 : index
        %swap3A_554 = tpu.vector_load %arg11[%swap3A_552, %swap3A_553] {strides = array<i32>} : memref<128x128xf32, #tpu.memory_space<vmem>>, vector<1x16xf32>,
        %swap3A_555 = vector.shape_cast %swap3A_554 : vector<1x16xf32> to vector<16xf32>
        %swap3A_556 = vector.shape_cast %mul3A_551 : vector<16xf32> to vector<1x16xf32>
        tpu.vector_store %arg11[%swap3A_552, %swap3A_553], %swap3A_556 {strides = array<i32>} : memref<128x128xf32, #tpu.memory_space<vmem>>, vector<1x16xf32>,
        %get3A_557 = arith.index_cast %scan3A_498 : i32 to index
        %get3A_558 = arith.constant 80 : index
        %get3A_559 = tpu.vector_load %arg9[%get3A_557, %get3A_558] {strides = array<i32>} : memref<128x128xf32, #tpu.memory_space<vmem>>, vector<1x16xf32>,
        %get3A_560 = vector.shape_cast %get3A_559 : vector<1x16xf32> to vector<16xf32>
        %mul3A_561 = arith.constant 11.3137083 : f32
        %mul3A_562 = vector.broadcast %mul3A_561 : f32 to vector<16xf32>
        %mul3A_563 = arith.mulf %get3A_560, %mul3A_562 : vector<16xf32>
        %swap3A_564 = arith.index_cast %scan3A_498 : i32 to index
        %swap3A_565 = arith.constant 80 : index
        %swap3A_566 = tpu.vector_load %arg11[%swap3A_564, %swap3A_565] {strides = array<i32>} : memref<128x128xf32, #tpu.memory_space<vmem>>, vector<1x16xf32>,
        %swap3A_567 = vector.shape_cast %swap3A_566 : vector<1x16xf32> to vector<16xf32>
        %swap3A_568 = vector.shape_cast %mul3A_563 : vector<16xf32> to vector<1x16xf32>
        tpu.vector_store %arg11[%swap3A_564, %swap3A_565], %swap3A_568 {strides = array<i32>} : memref<128x128xf32, #tpu.memory_space<vmem>>, vector<1x16xf32>,
        %get3A_569 = arith.index_cast %scan3A_498 : i32 to index
        %get3A_570 = arith.constant 96 : index
        %get3A_571 = tpu.vector_load %arg9[%get3A_569, %get3A_570] {strides = array<i32>} : memref<128x128xf32, #tpu.memory_space<vmem>>, vector<1x16xf32>,
        %get3A_572 = vector.shape_cast %get3A_571 : vector<1x16xf32> to vector<16xf32>
        %mul3A_573 = arith.constant 11.3137083 : f32
        %mul3A_574 = vector.broadcast %mul3A_573 : f32 to vector<16xf32>
        %mul3A_575 = arith.mulf %get3A_572, %mul3A_574 : vector<16xf32>
        %swap3A_576 = arith.index_cast %scan3A_498 : i32 to index
        %swap3A_577 = arith.constant 96 : index
        %swap3A_578 = tpu.vector_load %arg11[%swap3A_576, %swap3A_577] {strides = array<i32>} : memref<128x128xf32, #tpu.memory_space<vmem>>, vector<1x16xf32>,
        %swap3A_579 = vector.shape_cast %swap3A_578 : vector<1x16xf32> to vector<16xf32>
        %swap3A_580 = vector.shape_cast %mul3A_575 : vector<16xf32> to vector<1x16xf32>
        tpu.vector_store %arg11[%swap3A_576, %swap3A_577], %swap3A_580 {strides = array<i32>} : memref<128x128xf32, #tpu.memory_space<vmem>>, vector<1x16xf32>,
        %get3A_581 = arith.index_cast %scan3A_498 : i32 to index
        %get3A_582 = arith.constant 112 : index
        %get3A_583 = tpu.vector_load %arg9[%get3A_581, %get3A_582] {strides = array<i32>} : memref<128x128xf32, #tpu.memory_space<vmem>>, vector<1x16xf32>,
        %get3A_584 = vector.shape_cast %get3A_583 : vector<1x16xf32> to vector<16xf32>
        %mul3A_585 = arith.constant 11.3137083 : f32
        %mul3A_586 = vector.broadcast %mul3A_585 : f32 to vector<16xf32>
        %mul3A_587 = arith.mulf %get3A_584, %mul3A_586 : vector<16xf32>
        %swap3A_588 = arith.index_cast %scan3A_498 : i32 to index
        %swap3A_589 = arith.constant 112 : index
        %swap3A_590 = tpu.vector_load %arg11[%swap3A_588, %swap3A_589] {strides = array<i32>} : memref<128x128xf32, #tpu.memory_space<vmem>>, vector<1x16xf32>,
        %swap3A_591 = vector.shape_cast %swap3A_590 : vector<1x16xf32> to vector<16xf32>
        %swap3A_592 = vector.shape_cast %mul3A_587 : vector<16xf32> to vector<1x16xf32>
        tpu.vector_store %arg11[%swap3A_588, %swap3A_589], %swap3A_592 {strides = array<i32>} : memref<128x128xf32, #tpu.memory_space<vmem>>, vector<1x16xf32>,
      }
      %scan3A_483 = arith.constant 128 : i32
      %dma_start3A_484 = arith.constant 0 : i32
      %dma_start3A_485 = tpu.memref_slice %arg4[%add3A_463, %mul3A_2, %dma_start3A_484] : memref<50x4096x128xf32, #tpu.memory_space<hbm>> -> memref<1x128x128xf32, #tpu.memory_space<hbm>>
      %dma_start3A_486 = tpu.memref_squeeze %dma_start3A_485 : memref<1x128x128xf32, #tpu.memory_space<hbm>> -> memref<128x128xf32, #tpu.memory_space<hbm>>
      %dma_start3A_487 = arith.constant 0 : i32
      %dma_start3A_488 = tpu.memref_slice %arg4[%add3A_463, %mul3A_2, %dma_start3A_487] : memref<50x4096x128xf32, #tpu.memory_space<hbm>> -> memref<1x128x128xf32, #tpu.memory_space<hbm>>
      %dma_start3A_489 = tpu.memref_squeeze %dma_start3A_488 : memref<1x128x128xf32, #tpu.memory_space<hbm>> -> memref<128x128xf32, #tpu.memory_space<hbm>>
      tpu.enqueue_dma source(%arg11 : memref<128x128xf32, #tpu.memory_space<vmem>>) target(%dma_start3A_489 : memref<128x128xf32, #tpu.memory_space<hbm>>) target_semaphore(%arg17 : memref<!tpu.dma_semaphore, #tpu.memory_space<semaphore_mem>>)
      %add3A_490 = arith.constant 4 : i32
      %add3A_491 = arith.addi %add3A_463, %add3A_490 : i32
      %dma_start3A_492 = arith.constant 0 : i32
      %dma_start3A_493 = tpu.memref_slice %arg5[%add3A_491, %dma_start3A_492] : memref<50x128xi32, #tpu.memory_space<vmem>> -> memref<1x128xi32, #tpu.memory_space<vmem>>
      %dma_start3A_494 = tpu.memref_squeeze %dma_start3A_493 : memref<1x128xi32, #tpu.memory_space<vmem>> -> memref<128xi32, #tpu.memory_space<vmem>>
      %dma_start3A_495 = arith.constant 0 : i32
      %dma_start3A_496 = arith.constant 0 : i32
      %dma_start3A_497 = tpu.memref_slice %arg3[%dma_start3A_495, %dma_start3A_496] : memref<100000x128xf32, #tpu.memory_space<hbm>> -> memref<100000x128xf32, #tpu.memory_space<hbm>>
      tpu.enqueue_indirect_dma source(%dma_start3A_497 : memref<100000x128xf32, #tpu.memory_space<hbm>>) target(%arg9 : memref<128x128xf32, #tpu.memory_space<vmem>>) offsets(%dma_start3A_494 : memref<128xi32, #tpu.memory_space<vmem>>) semaphore(%arg15 : memref<!tpu.dma_semaphore, #tpu.memory_space<semaphore_mem>>)
    }
    %scan3A_155 = arith.constant 10 : i32
    %dma_wait3A_156 = arith.constant 44 : i32
    %dma_wait3A_157 = arith.constant 0 : i32
    %dma_wait3A_158 = tpu.memref_slice %arg5[%dma_wait3A_156, %dma_wait3A_157] : memref<50x128xi32, #tpu.memory_space<vmem>> -> memref<1x128xi32, #tpu.memory_space<vmem>>
    %dma_wait3A_159 = tpu.memref_squeeze %dma_wait3A_158 : memref<1x128xi32, #tpu.memory_space<vmem>> -> memref<128xi32, #tpu.memory_space<vmem>>
    %dma_wait3A_160 = arith.constant 0 : i32
    %dma_wait3A_161 = arith.constant 0 : i32
    %dma_wait3A_162 = tpu.memref_slice %arg3[%dma_wait3A_160, %dma_wait3A_161] : memref<100000x128xf32, #tpu.memory_space<hbm>> -> memref<100000x128xf32, #tpu.memory_space<hbm>>
    tpu.wait_indirect_dma semaphore(%arg12 : memref<!tpu.dma_semaphore, #tpu.memory_space<semaphore_mem>>) src(%dma_wait3A_162 : memref<100000x128xf32, #tpu.memory_space<hbm>>) dst(%arg6 : memref<128x128xf32, #tpu.memory_space<vmem>>)
    %dma_wait3A_163 = arith.constant 42 : i32
    %dma_wait3A_164 = arith.constant 0 : i32
    %dma_wait3A_165 = tpu.memref_slice %arg4[%dma_wait3A_163, %mul3A_2, %dma_wait3A_164] : memref<50x4096x128xf32, #tpu.memory_space<hbm>> -> memref<1x128x128xf32, #tpu.memory_space<hbm>>
    %dma_wait3A_166 = tpu.memref_squeeze %dma_wait3A_165 : memref<1x128x128xf32, #tpu.memory_space<hbm>> -> memref<128x128xf32, #tpu.memory_space<hbm>>
    %dma_wait3A_167 = arith.constant 0 : i32
    %dma_wait3A_168 = tpu.memref_slice %arg4[%dma_wait3A_163, %mul3A_2, %dma_wait3A_167] : memref<50x4096x128xf32, #tpu.memory_space<hbm>> -> memref<1x128x128xf32, #tpu.memory_space<hbm>>
    %dma_wait3A_169 = tpu.memref_squeeze %dma_wait3A_168 : memref<1x128x128xf32, #tpu.memory_space<hbm>> -> memref<128x128xf32, #tpu.memory_space<hbm>>
    tpu.wait_dma2 semaphore(%arg16 : memref<!tpu.dma_semaphore, #tpu.memory_space<semaphore_mem>>) src(%arg10 : memref<128x128xf32, #tpu.memory_space<vmem>>) dst(%dma_wait3A_169 : memref<128x128xf32, #tpu.memory_space<hbm>>)
    %scan3A_170 = arith.constant 0 : i32
    %scan3A_171 = arith.constant 0 : i32
    %scan3A_172 = arith.constant 128 : i32
    %scan3A_173 = arith.addi %scan3A_171, %scan3A_172 : i32
    %scan3A_174 = arith.constant 1 : i32
    scf.for %scan3A_346 = %scan3A_171 to %scan3A_173 step %scan3A_174  : i32 {
      %get3A = arith.index_cast %scan3A_346 : i32 to index
      %get3A_347 = arith.constant 0 : index
      %get3A_348 = tpu.vector_load %arg6[%get3A, %get3A_347] {strides = array<i32>} : memref<128x128xf32, #tpu.memory_space<vmem>>, vector<1x16xf32>,
      %get3A_349 = vector.shape_cast %get3A_348 : vector<1x16xf32> to vector<16xf32>
      %mul3A_350 = arith.constant 11.3137083 : f32
      %mul3A_351 = vector.broadcast %mul3A_350 : f32 to vector<16xf32>
      %mul3A_352 = arith.mulf %get3A_349, %mul3A_351 : vector<16xf32>
      %swap3A = arith.index_cast %scan3A_346 : i32 to index
      %swap3A_353 = arith.constant 0 : index
      %swap3A_354 = tpu.vector_load %arg10[%swap3A, %swap3A_353] {strides = array<i32>} : memref<128x128xf32, #tpu.memory_space<vmem>>, vector<1x16xf32>,
      %swap3A_355 = vector.shape_cast %swap3A_354 : vector<1x16xf32> to vector<16xf32>
      %swap3A_356 = vector.shape_cast %mul3A_352 : vector<16xf32> to vector<1x16xf32>
      tpu.vector_store %arg10[%swap3A, %swap3A_353], %swap3A_356 {strides = array<i32>} : memref<128x128xf32, #tpu.memory_space<vmem>>, vector<1x16xf32>,
      %get3A_357 = arith.index_cast %scan3A_346 : i32 to index
      %get3A_358 = arith.constant 16 : index
      %get3A_359 = tpu.vector_load %arg6[%get3A_357, %get3A_358] {strides = array<i32>} : memref<128x128xf32, #tpu.memory_space<vmem>>, vector<1x16xf32>,
      %get3A_360 = vector.shape_cast %get3A_359 : vector<1x16xf32> to vector<16xf32>
      %mul3A_361 = arith.constant 11.3137083 : f32
      %mul3A_362 = vector.broadcast %mul3A_361 : f32 to vector<16xf32>
      %mul3A_363 = arith.mulf %get3A_360, %mul3A_362 : vector<16xf32>
      %swap3A_364 = arith.index_cast %scan3A_346 : i32 to index
      %swap3A_365 = arith.constant 16 : index
      %swap3A_366 = tpu.vector_load %arg10[%swap3A_364, %swap3A_365] {strides = array<i32>} : memref<128x128xf32, #tpu.memory_space<vmem>>, vector<1x16xf32>,
      %swap3A_367 = vector.shape_cast %swap3A_366 : vector<1x16xf32> to vector<16xf32>
      %swap3A_368 = vector.shape_cast %mul3A_363 : vector<16xf32> to vector<1x16xf32>
      tpu.vector_store %arg10[%swap3A_364, %swap3A_365], %swap3A_368 {strides = array<i32>} : memref<128x128xf32, #tpu.memory_space<vmem>>, vector<1x16xf32>,
      %get3A_369 = arith.index_cast %scan3A_346 : i32 to index
      %get3A_370 = arith.constant 32 : index
      %get3A_371 = tpu.vector_load %arg6[%get3A_369, %get3A_370] {strides = array<i32>} : memref<128x128xf32, #tpu.memory_space<vmem>>, vector<1x16xf32>,
      %get3A_372 = vector.shape_cast %get3A_371 : vector<1x16xf32> to vector<16xf32>
      %mul3A_373 = arith.constant 11.3137083 : f32
      %mul3A_374 = vector.broadcast %mul3A_373 : f32 to vector<16xf32>
      %mul3A_375 = arith.mulf %get3A_372, %mul3A_374 : vector<16xf32>
      %swap3A_376 = arith.index_cast %scan3A_346 : i32 to index
      %swap3A_377 = arith.constant 32 : index
      %swap3A_378 = tpu.vector_load %arg10[%swap3A_376, %swap3A_377] {strides = array<i32>} : memref<128x128xf32, #tpu.memory_space<vmem>>, vector<1x16xf32>,
      %swap3A_379 = vector.shape_cast %swap3A_378 : vector<1x16xf32> to vector<16xf32>
      %swap3A_380 = vector.shape_cast %mul3A_375 : vector<16xf32> to vector<1x16xf32>
      tpu.vector_store %arg10[%swap3A_376, %swap3A_377], %swap3A_380 {strides = array<i32>} : memref<128x128xf32, #tpu.memory_space<vmem>>, vector<1x16xf32>,
      %get3A_381 = arith.index_cast %scan3A_346 : i32 to index
      %get3A_382 = arith.constant 48 : index
      %get3A_383 = tpu.vector_load %arg6[%get3A_381, %get3A_382] {strides = array<i32>} : memref<128x128xf32, #tpu.memory_space<vmem>>, vector<1x16xf32>,
      %get3A_384 = vector.shape_cast %get3A_383 : vector<1x16xf32> to vector<16xf32>
      %mul3A_385 = arith.constant 11.3137083 : f32
      %mul3A_386 = vector.broadcast %mul3A_385 : f32 to vector<16xf32>
      %mul3A_387 = arith.mulf %get3A_384, %mul3A_386 : vector<16xf32>
      %swap3A_388 = arith.index_cast %scan3A_346 : i32 to index
      %swap3A_389 = arith.constant 48 : index
      %swap3A_390 = tpu.vector_load %arg10[%swap3A_388, %swap3A_389] {strides = array<i32>} : memref<128x128xf32, #tpu.memory_space<vmem>>, vector<1x16xf32>,
      %swap3A_391 = vector.shape_cast %swap3A_390 : vector<1x16xf32> to vector<16xf32>
      %swap3A_392 = vector.shape_cast %mul3A_387 : vector<16xf32> to vector<1x16xf32>
      tpu.vector_store %arg10[%swap3A_388, %swap3A_389], %swap3A_392 {strides = array<i32>} : memref<128x128xf32, #tpu.memory_space<vmem>>, vector<1x16xf32>,
      %get3A_393 = arith.index_cast %scan3A_346 : i32 to index
      %get3A_394 = arith.constant 64 : index
      %get3A_395 = tpu.vector_load %arg6[%get3A_393, %get3A_394] {strides = array<i32>} : memref<128x128xf32, #tpu.memory_space<vmem>>, vector<1x16xf32>,
      %get3A_396 = vector.shape_cast %get3A_395 : vector<1x16xf32> to vector<16xf32>
      %mul3A_397 = arith.constant 11.3137083 : f32
      %mul3A_398 = vector.broadcast %mul3A_397 : f32 to vector<16xf32>
      %mul3A_399 = arith.mulf %get3A_396, %mul3A_398 : vector<16xf32>
      %swap3A_400 = arith.index_cast %scan3A_346 : i32 to index
      %swap3A_401 = arith.constant 64 : index
      %swap3A_402 = tpu.vector_load %arg10[%swap3A_400, %swap3A_401] {strides = array<i32>} : memref<128x128xf32, #tpu.memory_space<vmem>>, vector<1x16xf32>,
      %swap3A_403 = vector.shape_cast %swap3A_402 : vector<1x16xf32> to vector<16xf32>
      %swap3A_404 = vector.shape_cast %mul3A_399 : vector<16xf32> to vector<1x16xf32>
      tpu.vector_store %arg10[%swap3A_400, %swap3A_401], %swap3A_404 {strides = array<i32>} : memref<128x128xf32, #tpu.memory_space<vmem>>, vector<1x16xf32>,
      %get3A_405 = arith.index_cast %scan3A_346 : i32 to index
      %get3A_406 = arith.constant 80 : index
      %get3A_407 = tpu.vector_load %arg6[%get3A_405, %get3A_406] {strides = array<i32>} : memref<128x128xf32, #tpu.memory_space<vmem>>, vector<1x16xf32>,
      %get3A_408 = vector.shape_cast %get3A_407 : vector<1x16xf32> to vector<16xf32>
      %mul3A_409 = arith.constant 11.3137083 : f32
      %mul3A_410 = vector.broadcast %mul3A_409 : f32 to vector<16xf32>
      %mul3A_411 = arith.mulf %get3A_408, %mul3A_410 : vector<16xf32>
      %swap3A_412 = arith.index_cast %scan3A_346 : i32 to index
      %swap3A_413 = arith.constant 80 : index
      %swap3A_414 = tpu.vector_load %arg10[%swap3A_412, %swap3A_413] {strides = array<i32>} : memref<128x128xf32, #tpu.memory_space<vmem>>, vector<1x16xf32>,
      %swap3A_415 = vector.shape_cast %swap3A_414 : vector<1x16xf32> to vector<16xf32>
      %swap3A_416 = vector.shape_cast %mul3A_411 : vector<16xf32> to vector<1x16xf32>
      tpu.vector_store %arg10[%swap3A_412, %swap3A_413], %swap3A_416 {strides = array<i32>} : memref<128x128xf32, #tpu.memory_space<vmem>>, vector<1x16xf32>,
      %get3A_417 = arith.index_cast %scan3A_346 : i32 to index
      %get3A_418 = arith.constant 96 : index
      %get3A_419 = tpu.vector_load %arg6[%get3A_417, %get3A_418] {strides = array<i32>} : memref<128x128xf32, #tpu.memory_space<vmem>>, vector<1x16xf32>,
      %get3A_420 = vector.shape_cast %get3A_419 : vector<1x16xf32> to vector<16xf32>
      %mul3A_421 = arith.constant 11.3137083 : f32
      %mul3A_422 = vector.broadcast %mul3A_421 : f32 to vector<16xf32>
      %mul3A_423 = arith.mulf %get3A_420, %mul3A_422 : vector<16xf32>
      %swap3A_424 = arith.index_cast %scan3A_346 : i32 to index
      %swap3A_425 = arith.constant 96 : index
      %swap3A_426 = tpu.vector_load %arg10[%swap3A_424, %swap3A_425] {strides = array<i32>} : memref<128x128xf32, #tpu.memory_space<vmem>>, vector<1x16xf32>,
      %swap3A_427 = vector.shape_cast %swap3A_426 : vector<1x16xf32> to vector<16xf32>
      %swap3A_428 = vector.shape_cast %mul3A_423 : vector<16xf32> to vector<1x16xf32>
      tpu.vector_store %arg10[%swap3A_424, %swap3A_425], %swap3A_428 {strides = array<i32>} : memref<128x128xf32, #tpu.memory_space<vmem>>, vector<1x16xf32>,
      %get3A_429 = arith.index_cast %scan3A_346 : i32 to index
      %get3A_430 = arith.constant 112 : index
      %get3A_431 = tpu.vector_load %arg6[%get3A_429, %get3A_430] {strides = array<i32>} : memref<128x128xf32, #tpu.memory_space<vmem>>, vector<1x16xf32>,
      %get3A_432 = vector.shape_cast %get3A_431 : vector<1x16xf32> to vector<16xf32>
      %mul3A_433 = arith.constant 11.3137083 : f32
      %mul3A_434 = vector.broadcast %mul3A_433 : f32 to vector<16xf32>
      %mul3A_435 = arith.mulf %get3A_432, %mul3A_434 : vector<16xf32>
      %swap3A_436 = arith.index_cast %scan3A_346 : i32 to index
      %swap3A_437 = arith.constant 112 : index
      %swap3A_438 = tpu.vector_load %arg10[%swap3A_436, %swap3A_437] {strides = array<i32>} : memref<128x128xf32, #tpu.memory_space<vmem>>, vector<1x16xf32>,
      %swap3A_439 = vector.shape_cast %swap3A_438 : vector<1x16xf32> to vector<16xf32>
      %swap3A_440 = vector.shape_cast %mul3A_435 : vector<16xf32> to vector<1x16xf32>
      tpu.vector_store %arg10[%swap3A_436, %swap3A_437], %swap3A_440 {strides = array<i32>} : memref<128x128xf32, #tpu.memory_space<vmem>>, vector<1x16xf32>,
    }
    %scan3A_175 = arith.constant 128 : i32
    %dma_start3A_176 = arith.constant 44 : i32
    %dma_start3A_177 = arith.constant 0 : i32
    %dma_start3A_178 = tpu.memref_slice %arg4[%dma_start3A_176, %mul3A_2, %dma_start3A_177] : memref<50x4096x128xf32, #tpu.memory_space<hbm>> -> memref<1x128x128xf32, #tpu.memory_space<hbm>>
    %dma_start3A_179 = tpu.memref_squeeze %dma_start3A_178 : memref<1x128x128xf32, #tpu.memory_space<hbm>> -> memref<128x128xf32, #tpu.memory_space<hbm>>
    %dma_start3A_180 = arith.constant 0 : i32
    %dma_start3A_181 = tpu.memref_slice %arg4[%dma_start3A_176, %mul3A_2, %dma_start3A_180] : memref<50x4096x128xf32, #tpu.memory_space<hbm>> -> memref<1x128x128xf32, #tpu.memory_space<hbm>>
    %dma_start3A_182 = tpu.memref_squeeze %dma_start3A_181 : memref<1x128x128xf32, #tpu.memory_space<hbm>> -> memref<128x128xf32, #tpu.memory_space<hbm>>
    tpu.enqueue_dma source(%arg10 : memref<128x128xf32, #tpu.memory_space<vmem>>) target(%dma_start3A_182 : memref<128x128xf32, #tpu.memory_space<hbm>>) target_semaphore(%arg16 : memref<!tpu.dma_semaphore, #tpu.memory_space<semaphore_mem>>)
    %dma_start3A_183 = arith.constant 48 : i32
    %dma_start3A_184 = arith.constant 0 : i32
    %dma_start3A_185 = tpu.memref_slice %arg5[%dma_start3A_183, %dma_start3A_184] : memref<50x128xi32, #tpu.memory_space<vmem>> -> memref<1x128xi32, #tpu.memory_space<vmem>>
    %dma_start3A_186 = tpu.memref_squeeze %dma_start3A_185 : memref<1x128xi32, #tpu.memory_space<vmem>> -> memref<128xi32, #tpu.memory_space<vmem>>
    %dma_start3A_187 = arith.constant 0 : i32
    %dma_start3A_188 = arith.constant 0 : i32
    %dma_start3A_189 = tpu.memref_slice %arg3[%dma_start3A_187, %dma_start3A_188] : memref<100000x128xf32, #tpu.memory_space<hbm>> -> memref<100000x128xf32, #tpu.memory_space<hbm>>
    tpu.enqueue_indirect_dma source(%dma_start3A_189 : memref<100000x128xf32, #tpu.memory_space<hbm>>) target(%arg6 : memref<128x128xf32, #tpu.memory_space<vmem>>) offsets(%dma_start3A_186 : memref<128xi32, #tpu.memory_space<vmem>>) semaphore(%arg12 : memref<!tpu.dma_semaphore, #tpu.memory_space<semaphore_mem>>)
    %dma_wait3A_190 = arith.constant 45 : i32
    %dma_wait3A_191 = arith.constant 0 : i32
    %dma_wait3A_192 = tpu.memref_slice %arg5[%dma_wait3A_190, %dma_wait3A_191] : memref<50x128xi32, #tpu.memory_space<vmem>> -> memref<1x128xi32, #tpu.memory_space<vmem>>
    %dma_wait3A_193 = tpu.memref_squeeze %dma_wait3A_192 : memref<1x128xi32, #tpu.memory_space<vmem>> -> memref<128xi32, #tpu.memory_space<vmem>>
    %dma_wait3A_194 = arith.constant 0 : i32
    %dma_wait3A_195 = arith.constant 0 : i32
    %dma_wait3A_196 = tpu.memref_slice %arg3[%dma_wait3A_194, %dma_wait3A_195] : memref<100000x128xf32, #tpu.memory_space<hbm>> -> memref<100000x128xf32, #tpu.memory_space<hbm>>
    tpu.wait_indirect_dma semaphore(%arg13 : memref<!tpu.dma_semaphore, #tpu.memory_space<semaphore_mem>>) src(%dma_wait3A_196 : memref<100000x128xf32, #tpu.memory_space<hbm>>) dst(%arg7 : memref<128x128xf32, #tpu.memory_space<vmem>>)
    %dma_wait3A_197 = arith.constant 43 : i32
    %dma_wait3A_198 = arith.constant 0 : i32
    %dma_wait3A_199 = tpu.memref_slice %arg4[%dma_wait3A_197, %mul3A_2, %dma_wait3A_198] : memref<50x4096x128xf32, #tpu.memory_space<hbm>> -> memref<1x128x128xf32, #tpu.memory_space<hbm>>
    %dma_wait3A_200 = tpu.memref_squeeze %dma_wait3A_199 : memref<1x128x128xf32, #tpu.memory_space<hbm>> -> memref<128x128xf32, #tpu.memory_space<hbm>>
    %dma_wait3A_201 = arith.constant 0 : i32
    %dma_wait3A_202 = tpu.memref_slice %arg4[%dma_wait3A_197, %mul3A_2, %dma_wait3A_201] : memref<50x4096x128xf32, #tpu.memory_space<hbm>> -> memref<1x128x128xf32, #tpu.memory_space<hbm>>
    %dma_wait3A_203 = tpu.memref_squeeze %dma_wait3A_202 : memref<1x128x128xf32, #tpu.memory_space<hbm>> -> memref<128x128xf32, #tpu.memory_space<hbm>>
    tpu.wait_dma2 semaphore(%arg17 : memref<!tpu.dma_semaphore, #tpu.memory_space<semaphore_mem>>) src(%arg11 : memref<128x128xf32, #tpu.memory_space<vmem>>) dst(%dma_wait3A_203 : memref<128x128xf32, #tpu.memory_space<hbm>>)
    %scan3A_204 = arith.constant 0 : i32
    %scan3A_205 = arith.constant 0 : i32
    %scan3A_206 = arith.constant 128 : i32
    %scan3A_207 = arith.addi %scan3A_205, %scan3A_206 : i32
    %scan3A_208 = arith.constant 1 : i32
    scf.for %scan3A_346 = %scan3A_205 to %scan3A_207 step %scan3A_208  : i32 {
      %get3A = arith.index_cast %scan3A_346 : i32 to index
      %get3A_347 = arith.constant 0 : index
      %get3A_348 = tpu.vector_load %arg7[%get3A, %get3A_347] {strides = array<i32>} : memref<128x128xf32, #tpu.memory_space<vmem>>, vector<1x16xf32>,
      %get3A_349 = vector.shape_cast %get3A_348 : vector<1x16xf32> to vector<16xf32>
      %mul3A_350 = arith.constant 11.3137083 : f32
      %mul3A_351 = vector.broadcast %mul3A_350 : f32 to vector<16xf32>
      %mul3A_352 = arith.mulf %get3A_349, %mul3A_351 : vector<16xf32>
      %swap3A = arith.index_cast %scan3A_346 : i32 to index
      %swap3A_353 = arith.constant 0 : index
      %swap3A_354 = tpu.vector_load %arg11[%swap3A, %swap3A_353] {strides = array<i32>} : memref<128x128xf32, #tpu.memory_space<vmem>>, vector<1x16xf32>,
      %swap3A_355 = vector.shape_cast %swap3A_354 : vector<1x16xf32> to vector<16xf32>
      %swap3A_356 = vector.shape_cast %mul3A_352 : vector<16xf32> to vector<1x16xf32>
      tpu.vector_store %arg11[%swap3A, %swap3A_353], %swap3A_356 {strides = array<i32>} : memref<128x128xf32, #tpu.memory_space<vmem>>, vector<1x16xf32>,
      %get3A_357 = arith.index_cast %scan3A_346 : i32 to index
      %get3A_358 = arith.constant 16 : index
      %get3A_359 = tpu.vector_load %arg7[%get3A_357, %get3A_358] {strides = array<i32>} : memref<128x128xf32, #tpu.memory_space<vmem>>, vector<1x16xf32>,
      %get3A_360 = vector.shape_cast %get3A_359 : vector<1x16xf32> to vector<16xf32>
      %mul3A_361 = arith.constant 11.3137083 : f32
      %mul3A_362 = vector.broadcast %mul3A_361 : f32 to vector<16xf32>
      %mul3A_363 = arith.mulf %get3A_360, %mul3A_362 : vector<16xf32>
      %swap3A_364 = arith.index_cast %scan3A_346 : i32 to index
      %swap3A_365 = arith.constant 16 : index
      %swap3A_366 = tpu.vector_load %arg11[%swap3A_364, %swap3A_365] {strides = array<i32>} : memref<128x128xf32, #tpu.memory_space<vmem>>, vector<1x16xf32>,
      %swap3A_367 = vector.shape_cast %swap3A_366 : vector<1x16xf32> to vector<16xf32>
      %swap3A_368 = vector.shape_cast %mul3A_363 : vector<16xf32> to vector<1x16xf32>
      tpu.vector_store %arg11[%swap3A_364, %swap3A_365], %swap3A_368 {strides = array<i32>} : memref<128x128xf32, #tpu.memory_space<vmem>>, vector<1x16xf32>,
      %get3A_369 = arith.index_cast %scan3A_346 : i32 to index
      %get3A_370 = arith.constant 32 : index
      %get3A_371 = tpu.vector_load %arg7[%get3A_369, %get3A_370] {strides = array<i32>} : memref<128x128xf32, #tpu.memory_space<vmem>>, vector<1x16xf32>,
      %get3A_372 = vector.shape_cast %get3A_371 : vector<1x16xf32> to vector<16xf32>
      %mul3A_373 = arith.constant 11.3137083 : f32
      %mul3A_374 = vector.broadcast %mul3A_373 : f32 to vector<16xf32>
      %mul3A_375 = arith.mulf %get3A_372, %mul3A_374 : vector<16xf32>
      %swap3A_376 = arith.index_cast %scan3A_346 : i32 to index
      %swap3A_377 = arith.constant 32 : index
      %swap3A_378 = tpu.vector_load %arg11[%swap3A_376, %swap3A_377] {strides = array<i32>} : memref<128x128xf32, #tpu.memory_space<vmem>>, vector<1x16xf32>,
      %swap3A_379 = vector.shape_cast %swap3A_378 : vector<1x16xf32> to vector<16xf32>
      %swap3A_380 = vector.shape_cast %mul3A_375 : vector<16xf32> to vector<1x16xf32>
      tpu.vector_store %arg11[%swap3A_376, %swap3A_377], %swap3A_380 {strides = array<i32>} : memref<128x128xf32, #tpu.memory_space<vmem>>, vector<1x16xf32>,
      %get3A_381 = arith.index_cast %scan3A_346 : i32 to index
      %get3A_382 = arith.constant 48 : index
      %get3A_383 = tpu.vector_load %arg7[%get3A_381, %get3A_382] {strides = array<i32>} : memref<128x128xf32, #tpu.memory_space<vmem>>, vector<1x16xf32>,
      %get3A_384 = vector.shape_cast %get3A_383 : vector<1x16xf32> to vector<16xf32>
      %mul3A_385 = arith.constant 11.3137083 : f32
      %mul3A_386 = vector.broadcast %mul3A_385 : f32 to vector<16xf32>
      %mul3A_387 = arith.mulf %get3A_384, %mul3A_386 : vector<16xf32>
      %swap3A_388 = arith.index_cast %scan3A_346 : i32 to index
      %swap3A_389 = arith.constant 48 : index
      %swap3A_390 = tpu.vector_load %arg11[%swap3A_388, %swap3A_389] {strides = array<i32>} : memref<128x128xf32, #tpu.memory_space<vmem>>, vector<1x16xf32>,
      %swap3A_391 = vector.shape_cast %swap3A_390 : vector<1x16xf32> to vector<16xf32>
      %swap3A_392 = vector.shape_cast %mul3A_387 : vector<16xf32> to vector<1x16xf32>
      tpu.vector_store %arg11[%swap3A_388, %swap3A_389], %swap3A_392 {strides = array<i32>} : memref<128x128xf32, #tpu.memory_space<vmem>>, vector<1x16xf32>,
      %get3A_393 = arith.index_cast %scan3A_346 : i32 to index
      %get3A_394 = arith.constant 64 : index
      %get3A_395 = tpu.vector_load %arg7[%get3A_393, %get3A_394] {strides = array<i32>} : memref<128x128xf32, #tpu.memory_space<vmem>>, vector<1x16xf32>,
      %get3A_396 = vector.shape_cast %get3A_395 : vector<1x16xf32> to vector<16xf32>
      %mul3A_397 = arith.constant 11.3137083 : f32
      %mul3A_398 = vector.broadcast %mul3A_397 : f32 to vector<16xf32>
      %mul3A_399 = arith.mulf %get3A_396, %mul3A_398 : vector<16xf32>
      %swap3A_400 = arith.index_cast %scan3A_346 : i32 to index
      %swap3A_401 = arith.constant 64 : index
      %swap3A_402 = tpu.vector_load %arg11[%swap3A_400, %swap3A_401] {strides = array<i32>} : memref<128x128xf32, #tpu.memory_space<vmem>>, vector<1x16xf32>,
      %swap3A_403 = vector.shape_cast %swap3A_402 : vector<1x16xf32> to vector<16xf32>
      %swap3A_404 = vector.shape_cast %mul3A_399 : vector<16xf32> to vector<1x16xf32>
      tpu.vector_store %arg11[%swap3A_400, %swap3A_401], %swap3A_404 {strides = array<i32>} : memref<128x128xf32, #tpu.memory_space<vmem>>, vector<1x16xf32>,
      %get3A_405 = arith.index_cast %scan3A_346 : i32 to index
      %get3A_406 = arith.constant 80 : index
      %get3A_407 = tpu.vector_load %arg7[%get3A_405, %get3A_406] {strides = array<i32>} : memref<128x128xf32, #tpu.memory_space<vmem>>, vector<1x16xf32>,
      %get3A_408 = vector.shape_cast %get3A_407 : vector<1x16xf32> to vector<16xf32>
      %mul3A_409 = arith.constant 11.3137083 : f32
      %mul3A_410 = vector.broadcast %mul3A_409 : f32 to vector<16xf32>
      %mul3A_411 = arith.mulf %get3A_408, %mul3A_410 : vector<16xf32>
      %swap3A_412 = arith.index_cast %scan3A_346 : i32 to index
      %swap3A_413 = arith.constant 80 : index
      %swap3A_414 = tpu.vector_load %arg11[%swap3A_412, %swap3A_413] {strides = array<i32>} : memref<128x128xf32, #tpu.memory_space<vmem>>, vector<1x16xf32>,
      %swap3A_415 = vector.shape_cast %swap3A_414 : vector<1x16xf32> to vector<16xf32>
      %swap3A_416 = vector.shape_cast %mul3A_411 : vector<16xf32> to vector<1x16xf32>
      tpu.vector_store %arg11[%swap3A_412, %swap3A_413], %swap3A_416 {strides = array<i32>} : memref<128x128xf32, #tpu.memory_space<vmem>>, vector<1x16xf32>,
      %get3A_417 = arith.index_cast %scan3A_346 : i32 to index
      %get3A_418 = arith.constant 96 : index
      %get3A_419 = tpu.vector_load %arg7[%get3A_417, %get3A_418] {strides = array<i32>} : memref<128x128xf32, #tpu.memory_space<vmem>>, vector<1x16xf32>,
      %get3A_420 = vector.shape_cast %get3A_419 : vector<1x16xf32> to vector<16xf32>
      %mul3A_421 = arith.constant 11.3137083 : f32
      %mul3A_422 = vector.broadcast %mul3A_421 : f32 to vector<16xf32>
      %mul3A_423 = arith.mulf %get3A_420, %mul3A_422 : vector<16xf32>
      %swap3A_424 = arith.index_cast %scan3A_346 : i32 to index
      %swap3A_425 = arith.constant 96 : index
      %swap3A_426 = tpu.vector_load %arg11[%swap3A_424, %swap3A_425] {strides = array<i32>} : memref<128x128xf32, #tpu.memory_space<vmem>>, vector<1x16xf32>,
      %swap3A_427 = vector.shape_cast %swap3A_426 : vector<1x16xf32> to vector<16xf32>
      %swap3A_428 = vector.shape_cast %mul3A_423 : vector<16xf32> to vector<1x16xf32>
      tpu.vector_store %arg11[%swap3A_424, %swap3A_425], %swap3A_428 {strides = array<i32>} : memref<128x128xf32, #tpu.memory_space<vmem>>, vector<1x16xf32>,
      %get3A_429 = arith.index_cast %scan3A_346 : i32 to index
      %get3A_430 = arith.constant 112 : index
      %get3A_431 = tpu.vector_load %arg7[%get3A_429, %get3A_430] {strides = array<i32>} : memref<128x128xf32, #tpu.memory_space<vmem>>, vector<1x16xf32>,
      %get3A_432 = vector.shape_cast %get3A_431 : vector<1x16xf32> to vector<16xf32>
      %mul3A_433 = arith.constant 11.3137083 : f32
      %mul3A_434 = vector.broadcast %mul3A_433 : f32 to vector<16xf32>
      %mul3A_435 = arith.mulf %get3A_432, %mul3A_434 : vector<16xf32>
      %swap3A_436 = arith.index_cast %scan3A_346 : i32 to index
      %swap3A_437 = arith.constant 112 : index
      %swap3A_438 = tpu.vector_load %arg11[%swap3A_436, %swap3A_437] {strides = array<i32>} : memref<128x128xf32, #tpu.memory_space<vmem>>, vector<1x16xf32>,
      %swap3A_439 = vector.shape_cast %swap3A_438 : vector<1x16xf32> to vector<16xf32>
      %swap3A_440 = vector.shape_cast %mul3A_435 : vector<16xf32> to vector<1x16xf32>
      tpu.vector_store %arg11[%swap3A_436, %swap3A_437], %swap3A_440 {strides = array<i32>} : memref<128x128xf32, #tpu.memory_space<vmem>>, vector<1x16xf32>,
    }
    %scan3A_209 = arith.constant 128 : i32
    %dma_start3A_210 = arith.constant 45 : i32
    %dma_start3A_211 = arith.constant 0 : i32
    %dma_start3A_212 = tpu.memref_slice %arg4[%dma_start3A_210, %mul3A_2, %dma_start3A_211] : memref<50x4096x128xf32, #tpu.memory_space<hbm>> -> memref<1x128x128xf32, #tpu.memory_space<hbm>>
    %dma_start3A_213 = tpu.memref_squeeze %dma_start3A_212 : memref<1x128x128xf32, #tpu.memory_space<hbm>> -> memref<128x128xf32, #tpu.memory_space<hbm>>
    %dma_start3A_214 = arith.constant 0 : i32
    %dma_start3A_215 = tpu.memref_slice %arg4[%dma_start3A_210, %mul3A_2, %dma_start3A_214] : memref<50x4096x128xf32, #tpu.memory_space<hbm>> -> memref<1x128x128xf32, #tpu.memory_space<hbm>>
    %dma_start3A_216 = tpu.memref_squeeze %dma_start3A_215 : memref<1x128x128xf32, #tpu.memory_space<hbm>> -> memref<128x128xf32, #tpu.memory_space<hbm>>
    tpu.enqueue_dma source(%arg11 : memref<128x128xf32, #tpu.memory_space<vmem>>) target(%dma_start3A_216 : memref<128x128xf32, #tpu.memory_space<hbm>>) target_semaphore(%arg17 : memref<!tpu.dma_semaphore, #tpu.memory_space<semaphore_mem>>)
    %dma_start3A_217 = arith.constant 49 : i32
    %dma_start3A_218 = arith.constant 0 : i32
    %dma_start3A_219 = tpu.memref_slice %arg5[%dma_start3A_217, %dma_start3A_218] : memref<50x128xi32, #tpu.memory_space<vmem>> -> memref<1x128xi32, #tpu.memory_space<vmem>>
    %dma_start3A_220 = tpu.memref_squeeze %dma_start3A_219 : memref<1x128xi32, #tpu.memory_space<vmem>> -> memref<128xi32, #tpu.memory_space<vmem>>
    %dma_start3A_221 = arith.constant 0 : i32
    %dma_start3A_222 = arith.constant 0 : i32
    %dma_start3A_223 = tpu.memref_slice %arg3[%dma_start3A_221, %dma_start3A_222] : memref<100000x128xf32, #tpu.memory_space<hbm>> -> memref<100000x128xf32, #tpu.memory_space<hbm>>
    tpu.enqueue_indirect_dma source(%dma_start3A_223 : memref<100000x128xf32, #tpu.memory_space<hbm>>) target(%arg7 : memref<128x128xf32, #tpu.memory_space<vmem>>) offsets(%dma_start3A_220 : memref<128xi32, #tpu.memory_space<vmem>>) semaphore(%arg13 : memref<!tpu.dma_semaphore, #tpu.memory_space<semaphore_mem>>)
    %dma_wait3A_224 = arith.constant 46 : i32
    %dma_wait3A_225 = arith.constant 0 : i32
    %dma_wait3A_226 = tpu.memref_slice %arg5[%dma_wait3A_224, %dma_wait3A_225] : memref<50x128xi32, #tpu.memory_space<vmem>> -> memref<1x128xi32, #tpu.memory_space<vmem>>
    %dma_wait3A_227 = tpu.memref_squeeze %dma_wait3A_226 : memref<1x128xi32, #tpu.memory_space<vmem>> -> memref<128xi32, #tpu.memory_space<vmem>>
    %dma_wait3A_228 = arith.constant 0 : i32
    %dma_wait3A_229 = arith.constant 0 : i32
    %dma_wait3A_230 = tpu.memref_slice %arg3[%dma_wait3A_228, %dma_wait3A_229] : memref<100000x128xf32, #tpu.memory_space<hbm>> -> memref<100000x128xf32, #tpu.memory_space<hbm>>
    tpu.wait_indirect_dma semaphore(%arg14 : memref<!tpu.dma_semaphore, #tpu.memory_space<semaphore_mem>>) src(%dma_wait3A_230 : memref<100000x128xf32, #tpu.memory_space<hbm>>) dst(%arg8 : memref<128x128xf32, #tpu.memory_space<vmem>>)
    %dma_wait3A_231 = arith.constant 44 : i32
    %dma_wait3A_232 = arith.constant 0 : i32
    %dma_wait3A_233 = tpu.memref_slice %arg4[%dma_wait3A_231, %mul3A_2, %dma_wait3A_232] : memref<50x4096x128xf32, #tpu.memory_space<hbm>> -> memref<1x128x128xf32, #tpu.memory_space<hbm>>
    %dma_wait3A_234 = tpu.memref_squeeze %dma_wait3A_233 : memref<1x128x128xf32, #tpu.memory_space<hbm>> -> memref<128x128xf32, #tpu.memory_space<hbm>>
    %dma_wait3A_235 = arith.constant 0 : i32
    %dma_wait3A_236 = tpu.memref_slice %arg4[%dma_wait3A_231, %mul3A_2, %dma_wait3A_235] : memref<50x4096x128xf32, #tpu.memory_space<hbm>> -> memref<1x128x128xf32, #tpu.memory_space<hbm>>
    %dma_wait3A_237 = tpu.memref_squeeze %dma_wait3A_236 : memref<1x128x128xf32, #tpu.memory_space<hbm>> -> memref<128x128xf32, #tpu.memory_space<hbm>>
    tpu.wait_dma2 semaphore(%arg16 : memref<!tpu.dma_semaphore, #tpu.memory_space<semaphore_mem>>) src(%arg10 : memref<128x128xf32, #tpu.memory_space<vmem>>) dst(%dma_wait3A_237 : memref<128x128xf32, #tpu.memory_space<hbm>>)
    %scan3A_238 = arith.constant 0 : i32
    %scan3A_239 = arith.constant 0 : i32
    %scan3A_240 = arith.constant 128 : i32
    %scan3A_241 = arith.addi %scan3A_239, %scan3A_240 : i32
    %scan3A_242 = arith.constant 1 : i32
    scf.for %scan3A_346 = %scan3A_239 to %scan3A_241 step %scan3A_242  : i32 {
      %get3A = arith.index_cast %scan3A_346 : i32 to index
      %get3A_347 = arith.constant 0 : index
      %get3A_348 = tpu.vector_load %arg8[%get3A, %get3A_347] {strides = array<i32>} : memref<128x128xf32, #tpu.memory_space<vmem>>, vector<1x16xf32>,
      %get3A_349 = vector.shape_cast %get3A_348 : vector<1x16xf32> to vector<16xf32>
      %mul3A_350 = arith.constant 11.3137083 : f32
      %mul3A_351 = vector.broadcast %mul3A_350 : f32 to vector<16xf32>
      %mul3A_352 = arith.mulf %get3A_349, %mul3A_351 : vector<16xf32>
      %swap3A = arith.index_cast %scan3A_346 : i32 to index
      %swap3A_353 = arith.constant 0 : index
      %swap3A_354 = tpu.vector_load %arg10[%swap3A, %swap3A_353] {strides = array<i32>} : memref<128x128xf32, #tpu.memory_space<vmem>>, vector<1x16xf32>,
      %swap3A_355 = vector.shape_cast %swap3A_354 : vector<1x16xf32> to vector<16xf32>
      %swap3A_356 = vector.shape_cast %mul3A_352 : vector<16xf32> to vector<1x16xf32>
      tpu.vector_store %arg10[%swap3A, %swap3A_353], %swap3A_356 {strides = array<i32>} : memref<128x128xf32, #tpu.memory_space<vmem>>, vector<1x16xf32>,
      %get3A_357 = arith.index_cast %scan3A_346 : i32 to index
      %get3A_358 = arith.constant 16 : index
      %get3A_359 = tpu.vector_load %arg8[%get3A_357, %get3A_358] {strides = array<i32>} : memref<128x128xf32, #tpu.memory_space<vmem>>, vector<1x16xf32>,
      %get3A_360 = vector.shape_cast %get3A_359 : vector<1x16xf32> to vector<16xf32>
      %mul3A_361 = arith.constant 11.3137083 : f32
      %mul3A_362 = vector.broadcast %mul3A_361 : f32 to vector<16xf32>
      %mul3A_363 = arith.mulf %get3A_360, %mul3A_362 : vector<16xf32>
      %swap3A_364 = arith.index_cast %scan3A_346 : i32 to index
      %swap3A_365 = arith.constant 16 : index
      %swap3A_366 = tpu.vector_load %arg10[%swap3A_364, %swap3A_365] {strides = array<i32>} : memref<128x128xf32, #tpu.memory_space<vmem>>, vector<1x16xf32>,
      %swap3A_367 = vector.shape_cast %swap3A_366 : vector<1x16xf32> to vector<16xf32>
      %swap3A_368 = vector.shape_cast %mul3A_363 : vector<16xf32> to vector<1x16xf32>
      tpu.vector_store %arg10[%swap3A_364, %swap3A_365], %swap3A_368 {strides = array<i32>} : memref<128x128xf32, #tpu.memory_space<vmem>>, vector<1x16xf32>,
      %get3A_369 = arith.index_cast %scan3A_346 : i32 to index
      %get3A_370 = arith.constant 32 : index
      %get3A_371 = tpu.vector_load %arg8[%get3A_369, %get3A_370] {strides = array<i32>} : memref<128x128xf32, #tpu.memory_space<vmem>>, vector<1x16xf32>,
      %get3A_372 = vector.shape_cast %get3A_371 : vector<1x16xf32> to vector<16xf32>
      %mul3A_373 = arith.constant 11.3137083 : f32
      %mul3A_374 = vector.broadcast %mul3A_373 : f32 to vector<16xf32>
      %mul3A_375 = arith.mulf %get3A_372, %mul3A_374 : vector<16xf32>
      %swap3A_376 = arith.index_cast %scan3A_346 : i32 to index
      %swap3A_377 = arith.constant 32 : index
      %swap3A_378 = tpu.vector_load %arg10[%swap3A_376, %swap3A_377] {strides = array<i32>} : memref<128x128xf32, #tpu.memory_space<vmem>>, vector<1x16xf32>,
      %swap3A_379 = vector.shape_cast %swap3A_378 : vector<1x16xf32> to vector<16xf32>
      %swap3A_380 = vector.shape_cast %mul3A_375 : vector<16xf32> to vector<1x16xf32>
      tpu.vector_store %arg10[%swap3A_376, %swap3A_377], %swap3A_380 {strides = array<i32>} : memref<128x128xf32, #tpu.memory_space<vmem>>, vector<1x16xf32>,
      %get3A_381 = arith.index_cast %scan3A_346 : i32 to index
      %get3A_382 = arith.constant 48 : index
      %get3A_383 = tpu.vector_load %arg8[%get3A_381, %get3A_382] {strides = array<i32>} : memref<128x128xf32, #tpu.memory_space<vmem>>, vector<1x16xf32>,
      %get3A_384 = vector.shape_cast %get3A_383 : vector<1x16xf32> to vector<16xf32>
      %mul3A_385 = arith.constant 11.3137083 : f32
      %mul3A_386 = vector.broadcast %mul3A_385 : f32 to vector<16xf32>
      %mul3A_387 = arith.mulf %get3A_384, %mul3A_386 : vector<16xf32>
      %swap3A_388 = arith.index_cast %scan3A_346 : i32 to index
      %swap3A_389 = arith.constant 48 : index
      %swap3A_390 = tpu.vector_load %arg10[%swap3A_388, %swap3A_389] {strides = array<i32>} : memref<128x128xf32, #tpu.memory_space<vmem>>, vector<1x16xf32>,
      %swap3A_391 = vector.shape_cast %swap3A_390 : vector<1x16xf32> to vector<16xf32>
      %swap3A_392 = vector.shape_cast %mul3A_387 : vector<16xf32> to vector<1x16xf32>
      tpu.vector_store %arg10[%swap3A_388, %swap3A_389], %swap3A_392 {strides = array<i32>} : memref<128x128xf32, #tpu.memory_space<vmem>>, vector<1x16xf32>,
      %get3A_393 = arith.index_cast %scan3A_346 : i32 to index
      %get3A_394 = arith.constant 64 : index
      %get3A_395 = tpu.vector_load %arg8[%get3A_393, %get3A_394] {strides = array<i32>} : memref<128x128xf32, #tpu.memory_space<vmem>>, vector<1x16xf32>,
      %get3A_396 = vector.shape_cast %get3A_395 : vector<1x16xf32> to vector<16xf32>
      %mul3A_397 = arith.constant 11.3137083 : f32
      %mul3A_398 = vector.broadcast %mul3A_397 : f32 to vector<16xf32>
      %mul3A_399 = arith.mulf %get3A_396, %mul3A_398 : vector<16xf32>
      %swap3A_400 = arith.index_cast %scan3A_346 : i32 to index
      %swap3A_401 = arith.constant 64 : index
      %swap3A_402 = tpu.vector_load %arg10[%swap3A_400, %swap3A_401] {strides = array<i32>} : memref<128x128xf32, #tpu.memory_space<vmem>>, vector<1x16xf32>,
      %swap3A_403 = vector.shape_cast %swap3A_402 : vector<1x16xf32> to vector<16xf32>
      %swap3A_404 = vector.shape_cast %mul3A_399 : vector<16xf32> to vector<1x16xf32>
      tpu.vector_store %arg10[%swap3A_400, %swap3A_401], %swap3A_404 {strides = array<i32>} : memref<128x128xf32, #tpu.memory_space<vmem>>, vector<1x16xf32>,
      %get3A_405 = arith.index_cast %scan3A_346 : i32 to index
      %get3A_406 = arith.constant 80 : index
      %get3A_407 = tpu.vector_load %arg8[%get3A_405, %get3A_406] {strides = array<i32>} : memref<128x128xf32, #tpu.memory_space<vmem>>, vector<1x16xf32>,
      %get3A_408 = vector.shape_cast %get3A_407 : vector<1x16xf32> to vector<16xf32>
      %mul3A_409 = arith.constant 11.3137083 : f32
      %mul3A_410 = vector.broadcast %mul3A_409 : f32 to vector<16xf32>
      %mul3A_411 = arith.mulf %get3A_408, %mul3A_410 : vector<16xf32>
      %swap3A_412 = arith.index_cast %scan3A_346 : i32 to index
      %swap3A_413 = arith.constant 80 : index
      %swap3A_414 = tpu.vector_load %arg10[%swap3A_412, %swap3A_413] {strides = array<i32>} : memref<128x128xf32, #tpu.memory_space<vmem>>, vector<1x16xf32>,
      %swap3A_415 = vector.shape_cast %swap3A_414 : vector<1x16xf32> to vector<16xf32>
      %swap3A_416 = vector.shape_cast %mul3A_411 : vector<16xf32> to vector<1x16xf32>
      tpu.vector_store %arg10[%swap3A_412, %swap3A_413], %swap3A_416 {strides = array<i32>} : memref<128x128xf32, #tpu.memory_space<vmem>>, vector<1x16xf32>,
      %get3A_417 = arith.index_cast %scan3A_346 : i32 to index
      %get3A_418 = arith.constant 96 : index
      %get3A_419 = tpu.vector_load %arg8[%get3A_417, %get3A_418] {strides = array<i32>} : memref<128x128xf32, #tpu.memory_space<vmem>>, vector<1x16xf32>,
      %get3A_420 = vector.shape_cast %get3A_419 : vector<1x16xf32> to vector<16xf32>
      %mul3A_421 = arith.constant 11.3137083 : f32
      %mul3A_422 = vector.broadcast %mul3A_421 : f32 to vector<16xf32>
      %mul3A_423 = arith.mulf %get3A_420, %mul3A_422 : vector<16xf32>
      %swap3A_424 = arith.index_cast %scan3A_346 : i32 to index
      %swap3A_425 = arith.constant 96 : index
      %swap3A_426 = tpu.vector_load %arg10[%swap3A_424, %swap3A_425] {strides = array<i32>} : memref<128x128xf32, #tpu.memory_space<vmem>>, vector<1x16xf32>,
      %swap3A_427 = vector.shape_cast %swap3A_426 : vector<1x16xf32> to vector<16xf32>
      %swap3A_428 = vector.shape_cast %mul3A_423 : vector<16xf32> to vector<1x16xf32>
      tpu.vector_store %arg10[%swap3A_424, %swap3A_425], %swap3A_428 {strides = array<i32>} : memref<128x128xf32, #tpu.memory_space<vmem>>, vector<1x16xf32>,
      %get3A_429 = arith.index_cast %scan3A_346 : i32 to index
      %get3A_430 = arith.constant 112 : index
      %get3A_431 = tpu.vector_load %arg8[%get3A_429, %get3A_430] {strides = array<i32>} : memref<128x128xf32, #tpu.memory_space<vmem>>, vector<1x16xf32>,
      %get3A_432 = vector.shape_cast %get3A_431 : vector<1x16xf32> to vector<16xf32>
      %mul3A_433 = arith.constant 11.3137083 : f32
      %mul3A_434 = vector.broadcast %mul3A_433 : f32 to vector<16xf32>
      %mul3A_435 = arith.mulf %get3A_432, %mul3A_434 : vector<16xf32>
      %swap3A_436 = arith.index_cast %scan3A_346 : i32 to index
      %swap3A_437 = arith.constant 112 : index
      %swap3A_438 = tpu.vector_load %arg10[%swap3A_436, %swap3A_437] {strides = array<i32>} : memref<128x128xf32, #tpu.memory_space<vmem>>, vector<1x16xf32>,
      %swap3A_439 = vector.shape_cast %swap3A_438 : vector<1x16xf32> to vector<16xf32>
      %swap3A_440 = vector.shape_cast %mul3A_435 : vector<16xf32> to vector<1x16xf32>
      tpu.vector_store %arg10[%swap3A_436, %swap3A_437], %swap3A_440 {strides = array<i32>} : memref<128x128xf32, #tpu.memory_space<vmem>>, vector<1x16xf32>,
    }
    %scan3A_243 = arith.constant 128 : i32
    %dma_start3A_244 = arith.constant 46 : i32
    %dma_start3A_245 = arith.constant 0 : i32
    %dma_start3A_246 = tpu.memref_slice %arg4[%dma_start3A_244, %mul3A_2, %dma_start3A_245] : memref<50x4096x128xf32, #tpu.memory_space<hbm>> -> memref<1x128x128xf32, #tpu.memory_space<hbm>>
    %dma_start3A_247 = tpu.memref_squeeze %dma_start3A_246 : memref<1x128x128xf32, #tpu.memory_space<hbm>> -> memref<128x128xf32, #tpu.memory_space<hbm>>
    %dma_start3A_248 = arith.constant 0 : i32
    %dma_start3A_249 = tpu.memref_slice %arg4[%dma_start3A_244, %mul3A_2, %dma_start3A_248] : memref<50x4096x128xf32, #tpu.memory_space<hbm>> -> memref<1x128x128xf32, #tpu.memory_space<hbm>>
    %dma_start3A_250 = tpu.memref_squeeze %dma_start3A_249 : memref<1x128x128xf32, #tpu.memory_space<hbm>> -> memref<128x128xf32, #tpu.memory_space<hbm>>
    tpu.enqueue_dma source(%arg10 : memref<128x128xf32, #tpu.memory_space<vmem>>) target(%dma_start3A_250 : memref<128x128xf32, #tpu.memory_space<hbm>>) target_semaphore(%arg16 : memref<!tpu.dma_semaphore, #tpu.memory_space<semaphore_mem>>)
    %dma_wait3A_251 = arith.constant 47 : i32
    %dma_wait3A_252 = arith.constant 0 : i32
    %dma_wait3A_253 = tpu.memref_slice %arg5[%dma_wait3A_251, %dma_wait3A_252] : memref<50x128xi32, #tpu.memory_space<vmem>> -> memref<1x128xi32, #tpu.memory_space<vmem>>
    %dma_wait3A_254 = tpu.memref_squeeze %dma_wait3A_253 : memref<1x128xi32, #tpu.memory_space<vmem>> -> memref<128xi32, #tpu.memory_space<vmem>>
    %dma_wait3A_255 = arith.constant 0 : i32
    %dma_wait3A_256 = arith.constant 0 : i32
    %dma_wait3A_257 = tpu.memref_slice %arg3[%dma_wait3A_255, %dma_wait3A_256] : memref<100000x128xf32, #tpu.memory_space<hbm>> -> memref<100000x128xf32, #tpu.memory_space<hbm>>
    tpu.wait_indirect_dma semaphore(%arg15 : memref<!tpu.dma_semaphore, #tpu.memory_space<semaphore_mem>>) src(%dma_wait3A_257 : memref<100000x128xf32, #tpu.memory_space<hbm>>) dst(%arg9 : memref<128x128xf32, #tpu.memory_space<vmem>>)
    %dma_wait3A_258 = arith.constant 45 : i32
    %dma_wait3A_259 = arith.constant 0 : i32
    %dma_wait3A_260 = tpu.memref_slice %arg4[%dma_wait3A_258, %mul3A_2, %dma_wait3A_259] : memref<50x4096x128xf32, #tpu.memory_space<hbm>> -> memref<1x128x128xf32, #tpu.memory_space<hbm>>
    %dma_wait3A_261 = tpu.memref_squeeze %dma_wait3A_260 : memref<1x128x128xf32, #tpu.memory_space<hbm>> -> memref<128x128xf32, #tpu.memory_space<hbm>>
    %dma_wait3A_262 = arith.constant 0 : i32
    %dma_wait3A_263 = tpu.memref_slice %arg4[%dma_wait3A_258, %mul3A_2, %dma_wait3A_262] : memref<50x4096x128xf32, #tpu.memory_space<hbm>> -> memref<1x128x128xf32, #tpu.memory_space<hbm>>
    %dma_wait3A_264 = tpu.memref_squeeze %dma_wait3A_263 : memref<1x128x128xf32, #tpu.memory_space<hbm>> -> memref<128x128xf32, #tpu.memory_space<hbm>>
    tpu.wait_dma2 semaphore(%arg17 : memref<!tpu.dma_semaphore, #tpu.memory_space<semaphore_mem>>) src(%arg11 : memref<128x128xf32, #tpu.memory_space<vmem>>) dst(%dma_wait3A_264 : memref<128x128xf32, #tpu.memory_space<hbm>>)
    %scan3A_265 = arith.constant 0 : i32
    %scan3A_266 = arith.constant 0 : i32
    %scan3A_267 = arith.constant 128 : i32
    %scan3A_268 = arith.addi %scan3A_266, %scan3A_267 : i32
    %scan3A_269 = arith.constant 1 : i32
    scf.for %scan3A_346 = %scan3A_266 to %scan3A_268 step %scan3A_269  : i32 {
      %get3A = arith.index_cast %scan3A_346 : i32 to index
      %get3A_347 = arith.constant 0 : index
      %get3A_348 = tpu.vector_load %arg9[%get3A, %get3A_347] {strides = array<i32>} : memref<128x128xf32, #tpu.memory_space<vmem>>, vector<1x16xf32>,
      %get3A_349 = vector.shape_cast %get3A_348 : vector<1x16xf32> to vector<16xf32>
      %mul3A_350 = arith.constant 11.3137083 : f32
      %mul3A_351 = vector.broadcast %mul3A_350 : f32 to vector<16xf32>
      %mul3A_352 = arith.mulf %get3A_349, %mul3A_351 : vector<16xf32>
      %swap3A = arith.index_cast %scan3A_346 : i32 to index
      %swap3A_353 = arith.constant 0 : index
      %swap3A_354 = tpu.vector_load %arg11[%swap3A, %swap3A_353] {strides = array<i32>} : memref<128x128xf32, #tpu.memory_space<vmem>>, vector<1x16xf32>,
      %swap3A_355 = vector.shape_cast %swap3A_354 : vector<1x16xf32> to vector<16xf32>
      %swap3A_356 = vector.shape_cast %mul3A_352 : vector<16xf32> to vector<1x16xf32>
      tpu.vector_store %arg11[%swap3A, %swap3A_353], %swap3A_356 {strides = array<i32>} : memref<128x128xf32, #tpu.memory_space<vmem>>, vector<1x16xf32>,
      %get3A_357 = arith.index_cast %scan3A_346 : i32 to index
      %get3A_358 = arith.constant 16 : index
      %get3A_359 = tpu.vector_load %arg9[%get3A_357, %get3A_358] {strides = array<i32>} : memref<128x128xf32, #tpu.memory_space<vmem>>, vector<1x16xf32>,
      %get3A_360 = vector.shape_cast %get3A_359 : vector<1x16xf32> to vector<16xf32>
      %mul3A_361 = arith.constant 11.3137083 : f32
      %mul3A_362 = vector.broadcast %mul3A_361 : f32 to vector<16xf32>
      %mul3A_363 = arith.mulf %get3A_360, %mul3A_362 : vector<16xf32>
      %swap3A_364 = arith.index_cast %scan3A_346 : i32 to index
      %swap3A_365 = arith.constant 16 : index
      %swap3A_366 = tpu.vector_load %arg11[%swap3A_364, %swap3A_365] {strides = array<i32>} : memref<128x128xf32, #tpu.memory_space<vmem>>, vector<1x16xf32>,
      %swap3A_367 = vector.shape_cast %swap3A_366 : vector<1x16xf32> to vector<16xf32>
      %swap3A_368 = vector.shape_cast %mul3A_363 : vector<16xf32> to vector<1x16xf32>
      tpu.vector_store %arg11[%swap3A_364, %swap3A_365], %swap3A_368 {strides = array<i32>} : memref<128x128xf32, #tpu.memory_space<vmem>>, vector<1x16xf32>,
      %get3A_369 = arith.index_cast %scan3A_346 : i32 to index
      %get3A_370 = arith.constant 32 : index
      %get3A_371 = tpu.vector_load %arg9[%get3A_369, %get3A_370] {strides = array<i32>} : memref<128x128xf32, #tpu.memory_space<vmem>>, vector<1x16xf32>,
      %get3A_372 = vector.shape_cast %get3A_371 : vector<1x16xf32> to vector<16xf32>
      %mul3A_373 = arith.constant 11.3137083 : f32
      %mul3A_374 = vector.broadcast %mul3A_373 : f32 to vector<16xf32>
      %mul3A_375 = arith.mulf %get3A_372, %mul3A_374 : vector<16xf32>
      %swap3A_376 = arith.index_cast %scan3A_346 : i32 to index
      %swap3A_377 = arith.constant 32 : index
      %swap3A_378 = tpu.vector_load %arg11[%swap3A_376, %swap3A_377] {strides = array<i32>} : memref<128x128xf32, #tpu.memory_space<vmem>>, vector<1x16xf32>,
      %swap3A_379 = vector.shape_cast %swap3A_378 : vector<1x16xf32> to vector<16xf32>
      %swap3A_380 = vector.shape_cast %mul3A_375 : vector<16xf32> to vector<1x16xf32>
      tpu.vector_store %arg11[%swap3A_376, %swap3A_377], %swap3A_380 {strides = array<i32>} : memref<128x128xf32, #tpu.memory_space<vmem>>, vector<1x16xf32>,
      %get3A_381 = arith.index_cast %scan3A_346 : i32 to index
      %get3A_382 = arith.constant 48 : index
      %get3A_383 = tpu.vector_load %arg9[%get3A_381, %get3A_382] {strides = array<i32>} : memref<128x128xf32, #tpu.memory_space<vmem>>, vector<1x16xf32>,
      %get3A_384 = vector.shape_cast %get3A_383 : vector<1x16xf32> to vector<16xf32>
      %mul3A_385 = arith.constant 11.3137083 : f32
      %mul3A_386 = vector.broadcast %mul3A_385 : f32 to vector<16xf32>
      %mul3A_387 = arith.mulf %get3A_384, %mul3A_386 : vector<16xf32>
      %swap3A_388 = arith.index_cast %scan3A_346 : i32 to index
      %swap3A_389 = arith.constant 48 : index
      %swap3A_390 = tpu.vector_load %arg11[%swap3A_388, %swap3A_389] {strides = array<i32>} : memref<128x128xf32, #tpu.memory_space<vmem>>, vector<1x16xf32>,
      %swap3A_391 = vector.shape_cast %swap3A_390 : vector<1x16xf32> to vector<16xf32>
      %swap3A_392 = vector.shape_cast %mul3A_387 : vector<16xf32> to vector<1x16xf32>
      tpu.vector_store %arg11[%swap3A_388, %swap3A_389], %swap3A_392 {strides = array<i32>} : memref<128x128xf32, #tpu.memory_space<vmem>>, vector<1x16xf32>,
      %get3A_393 = arith.index_cast %scan3A_346 : i32 to index
      %get3A_394 = arith.constant 64 : index
      %get3A_395 = tpu.vector_load %arg9[%get3A_393, %get3A_394] {strides = array<i32>} : memref<128x128xf32, #tpu.memory_space<vmem>>, vector<1x16xf32>,
      %get3A_396 = vector.shape_cast %get3A_395 : vector<1x16xf32> to vector<16xf32>
      %mul3A_397 = arith.constant 11.3137083 : f32
      %mul3A_398 = vector.broadcast %mul3A_397 : f32 to vector<16xf32>
      %mul3A_399 = arith.mulf %get3A_396, %mul3A_398 : vector<16xf32>
      %swap3A_400 = arith.index_cast %scan3A_346 : i32 to index
      %swap3A_401 = arith.constant 64 : index
      %swap3A_402 = tpu.vector_load %arg11[%swap3A_400, %swap3A_401] {strides = array<i32>} : memref<128x128xf32, #tpu.memory_space<vmem>>, vector<1x16xf32>,
      %swap3A_403 = vector.shape_cast %swap3A_402 : vector<1x16xf32> to vector<16xf32>
      %swap3A_404 = vector.shape_cast %mul3A_399 : vector<16xf32> to vector<1x16xf32>
      tpu.vector_store %arg11[%swap3A_400, %swap3A_401], %swap3A_404 {strides = array<i32>} : memref<128x128xf32, #tpu.memory_space<vmem>>, vector<1x16xf32>,
      %get3A_405 = arith.index_cast %scan3A_346 : i32 to index
      %get3A_406 = arith.constant 80 : index
      %get3A_407 = tpu.vector_load %arg9[%get3A_405, %get3A_406] {strides = array<i32>} : memref<128x128xf32, #tpu.memory_space<vmem>>, vector<1x16xf32>,
      %get3A_408 = vector.shape_cast %get3A_407 : vector<1x16xf32> to vector<16xf32>
      %mul3A_409 = arith.constant 11.3137083 : f32
      %mul3A_410 = vector.broadcast %mul3A_409 : f32 to vector<16xf32>
      %mul3A_411 = arith.mulf %get3A_408, %mul3A_410 : vector<16xf32>
      %swap3A_412 = arith.index_cast %scan3A_346 : i32 to index
      %swap3A_413 = arith.constant 80 : index
      %swap3A_414 = tpu.vector_load %arg11[%swap3A_412, %swap3A_413] {strides = array<i32>} : memref<128x128xf32, #tpu.memory_space<vmem>>, vector<1x16xf32>,
      %swap3A_415 = vector.shape_cast %swap3A_414 : vector<1x16xf32> to vector<16xf32>
      %swap3A_416 = vector.shape_cast %mul3A_411 : vector<16xf32> to vector<1x16xf32>
      tpu.vector_store %arg11[%swap3A_412, %swap3A_413], %swap3A_416 {strides = array<i32>} : memref<128x128xf32, #tpu.memory_space<vmem>>, vector<1x16xf32>,
      %get3A_417 = arith.index_cast %scan3A_346 : i32 to index
      %get3A_418 = arith.constant 96 : index
      %get3A_419 = tpu.vector_load %arg9[%get3A_417, %get3A_418] {strides = array<i32>} : memref<128x128xf32, #tpu.memory_space<vmem>>, vector<1x16xf32>,
      %get3A_420 = vector.shape_cast %get3A_419 : vector<1x16xf32> to vector<16xf32>
      %mul3A_421 = arith.constant 11.3137083 : f32
      %mul3A_422 = vector.broadcast %mul3A_421 : f32 to vector<16xf32>
      %mul3A_423 = arith.mulf %get3A_420, %mul3A_422 : vector<16xf32>
      %swap3A_424 = arith.index_cast %scan3A_346 : i32 to index
      %swap3A_425 = arith.constant 96 : index
      %swap3A_426 = tpu.vector_load %arg11[%swap3A_424, %swap3A_425] {strides = array<i32>} : memref<128x128xf32, #tpu.memory_space<vmem>>, vector<1x16xf32>,
      %swap3A_427 = vector.shape_cast %swap3A_426 : vector<1x16xf32> to vector<16xf32>
      %swap3A_428 = vector.shape_cast %mul3A_423 : vector<16xf32> to vector<1x16xf32>
      tpu.vector_store %arg11[%swap3A_424, %swap3A_425], %swap3A_428 {strides = array<i32>} : memref<128x128xf32, #tpu.memory_space<vmem>>, vector<1x16xf32>,
      %get3A_429 = arith.index_cast %scan3A_346 : i32 to index
      %get3A_430 = arith.constant 112 : index
      %get3A_431 = tpu.vector_load %arg9[%get3A_429, %get3A_430] {strides = array<i32>} : memref<128x128xf32, #tpu.memory_space<vmem>>, vector<1x16xf32>,
      %get3A_432 = vector.shape_cast %get3A_431 : vector<1x16xf32> to vector<16xf32>
      %mul3A_433 = arith.constant 11.3137083 : f32
      %mul3A_434 = vector.broadcast %mul3A_433 : f32 to vector<16xf32>
      %mul3A_435 = arith.mulf %get3A_432, %mul3A_434 : vector<16xf32>
      %swap3A_436 = arith.index_cast %scan3A_346 : i32 to index
      %swap3A_437 = arith.constant 112 : index
      %swap3A_438 = tpu.vector_load %arg11[%swap3A_436, %swap3A_437] {strides = array<i32>} : memref<128x128xf32, #tpu.memory_space<vmem>>, vector<1x16xf32>,
      %swap3A_439 = vector.shape_cast %swap3A_438 : vector<1x16xf32> to vector<16xf32>
      %swap3A_440 = vector.shape_cast %mul3A_435 : vector<16xf32> to vector<1x16xf32>
      tpu.vector_store %arg11[%swap3A_436, %swap3A_437], %swap3A_440 {strides = array<i32>} : memref<128x128xf32, #tpu.memory_space<vmem>>, vector<1x16xf32>,
    }
    %scan3A_270 = arith.constant 128 : i32
    %dma_start3A_271 = arith.constant 47 : i32
    %dma_start3A_272 = arith.constant 0 : i32
    %dma_start3A_273 = tpu.memref_slice %arg4[%dma_start3A_271, %mul3A_2, %dma_start3A_272] : memref<50x4096x128xf32, #tpu.memory_space<hbm>> -> memref<1x128x128xf32, #tpu.memory_space<hbm>>
    %dma_start3A_274 = tpu.memref_squeeze %dma_start3A_273 : memref<1x128x128xf32, #tpu.memory_space<hbm>> -> memref<128x128xf32, #tpu.memory_space<hbm>>
    %dma_start3A_275 = arith.constant 0 : i32
    %dma_start3A_276 = tpu.memref_slice %arg4[%dma_start3A_271, %mul3A_2, %dma_start3A_275] : memref<50x4096x128xf32, #tpu.memory_space<hbm>> -> memref<1x128x128xf32, #tpu.memory_space<hbm>>
    %dma_start3A_277 = tpu.memref_squeeze %dma_start3A_276 : memref<1x128x128xf32, #tpu.memory_space<hbm>> -> memref<128x128xf32, #tpu.memory_space<hbm>>
    tpu.enqueue_dma source(%arg11 : memref<128x128xf32, #tpu.memory_space<vmem>>) target(%dma_start3A_277 : memref<128x128xf32, #tpu.memory_space<hbm>>) target_semaphore(%arg17 : memref<!tpu.dma_semaphore, #tpu.memory_space<semaphore_mem>>)
    %dma_wait3A_278 = arith.constant 48 : i32
    %dma_wait3A_279 = arith.constant 0 : i32
    %dma_wait3A_280 = tpu.memref_slice %arg5[%dma_wait3A_278, %dma_wait3A_279] : memref<50x128xi32, #tpu.memory_space<vmem>> -> memref<1x128xi32, #tpu.memory_space<vmem>>
    %dma_wait3A_281 = tpu.memref_squeeze %dma_wait3A_280 : memref<1x128xi32, #tpu.memory_space<vmem>> -> memref<128xi32, #tpu.memory_space<vmem>>
    %dma_wait3A_282 = arith.constant 0 : i32
    %dma_wait3A_283 = arith.constant 0 : i32
    %dma_wait3A_284 = tpu.memref_slice %arg3[%dma_wait3A_282, %dma_wait3A_283] : memref<100000x128xf32, #tpu.memory_space<hbm>> -> memref<100000x128xf32, #tpu.memory_space<hbm>>
    tpu.wait_indirect_dma semaphore(%arg12 : memref<!tpu.dma_semaphore, #tpu.memory_space<semaphore_mem>>) src(%dma_wait3A_284 : memref<100000x128xf32, #tpu.memory_space<hbm>>) dst(%arg6 : memref<128x128xf32, #tpu.memory_space<vmem>>)
    %dma_wait3A_285 = arith.constant 46 : i32
    %dma_wait3A_286 = arith.constant 0 : i32
    %dma_wait3A_287 = tpu.memref_slice %arg4[%dma_wait3A_285, %mul3A_2, %dma_wait3A_286] : memref<50x4096x128xf32, #tpu.memory_space<hbm>> -> memref<1x128x128xf32, #tpu.memory_space<hbm>>
    %dma_wait3A_288 = tpu.memref_squeeze %dma_wait3A_287 : memref<1x128x128xf32, #tpu.memory_space<hbm>> -> memref<128x128xf32, #tpu.memory_space<hbm>>
    %dma_wait3A_289 = arith.constant 0 : i32
    %dma_wait3A_290 = tpu.memref_slice %arg4[%dma_wait3A_285, %mul3A_2, %dma_wait3A_289] : memref<50x4096x128xf32, #tpu.memory_space<hbm>> -> memref<1x128x128xf32, #tpu.memory_space<hbm>>
    %dma_wait3A_291 = tpu.memref_squeeze %dma_wait3A_290 : memref<1x128x128xf32, #tpu.memory_space<hbm>> -> memref<128x128xf32, #tpu.memory_space<hbm>>
    tpu.wait_dma2 semaphore(%arg16 : memref<!tpu.dma_semaphore, #tpu.memory_space<semaphore_mem>>) src(%arg10 : memref<128x128xf32, #tpu.memory_space<vmem>>) dst(%dma_wait3A_291 : memref<128x128xf32, #tpu.memory_space<hbm>>)
    %scan3A_292 = arith.constant 0 : i32
    %scan3A_293 = arith.constant 0 : i32
    %scan3A_294 = arith.constant 128 : i32
    %scan3A_295 = arith.addi %scan3A_293, %scan3A_294 : i32
    %scan3A_296 = arith.constant 1 : i32
    scf.for %scan3A_346 = %scan3A_293 to %scan3A_295 step %scan3A_296  : i32 {
      %get3A = arith.index_cast %scan3A_346 : i32 to index
      %get3A_347 = arith.constant 0 : index
      %get3A_348 = tpu.vector_load %arg6[%get3A, %get3A_347] {strides = array<i32>} : memref<128x128xf32, #tpu.memory_space<vmem>>, vector<1x16xf32>,
      %get3A_349 = vector.shape_cast %get3A_348 : vector<1x16xf32> to vector<16xf32>
      %mul3A_350 = arith.constant 11.3137083 : f32
      %mul3A_351 = vector.broadcast %mul3A_350 : f32 to vector<16xf32>
      %mul3A_352 = arith.mulf %get3A_349, %mul3A_351 : vector<16xf32>
      %swap3A = arith.index_cast %scan3A_346 : i32 to index
      %swap3A_353 = arith.constant 0 : index
      %swap3A_354 = tpu.vector_load %arg10[%swap3A, %swap3A_353] {strides = array<i32>} : memref<128x128xf32, #tpu.memory_space<vmem>>, vector<1x16xf32>,
      %swap3A_355 = vector.shape_cast %swap3A_354 : vector<1x16xf32> to vector<16xf32>
      %swap3A_356 = vector.shape_cast %mul3A_352 : vector<16xf32> to vector<1x16xf32>
      tpu.vector_store %arg10[%swap3A, %swap3A_353], %swap3A_356 {strides = array<i32>} : memref<128x128xf32, #tpu.memory_space<vmem>>, vector<1x16xf32>,
      %get3A_357 = arith.index_cast %scan3A_346 : i32 to index
      %get3A_358 = arith.constant 16 : index
      %get3A_359 = tpu.vector_load %arg6[%get3A_357, %get3A_358] {strides = array<i32>} : memref<128x128xf32, #tpu.memory_space<vmem>>, vector<1x16xf32>,
      %get3A_360 = vector.shape_cast %get3A_359 : vector<1x16xf32> to vector<16xf32>
      %mul3A_361 = arith.constant 11.3137083 : f32
      %mul3A_362 = vector.broadcast %mul3A_361 : f32 to vector<16xf32>
      %mul3A_363 = arith.mulf %get3A_360, %mul3A_362 : vector<16xf32>
      %swap3A_364 = arith.index_cast %scan3A_346 : i32 to index
      %swap3A_365 = arith.constant 16 : index
      %swap3A_366 = tpu.vector_load %arg10[%swap3A_364, %swap3A_365] {strides = array<i32>} : memref<128x128xf32, #tpu.memory_space<vmem>>, vector<1x16xf32>,
      %swap3A_367 = vector.shape_cast %swap3A_366 : vector<1x16xf32> to vector<16xf32>
      %swap3A_368 = vector.shape_cast %mul3A_363 : vector<16xf32> to vector<1x16xf32>
      tpu.vector_store %arg10[%swap3A_364, %swap3A_365], %swap3A_368 {strides = array<i32>} : memref<128x128xf32, #tpu.memory_space<vmem>>, vector<1x16xf32>,
      %get3A_369 = arith.index_cast %scan3A_346 : i32 to index
      %get3A_370 = arith.constant 32 : index
      %get3A_371 = tpu.vector_load %arg6[%get3A_369, %get3A_370] {strides = array<i32>} : memref<128x128xf32, #tpu.memory_space<vmem>>, vector<1x16xf32>,
      %get3A_372 = vector.shape_cast %get3A_371 : vector<1x16xf32> to vector<16xf32>
      %mul3A_373 = arith.constant 11.3137083 : f32
      %mul3A_374 = vector.broadcast %mul3A_373 : f32 to vector<16xf32>
      %mul3A_375 = arith.mulf %get3A_372, %mul3A_374 : vector<16xf32>
      %swap3A_376 = arith.index_cast %scan3A_346 : i32 to index
      %swap3A_377 = arith.constant 32 : index
      %swap3A_378 = tpu.vector_load %arg10[%swap3A_376, %swap3A_377] {strides = array<i32>} : memref<128x128xf32, #tpu.memory_space<vmem>>, vector<1x16xf32>,
      %swap3A_379 = vector.shape_cast %swap3A_378 : vector<1x16xf32> to vector<16xf32>
      %swap3A_380 = vector.shape_cast %mul3A_375 : vector<16xf32> to vector<1x16xf32>
      tpu.vector_store %arg10[%swap3A_376, %swap3A_377], %swap3A_380 {strides = array<i32>} : memref<128x128xf32, #tpu.memory_space<vmem>>, vector<1x16xf32>,
      %get3A_381 = arith.index_cast %scan3A_346 : i32 to index
      %get3A_382 = arith.constant 48 : index
      %get3A_383 = tpu.vector_load %arg6[%get3A_381, %get3A_382] {strides = array<i32>} : memref<128x128xf32, #tpu.memory_space<vmem>>, vector<1x16xf32>,
      %get3A_384 = vector.shape_cast %get3A_383 : vector<1x16xf32> to vector<16xf32>
      %mul3A_385 = arith.constant 11.3137083 : f32
      %mul3A_386 = vector.broadcast %mul3A_385 : f32 to vector<16xf32>
      %mul3A_387 = arith.mulf %get3A_384, %mul3A_386 : vector<16xf32>
      %swap3A_388 = arith.index_cast %scan3A_346 : i32 to index
      %swap3A_389 = arith.constant 48 : index
      %swap3A_390 = tpu.vector_load %arg10[%swap3A_388, %swap3A_389] {strides = array<i32>} : memref<128x128xf32, #tpu.memory_space<vmem>>, vector<1x16xf32>,
      %swap3A_391 = vector.shape_cast %swap3A_390 : vector<1x16xf32> to vector<16xf32>
      %swap3A_392 = vector.shape_cast %mul3A_387 : vector<16xf32> to vector<1x16xf32>
      tpu.vector_store %arg10[%swap3A_388, %swap3A_389], %swap3A_392 {strides = array<i32>} : memref<128x128xf32, #tpu.memory_space<vmem>>, vector<1x16xf32>,
      %get3A_393 = arith.index_cast %scan3A_346 : i32 to index
      %get3A_394 = arith.constant 64 : index
      %get3A_395 = tpu.vector_load %arg6[%get3A_393, %get3A_394] {strides = array<i32>} : memref<128x128xf32, #tpu.memory_space<vmem>>, vector<1x16xf32>,
      %get3A_396 = vector.shape_cast %get3A_395 : vector<1x16xf32> to vector<16xf32>
      %mul3A_397 = arith.constant 11.3137083 : f32
      %mul3A_398 = vector.broadcast %mul3A_397 : f32 to vector<16xf32>
      %mul3A_399 = arith.mulf %get3A_396, %mul3A_398 : vector<16xf32>
      %swap3A_400 = arith.index_cast %scan3A_346 : i32 to index
      %swap3A_401 = arith.constant 64 : index
      %swap3A_402 = tpu.vector_load %arg10[%swap3A_400, %swap3A_401] {strides = array<i32>} : memref<128x128xf32, #tpu.memory_space<vmem>>, vector<1x16xf32>,
      %swap3A_403 = vector.shape_cast %swap3A_402 : vector<1x16xf32> to vector<16xf32>
      %swap3A_404 = vector.shape_cast %mul3A_399 : vector<16xf32> to vector<1x16xf32>
      tpu.vector_store %arg10[%swap3A_400, %swap3A_401], %swap3A_404 {strides = array<i32>} : memref<128x128xf32, #tpu.memory_space<vmem>>, vector<1x16xf32>,
      %get3A_405 = arith.index_cast %scan3A_346 : i32 to index
      %get3A_406 = arith.constant 80 : index
      %get3A_407 = tpu.vector_load %arg6[%get3A_405, %get3A_406] {strides = array<i32>} : memref<128x128xf32, #tpu.memory_space<vmem>>, vector<1x16xf32>,
      %get3A_408 = vector.shape_cast %get3A_407 : vector<1x16xf32> to vector<16xf32>
      %mul3A_409 = arith.constant 11.3137083 : f32
      %mul3A_410 = vector.broadcast %mul3A_409 : f32 to vector<16xf32>
      %mul3A_411 = arith.mulf %get3A_408, %mul3A_410 : vector<16xf32>
      %swap3A_412 = arith.index_cast %scan3A_346 : i32 to index
      %swap3A_413 = arith.constant 80 : index
      %swap3A_414 = tpu.vector_load %arg10[%swap3A_412, %swap3A_413] {strides = array<i32>} : memref<128x128xf32, #tpu.memory_space<vmem>>, vector<1x16xf32>,
      %swap3A_415 = vector.shape_cast %swap3A_414 : vector<1x16xf32> to vector<16xf32>
      %swap3A_416 = vector.shape_cast %mul3A_411 : vector<16xf32> to vector<1x16xf32>
      tpu.vector_store %arg10[%swap3A_412, %swap3A_413], %swap3A_416 {strides = array<i32>} : memref<128x128xf32, #tpu.memory_space<vmem>>, vector<1x16xf32>,
      %get3A_417 = arith.index_cast %scan3A_346 : i32 to index
      %get3A_418 = arith.constant 96 : index
      %get3A_419 = tpu.vector_load %arg6[%get3A_417, %get3A_418] {strides = array<i32>} : memref<128x128xf32, #tpu.memory_space<vmem>>, vector<1x16xf32>,
      %get3A_420 = vector.shape_cast %get3A_419 : vector<1x16xf32> to vector<16xf32>
      %mul3A_421 = arith.constant 11.3137083 : f32
      %mul3A_422 = vector.broadcast %mul3A_421 : f32 to vector<16xf32>
      %mul3A_423 = arith.mulf %get3A_420, %mul3A_422 : vector<16xf32>
      %swap3A_424 = arith.index_cast %scan3A_346 : i32 to index
      %swap3A_425 = arith.constant 96 : index
      %swap3A_426 = tpu.vector_load %arg10[%swap3A_424, %swap3A_425] {strides = array<i32>} : memref<128x128xf32, #tpu.memory_space<vmem>>, vector<1x16xf32>,
      %swap3A_427 = vector.shape_cast %swap3A_426 : vector<1x16xf32> to vector<16xf32>
      %swap3A_428 = vector.shape_cast %mul3A_423 : vector<16xf32> to vector<1x16xf32>
      tpu.vector_store %arg10[%swap3A_424, %swap3A_425], %swap3A_428 {strides = array<i32>} : memref<128x128xf32, #tpu.memory_space<vmem>>, vector<1x16xf32>,
      %get3A_429 = arith.index_cast %scan3A_346 : i32 to index
      %get3A_430 = arith.constant 112 : index
      %get3A_431 = tpu.vector_load %arg6[%get3A_429, %get3A_430] {strides = array<i32>} : memref<128x128xf32, #tpu.memory_space<vmem>>, vector<1x16xf32>,
      %get3A_432 = vector.shape_cast %get3A_431 : vector<1x16xf32> to vector<16xf32>
      %mul3A_433 = arith.constant 11.3137083 : f32
      %mul3A_434 = vector.broadcast %mul3A_433 : f32 to vector<16xf32>
      %mul3A_435 = arith.mulf %get3A_432, %mul3A_434 : vector<16xf32>
      %swap3A_436 = arith.index_cast %scan3A_346 : i32 to index
      %swap3A_437 = arith.constant 112 : index
      %swap3A_438 = tpu.vector_load %arg10[%swap3A_436, %swap3A_437] {strides = array<i32>} : memref<128x128xf32, #tpu.memory_space<vmem>>, vector<1x16xf32>,
      %swap3A_439 = vector.shape_cast %swap3A_438 : vector<1x16xf32> to vector<16xf32>
      %swap3A_440 = vector.shape_cast %mul3A_435 : vector<16xf32> to vector<1x16xf32>
      tpu.vector_store %arg10[%swap3A_436, %swap3A_437], %swap3A_440 {strides = array<i32>} : memref<128x128xf32, #tpu.memory_space<vmem>>, vector<1x16xf32>,
    }
    %scan3A_297 = arith.constant 128 : i32
    %dma_start3A_298 = arith.constant 48 : i32
    %dma_start3A_299 = arith.constant 0 : i32
    %dma_start3A_300 = tpu.memref_slice %arg4[%dma_start3A_298, %mul3A_2, %dma_start3A_299] : memref<50x4096x128xf32, #tpu.memory_space<hbm>> -> memref<1x128x128xf32, #tpu.memory_space<hbm>>
    %dma_start3A_301 = tpu.memref_squeeze %dma_start3A_300 : memref<1x128x128xf32, #tpu.memory_space<hbm>> -> memref<128x128xf32, #tpu.memory_space<hbm>>
    %dma_start3A_302 = arith.constant 0 : i32
    %dma_start3A_303 = tpu.memref_slice %arg4[%dma_start3A_298, %mul3A_2, %dma_start3A_302] : memref<50x4096x128xf32, #tpu.memory_space<hbm>> -> memref<1x128x128xf32, #tpu.memory_space<hbm>>
    %dma_start3A_304 = tpu.memref_squeeze %dma_start3A_303 : memref<1x128x128xf32, #tpu.memory_space<hbm>> -> memref<128x128xf32, #tpu.memory_space<hbm>>
    tpu.enqueue_dma source(%arg10 : memref<128x128xf32, #tpu.memory_space<vmem>>) target(%dma_start3A_304 : memref<128x128xf32, #tpu.memory_space<hbm>>) target_semaphore(%arg16 : memref<!tpu.dma_semaphore, #tpu.memory_space<semaphore_mem>>)
    %dma_wait3A_305 = arith.constant 49 : i32
    %dma_wait3A_306 = arith.constant 0 : i32
    %dma_wait3A_307 = tpu.memref_slice %arg5[%dma_wait3A_305, %dma_wait3A_306] : memref<50x128xi32, #tpu.memory_space<vmem>> -> memref<1x128xi32, #tpu.memory_space<vmem>>
    %dma_wait3A_308 = tpu.memref_squeeze %dma_wait3A_307 : memref<1x128xi32, #tpu.memory_space<vmem>> -> memref<128xi32, #tpu.memory_space<vmem>>
    %dma_wait3A_309 = arith.constant 0 : i32
    %dma_wait3A_310 = arith.constant 0 : i32
    %dma_wait3A_311 = tpu.memref_slice %arg3[%dma_wait3A_309, %dma_wait3A_310] : memref<100000x128xf32, #tpu.memory_space<hbm>> -> memref<100000x128xf32, #tpu.memory_space<hbm>>
    tpu.wait_indirect_dma semaphore(%arg13 : memref<!tpu.dma_semaphore, #tpu.memory_space<semaphore_mem>>) src(%dma_wait3A_311 : memref<100000x128xf32, #tpu.memory_space<hbm>>) dst(%arg7 : memref<128x128xf32, #tpu.memory_space<vmem>>)
    %dma_wait3A_312 = arith.constant 47 : i32
    %dma_wait3A_313 = arith.constant 0 : i32
    %dma_wait3A_314 = tpu.memref_slice %arg4[%dma_wait3A_312, %mul3A_2, %dma_wait3A_313] : memref<50x4096x128xf32, #tpu.memory_space<hbm>> -> memref<1x128x128xf32, #tpu.memory_space<hbm>>
    %dma_wait3A_315 = tpu.memref_squeeze %dma_wait3A_314 : memref<1x128x128xf32, #tpu.memory_space<hbm>> -> memref<128x128xf32, #tpu.memory_space<hbm>>
    %dma_wait3A_316 = arith.constant 0 : i32
    %dma_wait3A_317 = tpu.memref_slice %arg4[%dma_wait3A_312, %mul3A_2, %dma_wait3A_316] : memref<50x4096x128xf32, #tpu.memory_space<hbm>> -> memref<1x128x128xf32, #tpu.memory_space<hbm>>
    %dma_wait3A_318 = tpu.memref_squeeze %dma_wait3A_317 : memref<1x128x128xf32, #tpu.memory_space<hbm>> -> memref<128x128xf32, #tpu.memory_space<hbm>>
    tpu.wait_dma2 semaphore(%arg17 : memref<!tpu.dma_semaphore, #tpu.memory_space<semaphore_mem>>) src(%arg11 : memref<128x128xf32, #tpu.memory_space<vmem>>) dst(%dma_wait3A_318 : memref<128x128xf32, #tpu.memory_space<hbm>>)
    %scan3A_319 = arith.constant 0 : i32
    %scan3A_320 = arith.constant 0 : i32
    %scan3A_321 = arith.constant 128 : i32
    %scan3A_322 = arith.addi %scan3A_320, %scan3A_321 : i32
    %scan3A_323 = arith.constant 1 : i32
    scf.for %scan3A_346 = %scan3A_320 to %scan3A_322 step %scan3A_323  : i32 {
      %get3A = arith.index_cast %scan3A_346 : i32 to index
      %get3A_347 = arith.constant 0 : index
      %get3A_348 = tpu.vector_load %arg7[%get3A, %get3A_347] {strides = array<i32>} : memref<128x128xf32, #tpu.memory_space<vmem>>, vector<1x16xf32>,
      %get3A_349 = vector.shape_cast %get3A_348 : vector<1x16xf32> to vector<16xf32>
      %mul3A_350 = arith.constant 11.3137083 : f32
      %mul3A_351 = vector.broadcast %mul3A_350 : f32 to vector<16xf32>
      %mul3A_352 = arith.mulf %get3A_349, %mul3A_351 : vector<16xf32>
      %swap3A = arith.index_cast %scan3A_346 : i32 to index
      %swap3A_353 = arith.constant 0 : index
      %swap3A_354 = tpu.vector_load %arg11[%swap3A, %swap3A_353] {strides = array<i32>} : memref<128x128xf32, #tpu.memory_space<vmem>>, vector<1x16xf32>,
      %swap3A_355 = vector.shape_cast %swap3A_354 : vector<1x16xf32> to vector<16xf32>
      %swap3A_356 = vector.shape_cast %mul3A_352 : vector<16xf32> to vector<1x16xf32>
      tpu.vector_store %arg11[%swap3A, %swap3A_353], %swap3A_356 {strides = array<i32>} : memref<128x128xf32, #tpu.memory_space<vmem>>, vector<1x16xf32>,
      %get3A_357 = arith.index_cast %scan3A_346 : i32 to index
      %get3A_358 = arith.constant 16 : index
      %get3A_359 = tpu.vector_load %arg7[%get3A_357, %get3A_358] {strides = array<i32>} : memref<128x128xf32, #tpu.memory_space<vmem>>, vector<1x16xf32>,
      %get3A_360 = vector.shape_cast %get3A_359 : vector<1x16xf32> to vector<16xf32>
      %mul3A_361 = arith.constant 11.3137083 : f32
      %mul3A_362 = vector.broadcast %mul3A_361 : f32 to vector<16xf32>
      %mul3A_363 = arith.mulf %get3A_360, %mul3A_362 : vector<16xf32>
      %swap3A_364 = arith.index_cast %scan3A_346 : i32 to index
      %swap3A_365 = arith.constant 16 : index
      %swap3A_366 = tpu.vector_load %arg11[%swap3A_364, %swap3A_365] {strides = array<i32>} : memref<128x128xf32, #tpu.memory_space<vmem>>, vector<1x16xf32>,
      %swap3A_367 = vector.shape_cast %swap3A_366 : vector<1x16xf32> to vector<16xf32>
      %swap3A_368 = vector.shape_cast %mul3A_363 : vector<16xf32> to vector<1x16xf32>
      tpu.vector_store %arg11[%swap3A_364, %swap3A_365], %swap3A_368 {strides = array<i32>} : memref<128x128xf32, #tpu.memory_space<vmem>>, vector<1x16xf32>,
      %get3A_369 = arith.index_cast %scan3A_346 : i32 to index
      %get3A_370 = arith.constant 32 : index
      %get3A_371 = tpu.vector_load %arg7[%get3A_369, %get3A_370] {strides = array<i32>} : memref<128x128xf32, #tpu.memory_space<vmem>>, vector<1x16xf32>,
      %get3A_372 = vector.shape_cast %get3A_371 : vector<1x16xf32> to vector<16xf32>
      %mul3A_373 = arith.constant 11.3137083 : f32
      %mul3A_374 = vector.broadcast %mul3A_373 : f32 to vector<16xf32>
      %mul3A_375 = arith.mulf %get3A_372, %mul3A_374 : vector<16xf32>
      %swap3A_376 = arith.index_cast %scan3A_346 : i32 to index
      %swap3A_377 = arith.constant 32 : index
      %swap3A_378 = tpu.vector_load %arg11[%swap3A_376, %swap3A_377] {strides = array<i32>} : memref<128x128xf32, #tpu.memory_space<vmem>>, vector<1x16xf32>,
      %swap3A_379 = vector.shape_cast %swap3A_378 : vector<1x16xf32> to vector<16xf32>
      %swap3A_380 = vector.shape_cast %mul3A_375 : vector<16xf32> to vector<1x16xf32>
      tpu.vector_store %arg11[%swap3A_376, %swap3A_377], %swap3A_380 {strides = array<i32>} : memref<128x128xf32, #tpu.memory_space<vmem>>, vector<1x16xf32>,
      %get3A_381 = arith.index_cast %scan3A_346 : i32 to index
      %get3A_382 = arith.constant 48 : index
      %get3A_383 = tpu.vector_load %arg7[%get3A_381, %get3A_382] {strides = array<i32>} : memref<128x128xf32, #tpu.memory_space<vmem>>, vector<1x16xf32>,
      %get3A_384 = vector.shape_cast %get3A_383 : vector<1x16xf32> to vector<16xf32>
      %mul3A_385 = arith.constant 11.3137083 : f32
      %mul3A_386 = vector.broadcast %mul3A_385 : f32 to vector<16xf32>
      %mul3A_387 = arith.mulf %get3A_384, %mul3A_386 : vector<16xf32>
      %swap3A_388 = arith.index_cast %scan3A_346 : i32 to index
      %swap3A_389 = arith.constant 48 : index
      %swap3A_390 = tpu.vector_load %arg11[%swap3A_388, %swap3A_389] {strides = array<i32>} : memref<128x128xf32, #tpu.memory_space<vmem>>, vector<1x16xf32>,
      %swap3A_391 = vector.shape_cast %swap3A_390 : vector<1x16xf32> to vector<16xf32>
      %swap3A_392 = vector.shape_cast %mul3A_387 : vector<16xf32> to vector<1x16xf32>
      tpu.vector_store %arg11[%swap3A_388, %swap3A_389], %swap3A_392 {strides = array<i32>} : memref<128x128xf32, #tpu.memory_space<vmem>>, vector<1x16xf32>,
      %get3A_393 = arith.index_cast %scan3A_346 : i32 to index
      %get3A_394 = arith.constant 64 : index
      %get3A_395 = tpu.vector_load %arg7[%get3A_393, %get3A_394] {strides = array<i32>} : memref<128x128xf32, #tpu.memory_space<vmem>>, vector<1x16xf32>,
      %get3A_396 = vector.shape_cast %get3A_395 : vector<1x16xf32> to vector<16xf32>
      %mul3A_397 = arith.constant 11.3137083 : f32
      %mul3A_398 = vector.broadcast %mul3A_397 : f32 to vector<16xf32>
      %mul3A_399 = arith.mulf %get3A_396, %mul3A_398 : vector<16xf32>
      %swap3A_400 = arith.index_cast %scan3A_346 : i32 to index
      %swap3A_401 = arith.constant 64 : index
      %swap3A_402 = tpu.vector_load %arg11[%swap3A_400, %swap3A_401] {strides = array<i32>} : memref<128x128xf32, #tpu.memory_space<vmem>>, vector<1x16xf32>,
      %swap3A_403 = vector.shape_cast %swap3A_402 : vector<1x16xf32> to vector<16xf32>
      %swap3A_404 = vector.shape_cast %mul3A_399 : vector<16xf32> to vector<1x16xf32>
      tpu.vector_store %arg11[%swap3A_400, %swap3A_401], %swap3A_404 {strides = array<i32>} : memref<128x128xf32, #tpu.memory_space<vmem>>, vector<1x16xf32>,
      %get3A_405 = arith.index_cast %scan3A_346 : i32 to index
      %get3A_406 = arith.constant 80 : index
      %get3A_407 = tpu.vector_load %arg7[%get3A_405, %get3A_406] {strides = array<i32>} : memref<128x128xf32, #tpu.memory_space<vmem>>, vector<1x16xf32>,
      %get3A_408 = vector.shape_cast %get3A_407 : vector<1x16xf32> to vector<16xf32>
      %mul3A_409 = arith.constant 11.3137083 : f32
      %mul3A_410 = vector.broadcast %mul3A_409 : f32 to vector<16xf32>
      %mul3A_411 = arith.mulf %get3A_408, %mul3A_410 : vector<16xf32>
      %swap3A_412 = arith.index_cast %scan3A_346 : i32 to index
      %swap3A_413 = arith.constant 80 : index
      %swap3A_414 = tpu.vector_load %arg11[%swap3A_412, %swap3A_413] {strides = array<i32>} : memref<128x128xf32, #tpu.memory_space<vmem>>, vector<1x16xf32>,
      %swap3A_415 = vector.shape_cast %swap3A_414 : vector<1x16xf32> to vector<16xf32>
      %swap3A_416 = vector.shape_cast %mul3A_411 : vector<16xf32> to vector<1x16xf32>
      tpu.vector_store %arg11[%swap3A_412, %swap3A_413], %swap3A_416 {strides = array<i32>} : memref<128x128xf32, #tpu.memory_space<vmem>>, vector<1x16xf32>,
      %get3A_417 = arith.index_cast %scan3A_346 : i32 to index
      %get3A_418 = arith.constant 96 : index
      %get3A_419 = tpu.vector_load %arg7[%get3A_417, %get3A_418] {strides = array<i32>} : memref<128x128xf32, #tpu.memory_space<vmem>>, vector<1x16xf32>,
      %get3A_420 = vector.shape_cast %get3A_419 : vector<1x16xf32> to vector<16xf32>
      %mul3A_421 = arith.constant 11.3137083 : f32
      %mul3A_422 = vector.broadcast %mul3A_421 : f32 to vector<16xf32>
      %mul3A_423 = arith.mulf %get3A_420, %mul3A_422 : vector<16xf32>
      %swap3A_424 = arith.index_cast %scan3A_346 : i32 to index
      %swap3A_425 = arith.constant 96 : index
      %swap3A_426 = tpu.vector_load %arg11[%swap3A_424, %swap3A_425] {strides = array<i32>} : memref<128x128xf32, #tpu.memory_space<vmem>>, vector<1x16xf32>,
      %swap3A_427 = vector.shape_cast %swap3A_426 : vector<1x16xf32> to vector<16xf32>
      %swap3A_428 = vector.shape_cast %mul3A_423 : vector<16xf32> to vector<1x16xf32>
      tpu.vector_store %arg11[%swap3A_424, %swap3A_425], %swap3A_428 {strides = array<i32>} : memref<128x128xf32, #tpu.memory_space<vmem>>, vector<1x16xf32>,
      %get3A_429 = arith.index_cast %scan3A_346 : i32 to index
      %get3A_430 = arith.constant 112 : index
      %get3A_431 = tpu.vector_load %arg7[%get3A_429, %get3A_430] {strides = array<i32>} : memref<128x128xf32, #tpu.memory_space<vmem>>, vector<1x16xf32>,
      %get3A_432 = vector.shape_cast %get3A_431 : vector<1x16xf32> to vector<16xf32>
      %mul3A_433 = arith.constant 11.3137083 : f32
      %mul3A_434 = vector.broadcast %mul3A_433 : f32 to vector<16xf32>
      %mul3A_435 = arith.mulf %get3A_432, %mul3A_434 : vector<16xf32>
      %swap3A_436 = arith.index_cast %scan3A_346 : i32 to index
      %swap3A_437 = arith.constant 112 : index
      %swap3A_438 = tpu.vector_load %arg11[%swap3A_436, %swap3A_437] {strides = array<i32>} : memref<128x128xf32, #tpu.memory_space<vmem>>, vector<1x16xf32>,
      %swap3A_439 = vector.shape_cast %swap3A_438 : vector<1x16xf32> to vector<16xf32>
      %swap3A_440 = vector.shape_cast %mul3A_435 : vector<16xf32> to vector<1x16xf32>
      tpu.vector_store %arg11[%swap3A_436, %swap3A_437], %swap3A_440 {strides = array<i32>} : memref<128x128xf32, #tpu.memory_space<vmem>>, vector<1x16xf32>,
    }
    %scan3A_324 = arith.constant 128 : i32
    %dma_start3A_325 = arith.constant 49 : i32
    %dma_start3A_326 = arith.constant 0 : i32
    %dma_start3A_327 = tpu.memref_slice %arg4[%dma_start3A_325, %mul3A_2, %dma_start3A_326] : memref<50x4096x128xf32, #tpu.memory_space<hbm>> -> memref<1x128x128xf32, #tpu.memory_space<hbm>>
    %dma_start3A_328 = tpu.memref_squeeze %dma_start3A_327 : memref<1x128x128xf32, #tpu.memory_space<hbm>> -> memref<128x128xf32, #tpu.memory_space<hbm>>
    %dma_start3A_329 = arith.constant 0 : i32
    %dma_start3A_330 = tpu.memref_slice %arg4[%dma_start3A_325, %mul3A_2, %dma_start3A_329] : memref<50x4096x128xf32, #tpu.memory_space<hbm>> -> memref<1x128x128xf32, #tpu.memory_space<hbm>>
    %dma_start3A_331 = tpu.memref_squeeze %dma_start3A_330 : memref<1x128x128xf32, #tpu.memory_space<hbm>> -> memref<128x128xf32, #tpu.memory_space<hbm>>
    tpu.enqueue_dma source(%arg11 : memref<128x128xf32, #tpu.memory_space<vmem>>) target(%dma_start3A_331 : memref<128x128xf32, #tpu.memory_space<hbm>>) target_semaphore(%arg17 : memref<!tpu.dma_semaphore, #tpu.memory_space<semaphore_mem>>)
    %dma_wait3A_332 = arith.constant 48 : i32
    %dma_wait3A_333 = arith.constant 0 : i32
    %dma_wait3A_334 = tpu.memref_slice %arg4[%dma_wait3A_332, %mul3A_2, %dma_wait3A_333] : memref<50x4096x128xf32, #tpu.memory_space<hbm>> -> memref<1x128x128xf32, #tpu.memory_space<hbm>>
    %dma_wait3A_335 = tpu.memref_squeeze %dma_wait3A_334 : memref<1x128x128xf32, #tpu.memory_space<hbm>> -> memref<128x128xf32, #tpu.memory_space<hbm>>
    %dma_wait3A_336 = arith.constant 0 : i32
    %dma_wait3A_337 = tpu.memref_slice %arg4[%dma_wait3A_332, %mul3A_2, %dma_wait3A_336] : memref<50x4096x128xf32, #tpu.memory_space<hbm>> -> memref<1x128x128xf32, #tpu.memory_space<hbm>>
    %dma_wait3A_338 = tpu.memref_squeeze %dma_wait3A_337 : memref<1x128x128xf32, #tpu.memory_space<hbm>> -> memref<128x128xf32, #tpu.memory_space<hbm>>
    tpu.wait_dma2 semaphore(%arg16 : memref<!tpu.dma_semaphore, #tpu.memory_space<semaphore_mem>>) src(%arg10 : memref<128x128xf32, #tpu.memory_space<vmem>>) dst(%dma_wait3A_338 : memref<128x128xf32, #tpu.memory_space<hbm>>)
    %dma_wait3A_339 = arith.constant 49 : i32
    %dma_wait3A_340 = arith.constant 0 : i32
    %dma_wait3A_341 = tpu.memref_slice %arg4[%dma_wait3A_339, %mul3A_2, %dma_wait3A_340] : memref<50x4096x128xf32, #tpu.memory_space<hbm>> -> memref<1x128x128xf32, #tpu.memory_space<hbm>>
    %dma_wait3A_342 = tpu.memref_squeeze %dma_wait3A_341 : memref<1x128x128xf32, #tpu.memory_space<hbm>> -> memref<128x128xf32, #tpu.memory_space<hbm>>
    %dma_wait3A_343 = arith.constant 0 : i32
    %dma_wait3A_344 = tpu.memref_slice %arg4[%dma_wait3A_339, %mul3A_2, %dma_wait3A_343] : memref<50x4096x128xf32, #tpu.memory_space<hbm>> -> memref<1x128x128xf32, #tpu.memory_space<hbm>>
    %dma_wait3A_345 = tpu.memref_squeeze %dma_wait3A_344 : memref<1x128x128xf32, #tpu.memory_space<hbm>> -> memref<128x128xf32, #tpu.memory_space<hbm>>
    tpu.wait_dma2 semaphore(%arg17 : memref<!tpu.dma_semaphore, #tpu.memory_space<semaphore_mem>>) src(%arg11 : memref<128x128xf32, #tpu.memory_space<vmem>>) dst(%dma_wait3A_345 : memref<128x128xf32, #tpu.memory_space<hbm>>)
    return
  }
}

</mosaic_0001>

<sc_bundles>
// kernel: kernel.3.cloned.1.call-start
scs
__scs_entry_jumppad:
0x0: {  	(pc) =	sbr.rel $0x88, $3  }
0x1: {  	(tag) =	ssettag $0x0;
	lr =	simm.s32 $0x1  }
0x2: {  	[smem:$0x3F9F] =	sst lr;
	_ =	strace $0xD0000000  }
0x3: {  	_ = 	snop  }
0x4: {  	_ = 	snop  }
0x5: {  	_ = 	snop  }
0x6: {  	_ = 	snop  }
0x7: {  	_ = 	snop  }
__scs_overlays_trampoline_lowered:
0x8: {  	[smem:$0x3FAE] =	sst s0  }
0x9: {  	[smem:$0x3FAF] =	sst s1  }
0xa: {  	[smem:$0x3FB0] =	sst s2  }
0xb: {  	[smem:$0x3FB1] =	sst s3  }
0xc: {  	[smem:$0x3FB2] =	sst s4  }
0xd: {  	[smem:$0x3FB3] =	sst s5  }
0xe: {  	[smem:$0x3FB4] =	sst s6  }
0xf: {  	[smem:$0x3FB5] =	sst s7  }
0x10: {  	[smem:$0x3FB6] =	sst s8  }
0x11: {  	[smem:$0x3FB7] =	sst s9;
	s0 =	simm.s32 @!p0 $0x0  }
0x12: {  	s1 =	sld [smem:$0x3F9D];
	s0 =	simm.s32 @p0 $0x1  }
0x13: {  	[smem:$0x3FB8] =	sst s0;
	s0 =	simm.s32 @!p1 $0x0  }
0x14: {  	s2 =	sld [smem:$0x3F9C];
	s0 =	simm.s32 @p1 $0x1  }
0x15: {  	[smem:$0x3FB9] =	sst s0;
	s0 =	simm.s32 @!p2 $0x0  }
0x16: {  	s3 =	sld [smem:$0x3FDB];
	s0 =	simm.s32 @p2 $0x1  }
0x17: {  	s4 =	simm.s32 $0x1BF5;
	[smem:$0x3FBB] =	sst s0  }
0x18: {  	s0 =	sld [smem:$0x3F9E];
	_ =	swait.ge [sflag:s4], $0x0  }
0x19: {  	s7 =	sld [smem:$0x3F9F]  }
0x1a: {  	s8 =	sadd.s32 $0xFFFFE003, lr  }
0x1b: {  	s9 =	sadd.s32 $0xFFFFFEF7, lr;
	s5 =	simm.s32 $0xFFFFFFFF;
	p2 =	slt.u32 s8, $0xFFFFF086  }
0x1c: {  	p1 =	slt.u32 s9, $0xF7A;
	s5 =	simm.s32 @!p2 $0x0  }
0x1d: {  	s5 =	simm.s32 @p1 $0x1;
	p0 =	seq.s32 s7, s2  }
0x1e: {  	s7 =	smul.u32 @!p0 $0xF7A, s2;
	p2 =	seq.s32 @!p0 s5, $0x0  }
0x1f: {  	s9 =	smul.u32 $0xF7A, s1;
	s8 =	simm.s32 @!p0 $0x1BF5;
	p2 =	por !p2, p0  }
0x20: {  	[sflag:s8] =	ssyncset.s32 @!p0 $0xFFFFF086;
	s6 =	sadd.s32 @!p0 s3, s7;
	s7 =	simm.s32 @!p0 $0x108  }
0x21: {  	s3 =	sadd.s32 s3, s9;
	s6 =	sadd.s32 @!p0 $0x88, s6;
	s7 =	simm.s32 @p2 $0x1082  }
0x22: {  	[simem:s7], [sflag:s8] =	dma.local @!p0 [hbm:s6], $0xF7A  }
0x23: {  	s9 =	sor.u32 $0xD0000000, s2;
	s6 =	simm.s32 $0x108;
	_ =	swait.ge @!p0 [sflag:s8], $0x0  }
0x24: {  	s3 =	sadd.s32 $0x88, s3;
	s6 =	simm.s32 @!p1 $0x1082;
	[sflag:s4] =	ssyncset.s32 $0xFFFFF086  }
0x25: {  	[simem:s6], [sflag:s4] =	dma.local [hbm:s3], $0xF7A  }
0x26: {  	[smem:$0x3F9F] =	sst s1;
	(tag) =	ssettag s2;
	_ =	strace s9  }
0x27: {  	s1 =	sld [smem:$0x3FAF]  }
0x28: {  	s2 =	sld [smem:$0x3FB0]  }
0x29: {  	s4 =	sld [smem:$0x3FB2]  }
0x2a: {  	p0 =	seq.s32 s5, $0x0;
	s5 =	sld [smem:$0x3FB3]  }
0x2b: {  	s6 =	sld [smem:$0x3FB4]  }
0x2c: {  	s7 =	sld [smem:$0x3FB5]  }
0x2d: {  	s3 =	simm.s32 $0x108;
	s8 =	sld [smem:$0x3FB6]  }
0x2e: {  	s3 =	simm.s32 @!p0 $0x1082;
	s9 =	sld [smem:$0x3FB7]  }
0x2f: {  	lr =	sadd.s32 s0, s3;
	s0 =	sld [smem:$0x3FAE]  }
0x30: {  	s3 =	sld [smem:$0x3FB1]  }
0x31: {  	[smem:$0x3FBA] =	sst s10  }
0x32: {  	s10 =	sld [smem:$0x3FB8];
	_ =	sdelay $0x3  }
0x33: {  	p0 =	seq.s32 s10, $0x1;
	s10 =	sld [smem:$0x3FBA];
	_ =	sdelay $0x3  }
0x34: {  	[smem:$0x3FBA] =	sst s10  }
0x35: {  	s10 =	sld [smem:$0x3FB9];
	_ =	sdelay $0x3  }
0x36: {  	p1 =	seq.s32 s10, $0x1;
	s10 =	sld [smem:$0x3FBA];
	_ =	sdelay $0x3  }
0x37: {  	[smem:$0x3FBA] =	sst s10  }
0x38: {  	s10 =	sld [smem:$0x3FBB]  }
0x39: {  	_ = 	snop;
	(pc) =	sbr.ind lr, $3  }
0x3a: {  	_ = 	snop  }
0x3b: {  	_ = 	snop  }
0x3c: {  	p2 =	seq.s32 s10, $0x1;
	s10 =	sld [smem:$0x3FBA]  }
0x3d: {  	_ =	shalt  }
0x3e: {  	_ =	shalt  }
0x3f: {  	_ =	shalt  }
0x40: {  	_ =	shalt  }
0x41: {  	_ =	shalt  }
0x42: {  	_ =	shalt  }
0x43: {  	_ =	shalt  }
0x44: {  	_ =	shalt  }
0x45: {  	_ =	shalt  }
0x46: {  	_ =	shalt  }
0x47: {  	_ =	shalt  }
0x48: {  	_ =	shalt  }
0x49: {  	_ =	shalt  }
0x4a: {  	_ =	shalt  }
0x4b: {  	_ =	shalt  }
0x4c: {  	_ =	shalt  }
0x4d: {  	_ =	shalt  }
0x4e: {  	_ =	shalt  }
0x4f: {  	_ =	shalt  }
0x50: {  	_ =	shalt  }
0x51: {  	_ =	shalt  }
0x52: {  	_ =	shalt  }
0x53: {  	_ =	shalt  }
0x54: {  	_ =	shalt  }
0x55: {  	_ =	shalt  }
0x56: {  	_ =	shalt  }
0x57: {  	_ =	shalt  }
0x58: {  	_ =	shalt  }
0x59: {  	_ =	shalt  }
0x5a: {  	_ =	shalt  }
0x5b: {  	_ =	shalt  }
0x5c: {  	_ =	shalt  }
0x5d: {  	_ =	shalt  }
0x5e: {  	_ =	shalt  }
0x5f: {  	_ =	shalt  }
0x60: {  	_ =	shalt  }
0x61: {  	_ =	shalt  }
0x62: {  	_ =	shalt  }
0x63: {  	_ =	shalt  }
0x64: {  	_ =	shalt  }
0x65: {  	_ =	shalt  }
0x66: {  	_ =	shalt  }
0x67: {  	_ =	shalt  }
0x68: {  	_ =	shalt  }
0x69: {  	_ =	shalt  }
0x6a: {  	_ =	shalt  }
0x6b: {  	_ =	shalt  }
0x6c: {  	_ =	shalt  }
0x6d: {  	_ =	shalt  }
0x6e: {  	_ =	shalt  }
0x6f: {  	_ =	shalt  }
0x70: {  	_ =	shalt  }
0x71: {  	_ =	shalt  }
0x72: {  	_ =	shalt  }
0x73: {  	_ =	shalt  }
0x74: {  	_ =	shalt  }
0x75: {  	_ =	shalt  }
0x76: {  	_ =	shalt  }
0x77: {  	_ =	shalt  }
0x78: {  	_ =	shalt  }
0x79: {  	_ =	shalt  }
0x7a: {  	_ =	shalt  }
0x7b: {  	_ =	shalt  }
0x7c: {  	_ =	shalt  }
0x7d: {  	_ =	shalt  }
0x7e: {  	_ =	shalt  }
0x7f: {  	_ =	shalt  }
0x80: {  	_ =	shalt  }
0x81: {  	_ =	shalt  }
0x82: {  	_ =	shalt  }
0x83: {  	_ =	shalt  }
0x84: {  	_ =	shalt  }
0x85: {  	_ =	shalt  }
0x86: {  	_ =	shalt  }
0x87: {  	_ =	shalt  }
.Lfunc_end0:
.L_simem_size_0:
called_computation_lowered:
.L_overlay_start_0:
0x88: {  	s2 =	sld [smem:$0x3FD9]  }
0x89: {  	s3 =	sld [smem:$0x3FFE];
	_ =	sdelay $0x1  }
0x8a: {  	s1 =	srdreg.scid  }
0x8b: {  	s0 =	sand.u32 $0x1, s1  }
0x8c: {  	s18 =	sshll.u32 s0, $0xA;
	s2 =	sadd.s32 s3, s2  }
0x8d: {  	s2 =	sadd.s32 s2, s18  }
0x8e: {  	[smem:$0x3FC6] =	sst s2  }
0x8f: {  	_ = 	snop  }
0x90: {  	s2 =	sld [smem:$0x3FC9]  }
0x91: {  	s19 =	sld [smem:$0x3FC8]  }
0x92: {  	s4 =	sld [smem:$0x3FD0];
	(tm) =	ssettm $0x1  }
0x93: {  	s5 =	sld [smem:$0x3FFB];
	_ =	sdelay $0x3  }
0x94: {  	_ =	strace s5  }
0x95: {  	s5 =	sld [smem:$0x3FFC];
	_ =	sdelay $0x3  }
0x96: {  	_ =	strace s5  }
0x97: {  	s5 =	sld [smem:$0x3FFD];
	_ =	sdelay $0x3  }
0x98: {  	_ =	strace s5  }
0x99: {  	_ =	strace $0x8FFFFFFF  }
0x9a: {  	s20 =	sld [smem:$0x3FDB];
	_ =	sdelay $0x1  }
0x9b: {  	s6 =	simm.s32 $_scs_section_size  }
0x9c: {  	s7 =	simm.s32 $_size__tile_overlayer_lowered;
	s8 =	simm.s32 $_tile_overlayer_lowered  }
0x9d: {  	s23 =	simm.s32 $0x1BFF;
	s22 =	sshll.u32 s8, $0x1;
	s5 =	sadd.s32 s6, s20  }
0x9e: {  	s9 =	simm.s32 $0x0;
	s21 =	sshll.u32 s7, $0x1;
	s7 =	sadd.s32 s22, s5  }
0x9f: {  	[timem:s9], [sflag:s23] =	dma.local [hbm:s7], s21  }
0xa0: {  	_ =	swait.ge [sflag:s23], s21  }
0xa1: {  	s6 =	ssub.s32 $0x0, s21;
	[sflag:s23] =	ssyncset.done $0x0  }
0xa2: {  	[sflag:s23] =	ssyncadd.s32 s6;
	_ =	sdelay $0x1  }
0xa3: {  	s24 =	simm.s32 $0x1B8B  }
0xa4: {  	_ =	swait.ge [sflag:s24], $0x1  }
0xa5: {  	[sflag:s24] =	ssyncset.done $0x0  }
0xa6: {  	s25 =	simm.s32 $0x1B8E;
	[sflag:s24] =	ssyncadd.s32 $0xFFFFFFFF  }
0xa7: {  	s26 =	simm.s32 $execute0_lowered;
	[smem:$0x3FD2] =	sst s25  }
0xa8: {  	s6 =	sshll.u32 s26, $0x1;
	_ =	strace $0x80000046;
	[dreg:$0x1] =	wrdreg $0xFFFFFFFF  }
0xa9: {  	s28 =	simm.s32 $_size_execute0_lowered;
	s5 =	sadd.s32 s5, s6;
	[dreg:$0x0] =	wrdreg $0x0  }
0xaa: {  	s6 =	sshll.u32 s28, $0x1;
	[dreg:$0x2] =	wrdreg s5  }
0xab: {  	[dreg:$0x3] =	wrdreg s6  }
0xac: {  	[dreg:$0x4] =	wrdreg $0xC0  }
0xad: {  	_ =	task [dreg:s9], $0x5FFFF  }
0xae: {  	[dreg:$0x1] =	wrdreg $0xFFFFFFFF  }
0xaf: {  	[dreg:$0x0] =	wrdreg $0x60  }
0xb0: {  	[dreg:$0x2] =	wrdreg s2  }
0xb1: {  	[dreg:$0x3] =	wrdreg s19  }
0xb2: {  	[dreg:$0x4] =	wrdreg s4  }
0xb3: {  	[dreg:$0x5] =	wrdreg $0x9  }
0xb4: {  	_ =	task.clear_ibuf [dreg:s9], $0x6FFFF;
	_ =	strace $0x90000046  }
0xb5: {  	s29 =	simm.s32 $0x9;
	_ =	strace $0x80000048  }
0xb6: {  	_ =	swait.ge [sflag:s29], $0x1  }
0xb7: {  	[sflag:s29] =	ssyncadd.s32 $0xFFFFFFFF  }
0xb8: {  	_ =	strace $0x90000048  }
0xb9: {  	_ =	sfence  }
0xba: {  	s30 =	sld [smem:$0x0];
	_ =	sdelay $0x2  }
0xbb: {  	s31 =	sshll.u32 s1, $0xD;
	s1 =	sshrl.u32 s1, $0x2  }
0xbc: {  	s3 =	sand.u32 $0x4000, s31;
	s1 =	sadd.s32 s1, s30  }
0xbd: {  	s0 =	sor.u32 s3, s0;
	s1 =	sshll.u32 s1, $0x11  }
0xbe: {  	s0 =	sor.u32 s1, s0  }
0xbf: {  	s0 =	sadd.s32 $0x8F2B, s0  }
0xc0: {  	[sflag:s0] =	ssyncadd.remote.s32 $0x1  }
0xc1: {  	_ =	sfence.sel $0xFFFF  }
0xc2: {  	[dreg:$0x0] =	wrdreg $0xFFFFFFFF;
	(pc) =	sbr.abs _section_cstart, $3  }
0xc3: {  	[dreg:$0x1] =	wrdreg $0xFFFFFFFF  }
0xc4: {  	_ =	task.clear_ibuf [dreg:s9], $0x2FFFF;
	_ =	strace $0x9FFFFFFF  }
0xc5: {  	(tm) =	ssettm $0x7FFFFFFF  }
tec
execute0_lowered:
.L_overlay_start_1:
0x0: {  	(tag) =	ssettag $0x1  }
0x1: {  	s0 =	rddreg [dreg:$0x0]  }
0x2: {  	s2 =	rddreg [dreg:$0x1]  }
0x3: {  	s3 =	rddreg [dreg:$0x2];
	s1 =	srdreg.scid  }
0x4: {  	s5 =	stileid.u32;
	s4 =	simm.s32 $0x0;
	s28 =	simm.s32 $0x9C00  }
0x5: {  	s30 =	simm.s32 $0xDC00;
	s29 =	simm.s32 $0x11C00;
	s31 =	simm.s32 $0x15C00  }
0x6: {  	s11 =	simm.s32 $0x5;
	s12 =	simm.s32 $0x4;
	s1 =	sand.u32 $0x1, s1  }
0x7: {  	s5 =	sshll.u32 s5, $0x8;
	[smem:$0x7FF] =	sst s4;
	s6 =	sshll.u32 s1, $0x7  }
0x8: {  	s9 =	sadd.s32 $0x10000, s3;
	s10 =	sadd.s32 $0x20000, s3;
	s7 =	sor.u32 s6, s5  }
0x9: {  	s13 =	sadd.s32 $0x30000, s3;
	s5 =	sadd.s32 s0, s7;
	s7 =	sshll.u32 s7, $0x4  }
0xa: {  	s1 =	ssub.s32 $0x2, s1;
	_ =	strace $0x80000047;
	s18 =	sadd.s32 s7, s9  }
0xb: {  	s16 =	sshrl.u32 s1, $0x1;
	s19 =	sadd.s32 s7, s10;
	[dreg:$0x4] =	wrdreg s18  }
0xc: {  	s17 =	ssub.s32 s1, s16;
	s20 =	sadd.s32 s7, s13;
	[dreg:$0x5] =	wrdreg s19  }
0xd: {  	s8 =	sadd.s32 s3, s7;
	s0 =	smax.u32 s17, $0x1;
	[dreg:$0x6] =	wrdreg s20  }
0xe: {  	s14 =	simm.s32 $0x6;
	s21 =	sadd.s32 $0x2C0000, s8;
	[dreg:$0xd] =	wrdreg s0  }
0xf: {  	s15 =	simm.s32 $0x0;
	s22 =	sadd.s32 $0x2D0000, s8;
	[dreg:$0x7] =	wrdreg s21  }
0x10: {  	s1 =	simm.s32 $0x3;
	s23 =	sadd.s32 $0x2E0000, s8;
	[dreg:$0x8] =	wrdreg s22  }
0x11: {  	s6 =	sadd.s32 $0x1000, s5;
	s24 =	sadd.s32 $0x2F0000, s8;
	[dreg:$0x9] =	wrdreg s23  }
0x12: {  	s25 =	sadd.s32 $0x300000, s8;
	s26 =	sadd.s32 $0x310000, s8;
	[dreg:$0xa] =	wrdreg s24  }
0x13: {  	s19 =	simm.s32 $0x1800;
	s0 =	simm.s32 $0x2;
	[dreg:$0xb] =	wrdreg s25  }
0x14: {  	[dreg:$0xc] =	wrdreg s26;
	s22 =	simm.s32 $0x7;
	s23 =	simm.s32 $0x80  }
0x15: {  	s24 =	simm.s32 $0x1C00;
	s25 =	simm.s32 $0x5C00;
	s26 =	simm.s32 $0x1  }
.LBB2_1:
0x16: {  	[tilespmem:s4], [sflag:$0x7] =	stream.linear.gather [hbm4b:s5+s4], $0x400, $0x38;
	[tilespmem:$0x19C00] =	vst v63  }
0x17: {  	_ =	swait.ge [sflag:s22], $0x400  }
0x18: {  	[sflag:s22] =	ssyncset.done $0x0  }
0x19: {  	[sflag:s22] =	ssyncadd.s32 $0xFFFFFC00  }
0x1a: {  	[tilespmem:s24], [sflag:$0x1] =	stream.indirect.gather [hbm4b:s2+s23], $0x80, s4, s23, $0xb8;
	[tilespmem:$0x19C00] =	vst v63  }
0x1b: {  	_ = 	snop  }
0x1c: {  	[tilespmem:s25], [sflag:$0x2] =	stream.indirect.gather [hbm4b:s2+s23], $0x80, s23, s23, $0xb8;
	[tilespmem:$0x19C00] =	vst v63  }
0x1d: {  	s16 =	simm.s32 $0x100  }
0x1e: {  	[tilespmem:s28], [sflag:$0x3] =	stream.indirect.gather [hbm4b:s2+s23], $0x80, s16, s23, $0xb8;
	[tilespmem:$0x19C00] =	vst v63  }
0x1f: {  	s18 =	simm.s32 $0x180  }
0x20: {  	[tilespmem:s30], [sflag:$0x4] =	stream.indirect.gather [hbm4b:s2+s23], $0x80, s18, s23, $0xb8;
	[tilespmem:$0x19C00] =	vst v63  }
0x21: {  	s20 =	simm.s32 $0x8000;
	s17 =	simm.s32 $0x400  }
0x22: {  	[tilespmem:s17], [sflag:$0x7] =	stream.strided.gather [hbm4b:s6+s17], $0x1400, s20, s17, $0x38;
	[tilespmem:$0x19C00] =	vst v63  }
0x23: {  	s21 =	sadd.s32 $0x5000, s6  }
0x24: {  	[tilespmem:s19], [sflag:$0x7] =	stream.linear.gather [hbm4b:s21+s4], $0x100, $0x38;
	[tilespmem:$0x19C00] =	vst v63  }
0x25: {  	_ =	swait.ge [sflag:s22], $0x1500  }
0x26: {  	[sflag:s22] =	ssyncset.done $0x0  }
0x27: {  	[sflag:s22] =	ssyncadd.s32 $0xFFFFEB00  }
0x28: {  	_ =	swait.ge [sflag:s26], $0x4000  }
0x29: {  	[sflag:s26] =	ssyncset.done $0x0  }
0x2a: {  	s17 =	simm.s32 $0x0;
	[sflag:s26] =	ssyncadd.s32 $0xFFFFC000  }
0x2b: {  	v1 =	vld [tilespmem:s17+$0x1C70]  }
0x2c: {  	v5 =	vld [tilespmem:s17+$0x1C00]  }
0x2d: {  	v6 =	vld [tilespmem:s17+$0x1C10]  }
0x2e: {  	v4 =	vld [tilespmem:s17+$0x1C20]  }
0x2f: {  	v3 =	vld [tilespmem:s17+$0x1C30]  }
0x30: {  	v0 =	vld [tilespmem:s17+$0x1C40];
	v7 =	vmul.f32 $1.131370830e+01, v1  }
0x31: {  	v1 =	vld [tilespmem:s17+$0x1C50];
	v5 =	vmul.f32 $1.131370830e+01, v5  }
0x32: {  	s16 =	simm.s32 $0x80;
	s18 =	simm.s32 $0x400;
	v2 =	vld [tilespmem:s17+$0x1C60];
	v6 =	vmul.f32 $1.131370830e+01, v6;
	[tilespmem:s17+$0x11C70] =	vst v7  }
.LBB2_2:
0x33: {  	p0 =	sne.s32 s18, $0xFE00;
	v7 =	vld [tilespmem:s16+$0x1C70];
	[tilespmem:s17+$0x11C00] =	vst v5;
	v4 =	vmul.f32 $1.131370830e+01, v4  }
0x34: {  	v5 =	vld [tilespmem:s16+$0x1C00];
	[tilespmem:s17+$0x11C10] =	vst v6;
	v3 =	vmul.f32 $1.131370830e+01, v3  }
0x35: {  	v6 =	vld [tilespmem:s16+$0x1C10];
	[tilespmem:s17+$0x11C20] =	vst v4;
	v0 =	vmul.f32 $1.131370830e+01, v0  }
.Ltmp0:
0x36: {  	v4 =	vld [tilespmem:s16+$0x1C20];
	[tilespmem:s17+$0x11C30] =	vst v3;
	v1 =	vmul.f32 $1.131370830e+01, v1;
	(pc) =	sbr.rel @p0 .LBB2_2-.Ltmp0, $4  }
0x37: {  	v3 =	vld [tilespmem:s16+$0x1C30];
	[tilespmem:s17+$0x11C40] =	vst v0;
	v2 =	vmul.f32 $1.131370830e+01, v2  }
0x38: {  	v0 =	vld [tilespmem:s16+$0x1C40];
	v7 =	vmul.f32 $1.131370830e+01, v7;
	[tilespmem:s17+$0x11C50] =	vst v1  }
0x39: {  	v5 =	vmul.f32 $1.131370830e+01, v5;
	v1 =	vld [tilespmem:s16+$0x1C50];
	[tilespmem:s17+$0x11C60] =	vst v2;
	s17 =	smov.u32 s16  }
0x3a: {  	s16 =	sshra.s32 s18, $0x2;
	s18 =	sadd.s32 $0x200, s18;
	v6 =	vmul.f32 $1.131370830e+01, v6;
	v2 =	vld [tilespmem:s17+$0x1C60];
	[tilespmem:s17+$0x11C70] =	vst v7  }
0x3b: {  	v7 =	vld [tilespmem:s16+$0x1C70];
	[tilespmem:s17+$0x11C00] =	vst v5;
	v4 =	vmul.f32 $1.131370830e+01, v4  }
0x3c: {  	v5 =	vld [tilespmem:s16+$0x1C00];
	[tilespmem:s17+$0x11C10] =	vst v6;
	v3 =	vmul.f32 $1.131370830e+01, v3  }
0x3d: {  	v6 =	vld [tilespmem:s16+$0x1C10];
	[tilespmem:s17+$0x11C20] =	vst v4;
	v0 =	vmul.f32 $1.131370830e+01, v0  }
0x3e: {  	v4 =	vld [tilespmem:s16+$0x1C20];
	[tilespmem:s17+$0x11C30] =	vst v3;
	v1 =	vmul.f32 $1.131370830e+01, v1  }
0x3f: {  	v3 =	vld [tilespmem:s16+$0x1C30];
	[tilespmem:s17+$0x11C40] =	vst v0;
	v2 =	vmul.f32 $1.131370830e+01, v2  }
0x40: {  	v0 =	vld [tilespmem:s16+$0x1C40];
	[tilespmem:s17+$0x11C50] =	vst v1;
	v7 =	vmul.f32 $1.131370830e+01, v7  }
0x41: {  	v1 =	vld [tilespmem:s16+$0x1C50];
	[tilespmem:s17+$0x11C60] =	vst v2;
	v2 =	vmul.f32 $1.131370830e+01, v5  }
0x42: {  	v5 =	vld [tilespmem:s16+$0x1C60];
	v6 =	vmul.f32 $1.131370830e+01, v6;
	[tilespmem:s16+$0x11C70] =	vst v7  }
0x43: {  	[tilespmem:s16+$0x11C00] =	vst v2;
	v2 =	vmul.f32 $1.131370830e+01, v4  }
0x44: {  	[tilespmem:s16+$0x11C10] =	vst v6;
	v3 =	vmul.f32 $1.131370830e+01, v3  }
0x45: {  	[tilespmem:s16+$0x11C20] =	vst v2;
	v0 =	vmul.f32 $1.131370830e+01, v0  }
0x46: {  	[tilespmem:s16+$0x11C30] =	vst v3;
	v1 =	vmul.f32 $1.131370830e+01, v1  }
0x47: {  	[tilespmem:s16+$0x11C40] =	vst v0;
	v0 =	vmul.f32 $1.131370830e+01, v5  }
0x48: {  	[tilespmem:s16+$0x11C50] =	vst v1  }
0x49: {  	s20 =	simm.s32 $0x0;
	[tilespmem:s16+$0x11C60] =	vst v0  }
0x4a: {  	[hbm4b:s8+s20] =	stream.linear.scatter [tilespmem:s29], [sflag:$0x5], $0x4000, $0x38;
	[tilespmem:$0x19C00] =	vst v63  }
0x4b: {  	s21 =	simm.s32 $0x200  }
0x4c: {  	[tilespmem:s24], [sflag:$0x1] =	stream.indirect.gather [hbm4b:s2+s23], $0x80, s21, s23, $0xb8;
	[tilespmem:$0x19C00] =	vst v63  }
0x4d: {  	_ =	swait.ge [sflag:s0], $0x4000  }
0x4e: {  	[sflag:s0] =	ssyncset.done $0x0  }
0x4f: {  	s17 =	simm.s32 $0x0;
	[sflag:s0] =	ssyncadd.s32 $0xFFFFC000  }
0x50: {  	v1 =	vld [tilespmem:s17+$0x5C70]  }
0x51: {  	v5 =	vld [tilespmem:s17+$0x5C00]  }
0x52: {  	v6 =	vld [tilespmem:s17+$0x5C10]  }
0x53: {  	v4 =	vld [tilespmem:s17+$0x5C20]  }
0x54: {  	v3 =	vld [tilespmem:s17+$0x5C30]  }
0x55: {  	v0 =	vld [tilespmem:s17+$0x5C40];
	v7 =	vmul.f32 $1.131370830e+01, v1  }
0x56: {  	v1 =	vld [tilespmem:s17+$0x5C50];
	v5 =	vmul.f32 $1.131370830e+01, v5  }
0x57: {  	s18 =	simm.s32 $0x400;
	s16 =	simm.s32 $0x80;
	v2 =	vld [tilespmem:s17+$0x5C60];
	v6 =	vmul.f32 $1.131370830e+01, v6;
	[tilespmem:s17+$0x15C70] =	vst v7  }
.LBB2_4:
0x58: {  	p0 =	sne.s32 s18, $0xFE00;
	v7 =	vld [tilespmem:s16+$0x5C70];
	[tilespmem:s17+$0x15C00] =	vst v5;
	v4 =	vmul.f32 $1.131370830e+01, v4  }
0x59: {  	v5 =	vld [tilespmem:s16+$0x5C00];
	[tilespmem:s17+$0x15C10] =	vst v6;
	v3 =	vmul.f32 $1.131370830e+01, v3  }
0x5a: {  	v6 =	vld [tilespmem:s16+$0x5C10];
	[tilespmem:s17+$0x15C20] =	vst v4;
	v0 =	vmul.f32 $1.131370830e+01, v0  }
.Ltmp1:
0x5b: {  	v4 =	vld [tilespmem:s16+$0x5C20];
	[tilespmem:s17+$0x15C30] =	vst v3;
	v1 =	vmul.f32 $1.131370830e+01, v1;
	(pc) =	sbr.rel @p0 .LBB2_4-.Ltmp1, $4  }
0x5c: {  	v3 =	vld [tilespmem:s16+$0x5C30];
	[tilespmem:s17+$0x15C40] =	vst v0;
	v2 =	vmul.f32 $1.131370830e+01, v2  }
0x5d: {  	v0 =	vld [tilespmem:s16+$0x5C40];
	v7 =	vmul.f32 $1.131370830e+01, v7;
	[tilespmem:s17+$0x15C50] =	vst v1  }
0x5e: {  	v5 =	vmul.f32 $1.131370830e+01, v5;
	v1 =	vld [tilespmem:s16+$0x5C50];
	[tilespmem:s17+$0x15C60] =	vst v2;
	s17 =	smov.u32 s16  }
0x5f: {  	s16 =	sshra.s32 s18, $0x2;
	s18 =	sadd.s32 $0x200, s18;
	v6 =	vmul.f32 $1.131370830e+01, v6;
	v2 =	vld [tilespmem:s17+$0x5C60];
	[tilespmem:s17+$0x15C70] =	vst v7  }
0x60: {  	v7 =	vld [tilespmem:s16+$0x5C70];
	[tilespmem:s17+$0x15C00] =	vst v5;
	v4 =	vmul.f32 $1.131370830e+01, v4  }
0x61: {  	v5 =	vld [tilespmem:s16+$0x5C00];
	[tilespmem:s17+$0x15C10] =	vst v6;
	v3 =	vmul.f32 $1.131370830e+01, v3  }
0x62: {  	v6 =	vld [tilespmem:s16+$0x5C10];
	[tilespmem:s17+$0x15C20] =	vst v4;
	v0 =	vmul.f32 $1.131370830e+01, v0  }
0x63: {  	v4 =	vld [tilespmem:s16+$0x5C20];
	[tilespmem:s17+$0x15C30] =	vst v3;
	v1 =	vmul.f32 $1.131370830e+01, v1  }
0x64: {  	v3 =	vld [tilespmem:s16+$0x5C30];
	[tilespmem:s17+$0x15C40] =	vst v0;
	v2 =	vmul.f32 $1.131370830e+01, v2  }
0x65: {  	v0 =	vld [tilespmem:s16+$0x5C40];
	[tilespmem:s17+$0x15C50] =	vst v1;
	v7 =	vmul.f32 $1.131370830e+01, v7  }
0x66: {  	v1 =	vld [tilespmem:s16+$0x5C50];
	[tilespmem:s17+$0x15C60] =	vst v2;
	v2 =	vmul.f32 $1.131370830e+01, v5  }
0x67: {  	v5 =	vld [tilespmem:s16+$0x5C60];
	v6 =	vmul.f32 $1.131370830e+01, v6;
	[tilespmem:s16+$0x15C70] =	vst v7  }
0x68: {  	[tilespmem:s16+$0x15C00] =	vst v2;
	v2 =	vmul.f32 $1.131370830e+01, v4  }
0x69: {  	[tilespmem:s16+$0x15C10] =	vst v6;
	v3 =	vmul.f32 $1.131370830e+01, v3  }
0x6a: {  	[tilespmem:s16+$0x15C20] =	vst v2;
	v0 =	vmul.f32 $1.131370830e+01, v0  }
0x6b: {  	[tilespmem:s16+$0x15C30] =	vst v3;
	v1 =	vmul.f32 $1.131370830e+01, v1  }
0x6c: {  	[tilespmem:s16+$0x15C40] =	vst v0;
	v0 =	vmul.f32 $1.131370830e+01, v5  }
0x6d: {  	[tilespmem:s16+$0x15C50] =	vst v1  }
0x6e: {  	s19 =	simm.s32 $0x0;
	s20 =	rddreg [dreg:$0x4];
	[tilespmem:s16+$0x15C60] =	vst v0  }
0x6f: {  	[hbm4b:s20+s19] =	stream.linear.scatter [tilespmem:s31], [sflag:$0x6], $0x4000, $0x38;
	[tilespmem:$0x19C00] =	vst v63  }
0x70: {  	s21 =	simm.s32 $0x280  }
0x71: {  	[tilespmem:s25], [sflag:$0x2] =	stream.indirect.gather [hbm4b:s2+s23], $0x80, s21, s23, $0xb8;
	[tilespmem:$0x19C00] =	vst v63  }
0x72: {  	_ =	swait.ge [sflag:s1], $0x4000  }
0x73: {  	[sflag:s1] =	ssyncset.done $0x0  }
0x74: {  	[sflag:s1] =	ssyncadd.s32 $0xFFFFC000  }
0x75: {  	_ =	swait.ge [sflag:s11], $0x4000  }
0x76: {  	[sflag:s11] =	ssyncset.done $0x0  }
0x77: {  	s17 =	simm.s32 $0x0;
	[sflag:s11] =	ssyncadd.s32 $0xFFFFC000  }
0x78: {  	v1 =	vld [tilespmem:s17+$0x9C70]  }
0x79: {  	v5 =	vld [tilespmem:s17+$0x9C00]  }
0x7a: {  	v6 =	vld [tilespmem:s17+$0x9C10]  }
0x7b: {  	v4 =	vld [tilespmem:s17+$0x9C20]  }
0x7c: {  	v3 =	vld [tilespmem:s17+$0x9C30]  }
0x7d: {  	v0 =	vld [tilespmem:s17+$0x9C40];
	v7 =	vmul.f32 $1.131370830e+01, v1  }
0x7e: {  	v1 =	vld [tilespmem:s17+$0x9C50];
	v5 =	vmul.f32 $1.131370830e+01, v5  }
0x7f: {  	s18 =	simm.s32 $0x400;
	s16 =	simm.s32 $0x80;
	v2 =	vld [tilespmem:s17+$0x9C60];
	v6 =	vmul.f32 $1.131370830e+01, v6;
	[tilespmem:s17+$0x11C70] =	vst v7  }
.LBB2_6:
0x80: {  	p0 =	sne.s32 s18, $0xFE00;
	v7 =	vld [tilespmem:s16+$0x9C70];
	[tilespmem:s17+$0x11C00] =	vst v5;
	v4 =	vmul.f32 $1.131370830e+01, v4  }
0x81: {  	v5 =	vld [tilespmem:s16+$0x9C00];
	[tilespmem:s17+$0x11C10] =	vst v6;
	v3 =	vmul.f32 $1.131370830e+01, v3  }
0x82: {  	v6 =	vld [tilespmem:s16+$0x9C10];
	[tilespmem:s17+$0x11C20] =	vst v4;
	v0 =	vmul.f32 $1.131370830e+01, v0  }
.Ltmp2:
0x83: {  	v4 =	vld [tilespmem:s16+$0x9C20];
	[tilespmem:s17+$0x11C30] =	vst v3;
	v1 =	vmul.f32 $1.131370830e+01, v1;
	(pc) =	sbr.rel @p0 .LBB2_6-.Ltmp2, $4  }
0x84: {  	v3 =	vld [tilespmem:s16+$0x9C30];
	[tilespmem:s17+$0x11C40] =	vst v0;
	v2 =	vmul.f32 $1.131370830e+01, v2  }
0x85: {  	v0 =	vld [tilespmem:s16+$0x9C40];
	v7 =	vmul.f32 $1.131370830e+01, v7;
	[tilespmem:s17+$0x11C50] =	vst v1  }
0x86: {  	v5 =	vmul.f32 $1.131370830e+01, v5;
	v1 =	vld [tilespmem:s16+$0x9C50];
	[tilespmem:s17+$0x11C60] =	vst v2;
	s17 =	smov.u32 s16  }
0x87: {  	s16 =	sshra.s32 s18, $0x2;
	s18 =	sadd.s32 $0x200, s18;
	v6 =	vmul.f32 $1.131370830e+01, v6;
	v2 =	vld [tilespmem:s17+$0x9C60];
	[tilespmem:s17+$0x11C70] =	vst v7  }
0x88: {  	v7 =	vld [tilespmem:s16+$0x9C70];
	[tilespmem:s17+$0x11C00] =	vst v5;
	v4 =	vmul.f32 $1.131370830e+01, v4  }
0x89: {  	v5 =	vld [tilespmem:s16+$0x9C00];
	[tilespmem:s17+$0x11C10] =	vst v6;
	v3 =	vmul.f32 $1.131370830e+01, v3  }
0x8a: {  	v6 =	vld [tilespmem:s16+$0x9C10];
	[tilespmem:s17+$0x11C20] =	vst v4;
	v0 =	vmul.f32 $1.131370830e+01, v0  }
0x8b: {  	v4 =	vld [tilespmem:s16+$0x9C20];
	[tilespmem:s17+$0x11C30] =	vst v3;
	v1 =	vmul.f32 $1.131370830e+01, v1  }
0x8c: {  	v3 =	vld [tilespmem:s16+$0x9C30];
	[tilespmem:s17+$0x11C40] =	vst v0;
	v2 =	vmul.f32 $1.131370830e+01, v2  }
0x8d: {  	v0 =	vld [tilespmem:s16+$0x9C40];
	[tilespmem:s17+$0x11C50] =	vst v1;
	v7 =	vmul.f32 $1.131370830e+01, v7  }
0x8e: {  	v1 =	vld [tilespmem:s16+$0x9C50];
	[tilespmem:s17+$0x11C60] =	vst v2;
	v2 =	vmul.f32 $1.131370830e+01, v5  }
0x8f: {  	v5 =	vld [tilespmem:s16+$0x9C60];
	v6 =	vmul.f32 $1.131370830e+01, v6;
	[tilespmem:s16+$0x11C70] =	vst v7  }
0x90: {  	[tilespmem:s16+$0x11C00] =	vst v2;
	v2 =	vmul.f32 $1.131370830e+01, v4  }
0x91: {  	[tilespmem:s16+$0x11C10] =	vst v6;
	v3 =	vmul.f32 $1.131370830e+01, v3  }
0x92: {  	[tilespmem:s16+$0x11C20] =	vst v2;
	v0 =	vmul.f32 $1.131370830e+01, v0  }
0x93: {  	[tilespmem:s16+$0x11C30] =	vst v3;
	v1 =	vmul.f32 $1.131370830e+01, v1  }
0x94: {  	[tilespmem:s16+$0x11C40] =	vst v0;
	v0 =	vmul.f32 $1.131370830e+01, v5  }
0x95: {  	[tilespmem:s16+$0x11C50] =	vst v1  }
0x96: {  	s19 =	simm.s32 $0x0;
	s20 =	rddreg [dreg:$0x5];
	[tilespmem:s16+$0x11C60] =	vst v0  }
0x97: {  	[hbm4b:s20+s19] =	stream.linear.scatter [tilespmem:s29], [sflag:$0x5], $0x4000, $0x38;
	[tilespmem:$0x19C00] =	vst v63  }
0x98: {  	s21 =	simm.s32 $0x300  }
0x99: {  	[tilespmem:s28], [sflag:$0x3] =	stream.indirect.gather [hbm4b:s2+s23], $0x80, s21, s23, $0xb8;
	[tilespmem:$0x19C00] =	vst v63  }
0x9a: {  	_ =	swait.ge [sflag:s12], $0x4000  }
0x9b: {  	[sflag:s12] =	ssyncset.done $0x0  }
0x9c: {  	[sflag:s12] =	ssyncadd.s32 $0xFFFFC000  }
0x9d: {  	_ =	swait.ge [sflag:s14], $0x4000  }
0x9e: {  	[sflag:s14] =	ssyncset.done $0x0  }
0x9f: {  	s17 =	simm.s32 $0x0;
	[sflag:s14] =	ssyncadd.s32 $0xFFFFC000  }
0xa0: {  	v1 =	vld [tilespmem:s17+$0xDC70]  }
0xa1: {  	v5 =	vld [tilespmem:s17+$0xDC00]  }
0xa2: {  	v6 =	vld [tilespmem:s17+$0xDC10]  }
0xa3: {  	v4 =	vld [tilespmem:s17+$0xDC20]  }
0xa4: {  	v3 =	vld [tilespmem:s17+$0xDC30]  }
0xa5: {  	v0 =	vld [tilespmem:s17+$0xDC40];
	v7 =	vmul.f32 $1.131370830e+01, v1  }
0xa6: {  	v1 =	vld [tilespmem:s17+$0xDC50];
	v5 =	vmul.f32 $1.131370830e+01, v5  }
0xa7: {  	s18 =	simm.s32 $0x400;
	s16 =	simm.s32 $0x80;
	v2 =	vld [tilespmem:s17+$0xDC60];
	v6 =	vmul.f32 $1.131370830e+01, v6;
	[tilespmem:s17+$0x15C70] =	vst v7  }
.LBB2_8:
0xa8: {  	p0 =	sne.s32 s18, $0xFE00;
	v7 =	vld [tilespmem:s16+$0xDC70];
	[tilespmem:s17+$0x15C00] =	vst v5;
	v4 =	vmul.f32 $1.131370830e+01, v4  }
0xa9: {  	v5 =	vld [tilespmem:s16+$0xDC00];
	[tilespmem:s17+$0x15C10] =	vst v6;
	v3 =	vmul.f32 $1.131370830e+01, v3  }
0xaa: {  	v6 =	vld [tilespmem:s16+$0xDC10];
	[tilespmem:s17+$0x15C20] =	vst v4;
	v0 =	vmul.f32 $1.131370830e+01, v0  }
.Ltmp3:
0xab: {  	v4 =	vld [tilespmem:s16+$0xDC20];
	[tilespmem:s17+$0x15C30] =	vst v3;
	v1 =	vmul.f32 $1.131370830e+01, v1;
	(pc) =	sbr.rel @p0 .LBB2_8-.Ltmp3, $4  }
0xac: {  	v3 =	vld [tilespmem:s16+$0xDC30];
	[tilespmem:s17+$0x15C40] =	vst v0;
	v2 =	vmul.f32 $1.131370830e+01, v2  }
0xad: {  	v0 =	vld [tilespmem:s16+$0xDC40];
	v7 =	vmul.f32 $1.131370830e+01, v7;
	[tilespmem:s17+$0x15C50] =	vst v1  }
0xae: {  	v5 =	vmul.f32 $1.131370830e+01, v5;
	v1 =	vld [tilespmem:s16+$0xDC50];
	[tilespmem:s17+$0x15C60] =	vst v2;
	s17 =	smov.u32 s16  }
0xaf: {  	s16 =	sshra.s32 s18, $0x2;
	s18 =	sadd.s32 $0x200, s18;
	v6 =	vmul.f32 $1.131370830e+01, v6;
	v2 =	vld [tilespmem:s17+$0xDC60];
	[tilespmem:s17+$0x15C70] =	vst v7  }
0xb0: {  	v7 =	vld [tilespmem:s16+$0xDC70];
	[tilespmem:s17+$0x15C00] =	vst v5;
	v4 =	vmul.f32 $1.131370830e+01, v4  }
0xb1: {  	v5 =	vld [tilespmem:s16+$0xDC00];
	[tilespmem:s17+$0x15C10] =	vst v6;
	v3 =	vmul.f32 $1.131370830e+01, v3  }
0xb2: {  	v6 =	vld [tilespmem:s16+$0xDC10];
	[tilespmem:s17+$0x15C20] =	vst v4;
	v0 =	vmul.f32 $1.131370830e+01, v0  }
0xb3: {  	v4 =	vld [tilespmem:s16+$0xDC20];
	[tilespmem:s17+$0x15C30] =	vst v3;
	v1 =	vmul.f32 $1.131370830e+01, v1  }
0xb4: {  	v3 =	vld [tilespmem:s16+$0xDC30];
	[tilespmem:s17+$0x15C40] =	vst v0;
	v2 =	vmul.f32 $1.131370830e+01, v2  }
0xb5: {  	v0 =	vld [tilespmem:s16+$0xDC40];
	[tilespmem:s17+$0x15C50] =	vst v1;
	v7 =	vmul.f32 $1.131370830e+01, v7  }
0xb6: {  	v1 =	vld [tilespmem:s16+$0xDC50];
	[tilespmem:s17+$0x15C60] =	vst v2;
	v60 =	vmul.f32 $1.131370830e+01, v5  }
0xb7: {  	v61 =	vld [tilespmem:s16+$0xDC60];
	v6 =	vmul.f32 $1.131370830e+01, v6;
	[tilespmem:s16+$0x15C70] =	vst v7  }
0xb8: {  	[tilespmem:s16+$0x15C00] =	vst v60;
	v62 =	vmul.f32 $1.131370830e+01, v4  }
0xb9: {  	[tilespmem:s16+$0x15C10] =	vst v6;
	v3 =	vmul.f32 $1.131370830e+01, v3  }
0xba: {  	[tilespmem:s16+$0x15C20] =	vst v62;
	v0 =	vmul.f32 $1.131370830e+01, v0  }
0xbb: {  	[tilespmem:s16+$0x15C30] =	vst v3;
	v1 =	vmul.f32 $1.131370830e+01, v1  }
0xbc: {  	[tilespmem:s16+$0x15C40] =	vst v0;
	v63 =	vmul.f32 $1.131370830e+01, v61  }
0xbd: {  	[tilespmem:s16+$0x15C50] =	vst v1  }
0xbe: {  	s20 =	rddreg [dreg:$0x6];
	[tilespmem:s16+$0x15C60] =	vst v63  }
0xbf: {  	[hbm4b:s20+s4] =	stream.linear.scatter [tilespmem:s31], [sflag:$0x6], $0x4000, $0x38;
	[tilespmem:$0x19C00] =	vst v63  }
0xc0: {  	s21 =	simm.s32 $0x380;
	s16 =	simm.s32 $0x1  }
0xc1: {  	[tilespmem:s30], [sflag:$0x4] =	stream.indirect.gather [hbm4b:s2+s23], $0x80, s21, s23, $0xb8;
	[tilespmem:$0x19C00] =	vst v63  }
.LBB2_10:
0xc2: {  	_ =	swait.ge [sflag:s26], $0x4000  }
0xc3: {  	[sflag:s26] =	ssyncset.done $0x0  }
0xc4: {  	[sflag:s26] =	ssyncadd.s32 $0xFFFFC000  }
0xc5: {  	_ =	swait.ge [sflag:s11], $0x4000  }
0xc6: {  	[sflag:s11] =	ssyncset.done $0x0  }
0xc7: {  	s17 =	simm.s32 $0x0;
	[sflag:s11] =	ssyncadd.s32 $0xFFFFC000  }
0xc8: {  	v1 =	vld [tilespmem:s17+$0x1C70]  }
0xc9: {  	v5 =	vld [tilespmem:s17+$0x1C00]  }
0xca: {  	v6 =	vld [tilespmem:s17+$0x1C10]  }
0xcb: {  	v4 =	vld [tilespmem:s17+$0x1C20]  }
0xcc: {  	v3 =	vld [tilespmem:s17+$0x1C30]  }
0xcd: {  	v0 =	vld [tilespmem:s17+$0x1C40];
	v7 =	vmul.f32 $1.131370830e+01, v1  }
0xce: {  	v1 =	vld [tilespmem:s17+$0x1C50];
	v5 =	vmul.f32 $1.131370830e+01, v5  }
0xcf: {  	s18 =	simm.s32 $0x80;
	s19 =	simm.s32 $0x400;
	v2 =	vld [tilespmem:s17+$0x1C60];
	v6 =	vmul.f32 $1.131370830e+01, v6;
	[tilespmem:s17+$0x11C70] =	vst v7  }
.LBB2_11:
0xd0: {  	p0 =	sne.s32 s19, $0xFE00;
	v7 =	vld [tilespmem:s18+$0x1C70];
	[tilespmem:s17+$0x11C00] =	vst v5;
	v4 =	vmul.f32 $1.131370830e+01, v4  }
0xd1: {  	v5 =	vld [tilespmem:s18+$0x1C00];
	[tilespmem:s17+$0x11C10] =	vst v6;
	v3 =	vmul.f32 $1.131370830e+01, v3  }
0xd2: {  	v6 =	vld [tilespmem:s18+$0x1C10];
	[tilespmem:s17+$0x11C20] =	vst v4;
	v0 =	vmul.f32 $1.131370830e+01, v0  }
.Ltmp4:
0xd3: {  	v4 =	vld [tilespmem:s18+$0x1C20];
	[tilespmem:s17+$0x11C30] =	vst v3;
	v1 =	vmul.f32 $1.131370830e+01, v1;
	(pc) =	sbr.rel @p0 .LBB2_11-.Ltmp4, $4  }
0xd4: {  	v3 =	vld [tilespmem:s18+$0x1C30];
	[tilespmem:s17+$0x11C40] =	vst v0;
	v2 =	vmul.f32 $1.131370830e+01, v2  }
0xd5: {  	v0 =	vld [tilespmem:s18+$0x1C40];
	v7 =	vmul.f32 $1.131370830e+01, v7;
	[tilespmem:s17+$0x11C50] =	vst v1  }
0xd6: {  	v5 =	vmul.f32 $1.131370830e+01, v5;
	v1 =	vld [tilespmem:s18+$0x1C50];
	[tilespmem:s17+$0x11C60] =	vst v2;
	s17 =	smov.u32 s18  }
0xd7: {  	s18 =	sshra.s32 s19, $0x2;
	s19 =	sadd.s32 $0x200, s19;
	v6 =	vmul.f32 $1.131370830e+01, v6;
	v2 =	vld [tilespmem:s17+$0x1C60];
	[tilespmem:s17+$0x11C70] =	vst v7  }
0xd8: {  	v7 =	vld [tilespmem:s18+$0x1C70];
	[tilespmem:s17+$0x11C00] =	vst v5;
	v4 =	vmul.f32 $1.131370830e+01, v4  }
0xd9: {  	v5 =	vld [tilespmem:s18+$0x1C00];
	[tilespmem:s17+$0x11C10] =	vst v6;
	v3 =	vmul.f32 $1.131370830e+01, v3  }
0xda: {  	v6 =	vld [tilespmem:s18+$0x1C10];
	[tilespmem:s17+$0x11C20] =	vst v4;
	v0 =	vmul.f32 $1.131370830e+01, v0  }
0xdb: {  	v4 =	vld [tilespmem:s18+$0x1C20];
	[tilespmem:s17+$0x11C30] =	vst v3;
	v1 =	vmul.f32 $1.131370830e+01, v1  }
0xdc: {  	v3 =	vld [tilespmem:s18+$0x1C30];
	[tilespmem:s17+$0x11C40] =	vst v0;
	v2 =	vmul.f32 $1.131370830e+01, v2  }
0xdd: {  	v0 =	vld [tilespmem:s18+$0x1C40];
	[tilespmem:s17+$0x11C50] =	vst v1;
	v7 =	vmul.f32 $1.131370830e+01, v7  }
0xde: {  	v1 =	vld [tilespmem:s18+$0x1C50];
	[tilespmem:s17+$0x11C60] =	vst v2;
	v2 =	vmul.f32 $1.131370830e+01, v5  }
0xdf: {  	v5 =	vld [tilespmem:s18+$0x1C60];
	v6 =	vmul.f32 $1.131370830e+01, v6;
	[tilespmem:s18+$0x11C70] =	vst v7  }
0xe0: {  	[tilespmem:s18+$0x11C00] =	vst v2;
	v2 =	vmul.f32 $1.131370830e+01, v4  }
0xe1: {  	[tilespmem:s18+$0x11C10] =	vst v6;
	v3 =	vmul.f32 $1.131370830e+01, v3  }
0xe2: {  	[tilespmem:s18+$0x11C20] =	vst v2;
	v0 =	vmul.f32 $1.131370830e+01, v0  }
0xe3: {  	[tilespmem:s18+$0x11C30] =	vst v3;
	v1 =	vmul.f32 $1.131370830e+01, v1  }
0xe4: {  	s20 =	sshll.u32 s16, $0x12;
	[tilespmem:s18+$0x11C40] =	vst v0;
	v0 =	vmul.f32 $1.131370830e+01, v5  }
0xe5: {  	s17 =	sor.u32 s7, s20;
	s20 =	sshll.u32 s16, $0x9;
	[tilespmem:s18+$0x11C50] =	vst v1  }
0xe6: {  	s19 =	simm.s32 $0x0;
	s21 =	sadd.s32 s3, s17;
	[tilespmem:s18+$0x11C60] =	vst v0;
	s18 =	sand.u32 $0x3FFFFE00, s20  }
0xe7: {  	[hbm4b:s21+s19] =	stream.linear.scatter [tilespmem:s29], [sflag:$0x5], $0x4000, $0x38;
	[tilespmem:$0x19C00] =	vst v63  }
0xe8: {  	s21 =	sadd.s32 $0x200, s18  }
0xe9: {  	[tilespmem:s24], [sflag:$0x1] =	stream.indirect.gather [hbm4b:s2+s23], $0x80, s21, s23, $0xb8;
	[tilespmem:$0x19C00] =	vst v63  }
0xea: {  	_ =	swait.ge [sflag:s0], $0x4000  }
0xeb: {  	[sflag:s0] =	ssyncset.done $0x0  }
0xec: {  	[sflag:s0] =	ssyncadd.s32 $0xFFFFC000  }
0xed: {  	_ =	swait.ge [sflag:s14], $0x4000  }
0xee: {  	[sflag:s14] =	ssyncset.done $0x0  }
0xef: {  	s20 =	simm.s32 $0x0;
	[sflag:s14] =	ssyncadd.s32 $0xFFFFC000  }
0xf0: {  	v1 =	vld [tilespmem:s20+$0x5C70]  }
0xf1: {  	v5 =	vld [tilespmem:s20+$0x5C00]  }
0xf2: {  	v6 =	vld [tilespmem:s20+$0x5C10]  }
0xf3: {  	v4 =	vld [tilespmem:s20+$0x5C20]  }
0xf4: {  	v3 =	vld [tilespmem:s20+$0x5C30]  }
0xf5: {  	v0 =	vld [tilespmem:s20+$0x5C40];
	v7 =	vmul.f32 $1.131370830e+01, v1  }
0xf6: {  	v1 =	vld [tilespmem:s20+$0x5C50];
	v5 =	vmul.f32 $1.131370830e+01, v5  }
0xf7: {  	s19 =	simm.s32 $0x80;
	s21 =	simm.s32 $0x400;
	v2 =	vld [tilespmem:s20+$0x5C60];
	v6 =	vmul.f32 $1.131370830e+01, v6;
	[tilespmem:s20+$0x15C70] =	vst v7  }
.LBB2_13:
0xf8: {  	p0 =	sne.s32 s21, $0xFE00;
	v7 =	vld [tilespmem:s19+$0x5C70];
	[tilespmem:s20+$0x15C00] =	vst v5;
	v4 =	vmul.f32 $1.131370830e+01, v4  }
0xf9: {  	v5 =	vld [tilespmem:s19+$0x5C00];
	[tilespmem:s20+$0x15C10] =	vst v6;
	v3 =	vmul.f32 $1.131370830e+01, v3  }
0xfa: {  	v6 =	vld [tilespmem:s19+$0x5C10];
	[tilespmem:s20+$0x15C20] =	vst v4;
	v0 =	vmul.f32 $1.131370830e+01, v0  }
.Ltmp5:
0xfb: {  	v4 =	vld [tilespmem:s19+$0x5C20];
	[tilespmem:s20+$0x15C30] =	vst v3;
	v1 =	vmul.f32 $1.131370830e+01, v1;
	(pc) =	sbr.rel @p0 .LBB2_13-.Ltmp5, $4  }
0xfc: {  	v3 =	vld [tilespmem:s19+$0x5C30];
	[tilespmem:s20+$0x15C40] =	vst v0;
	v2 =	vmul.f32 $1.131370830e+01, v2  }
0xfd: {  	v0 =	vld [tilespmem:s19+$0x5C40];
	v7 =	vmul.f32 $1.131370830e+01, v7;
	[tilespmem:s20+$0x15C50] =	vst v1  }
0xfe: {  	v5 =	vmul.f32 $1.131370830e+01, v5;
	v1 =	vld [tilespmem:s19+$0x5C50];
	[tilespmem:s20+$0x15C60] =	vst v2;
	s20 =	smov.u32 s19  }
0xff: {  	s19 =	sshra.s32 s21, $0x2;
	s21 =	sadd.s32 $0x200, s21;
	v6 =	vmul.f32 $1.131370830e+01, v6;
	v2 =	vld [tilespmem:s20+$0x5C60];
	[tilespmem:s20+$0x15C70] =	vst v7  }
0x100: {  	v7 =	vld [tilespmem:s19+$0x5C70];
	[tilespmem:s20+$0x15C00] =	vst v5;
	v4 =	vmul.f32 $1.131370830e+01, v4  }
0x101: {  	v5 =	vld [tilespmem:s19+$0x5C00];
	[tilespmem:s20+$0x15C10] =	vst v6;
	v3 =	vmul.f32 $1.131370830e+01, v3  }
0x102: {  	v6 =	vld [tilespmem:s19+$0x5C10];
	[tilespmem:s20+$0x15C20] =	vst v4;
	v0 =	vmul.f32 $1.131370830e+01, v0  }
0x103: {  	v4 =	vld [tilespmem:s19+$0x5C20];
	[tilespmem:s20+$0x15C30] =	vst v3;
	v1 =	vmul.f32 $1.131370830e+01, v1  }
0x104: {  	v3 =	vld [tilespmem:s19+$0x5C30];
	[tilespmem:s20+$0x15C40] =	vst v0;
	v2 =	vmul.f32 $1.131370830e+01, v2  }
0x105: {  	v0 =	vld [tilespmem:s19+$0x5C40];
	[tilespmem:s20+$0x15C50] =	vst v1;
	v7 =	vmul.f32 $1.131370830e+01, v7  }
0x106: {  	v1 =	vld [tilespmem:s19+$0x5C50];
	[tilespmem:s20+$0x15C60] =	vst v2;
	v2 =	vmul.f32 $1.131370830e+01, v5  }
0x107: {  	v5 =	vld [tilespmem:s19+$0x5C60];
	v6 =	vmul.f32 $1.131370830e+01, v6;
	[tilespmem:s19+$0x15C70] =	vst v7  }
0x108: {  	[tilespmem:s19+$0x15C00] =	vst v2;
	v2 =	vmul.f32 $1.131370830e+01, v4  }
0x109: {  	[tilespmem:s19+$0x15C10] =	vst v6;
	v3 =	vmul.f32 $1.131370830e+01, v3  }
0x10a: {  	[tilespmem:s19+$0x15C20] =	vst v2;
	v0 =	vmul.f32 $1.131370830e+01, v0  }
0x10b: {  	[tilespmem:s19+$0x15C30] =	vst v3;
	v1 =	vmul.f32 $1.131370830e+01, v1  }
0x10c: {  	[tilespmem:s19+$0x15C40] =	vst v0;
	v0 =	vmul.f32 $1.131370830e+01, v5  }
0x10d: {  	[tilespmem:s19+$0x15C50] =	vst v1  }
0x10e: {  	s21 =	simm.s32 $0x0;
	s20 =	sadd.s32 s17, s9;
	[tilespmem:s19+$0x15C60] =	vst v0  }
0x10f: {  	[hbm4b:s20+s21] =	stream.linear.scatter [tilespmem:s31], [sflag:$0x6], $0x4000, $0x38;
	[tilespmem:$0x19C00] =	vst v63  }
0x110: {  	s21 =	sadd.s32 $0x280, s18  }
0x111: {  	[tilespmem:s25], [sflag:$0x2] =	stream.indirect.gather [hbm4b:s2+s23], $0x80, s21, s23, $0xb8;
	[tilespmem:$0x19C00] =	vst v63  }
0x112: {  	_ =	swait.ge [sflag:s1], $0x4000  }
0x113: {  	[sflag:s1] =	ssyncset.done $0x0  }
0x114: {  	[sflag:s1] =	ssyncadd.s32 $0xFFFFC000  }
0x115: {  	_ =	swait.ge [sflag:s11], $0x4000  }
0x116: {  	[sflag:s11] =	ssyncset.done $0x0  }
0x117: {  	s20 =	simm.s32 $0x0;
	[sflag:s11] =	ssyncadd.s32 $0xFFFFC000  }
0x118: {  	v1 =	vld [tilespmem:s20+$0x9C70]  }
0x119: {  	v5 =	vld [tilespmem:s20+$0x9C00]  }
0x11a: {  	v6 =	vld [tilespmem:s20+$0x9C10]  }
0x11b: {  	v4 =	vld [tilespmem:s20+$0x9C20]  }
0x11c: {  	v3 =	vld [tilespmem:s20+$0x9C30]  }
0x11d: {  	v0 =	vld [tilespmem:s20+$0x9C40];
	v7 =	vmul.f32 $1.131370830e+01, v1  }
0x11e: {  	v1 =	vld [tilespmem:s20+$0x9C50];
	v5 =	vmul.f32 $1.131370830e+01, v5  }
0x11f: {  	s19 =	simm.s32 $0x80;
	s21 =	simm.s32 $0x400;
	v2 =	vld [tilespmem:s20+$0x9C60];
	v6 =	vmul.f32 $1.131370830e+01, v6;
	[tilespmem:s20+$0x11C70] =	vst v7  }
.LBB2_15:
0x120: {  	p0 =	sne.s32 s21, $0xFE00;
	v7 =	vld [tilespmem:s19+$0x9C70];
	[tilespmem:s20+$0x11C00] =	vst v5;
	v4 =	vmul.f32 $1.131370830e+01, v4  }
0x121: {  	v5 =	vld [tilespmem:s19+$0x9C00];
	[tilespmem:s20+$0x11C10] =	vst v6;
	v3 =	vmul.f32 $1.131370830e+01, v3  }
0x122: {  	v6 =	vld [tilespmem:s19+$0x9C10];
	[tilespmem:s20+$0x11C20] =	vst v4;
	v0 =	vmul.f32 $1.131370830e+01, v0  }
.Ltmp6:
0x123: {  	v4 =	vld [tilespmem:s19+$0x9C20];
	[tilespmem:s20+$0x11C30] =	vst v3;
	v1 =	vmul.f32 $1.131370830e+01, v1;
	(pc) =	sbr.rel @p0 .LBB2_15-.Ltmp6, $4  }
0x124: {  	v3 =	vld [tilespmem:s19+$0x9C30];
	[tilespmem:s20+$0x11C40] =	vst v0;
	v2 =	vmul.f32 $1.131370830e+01, v2  }
0x125: {  	v0 =	vld [tilespmem:s19+$0x9C40];
	v7 =	vmul.f32 $1.131370830e+01, v7;
	[tilespmem:s20+$0x11C50] =	vst v1  }
0x126: {  	v5 =	vmul.f32 $1.131370830e+01, v5;
	v1 =	vld [tilespmem:s19+$0x9C50];
	[tilespmem:s20+$0x11C60] =	vst v2;
	s20 =	smov.u32 s19  }
0x127: {  	s19 =	sshra.s32 s21, $0x2;
	s21 =	sadd.s32 $0x200, s21;
	v6 =	vmul.f32 $1.131370830e+01, v6;
	v2 =	vld [tilespmem:s20+$0x9C60];
	[tilespmem:s20+$0x11C70] =	vst v7  }
0x128: {  	v7 =	vld [tilespmem:s19+$0x9C70];
	[tilespmem:s20+$0x11C00] =	vst v5;
	v4 =	vmul.f32 $1.131370830e+01, v4  }
0x129: {  	v5 =	vld [tilespmem:s19+$0x9C00];
	[tilespmem:s20+$0x11C10] =	vst v6;
	v3 =	vmul.f32 $1.131370830e+01, v3  }
0x12a: {  	v6 =	vld [tilespmem:s19+$0x9C10];
	[tilespmem:s20+$0x11C20] =	vst v4;
	v0 =	vmul.f32 $1.131370830e+01, v0  }
0x12b: {  	v4 =	vld [tilespmem:s19+$0x9C20];
	[tilespmem:s20+$0x11C30] =	vst v3;
	v1 =	vmul.f32 $1.131370830e+01, v1  }
0x12c: {  	v3 =	vld [tilespmem:s19+$0x9C30];
	[tilespmem:s20+$0x11C40] =	vst v0;
	v2 =	vmul.f32 $1.131370830e+01, v2  }
0x12d: {  	v0 =	vld [tilespmem:s19+$0x9C40];
	[tilespmem:s20+$0x11C50] =	vst v1;
	v7 =	vmul.f32 $1.131370830e+01, v7  }
0x12e: {  	v1 =	vld [tilespmem:s19+$0x9C50];
	[tilespmem:s20+$0x11C60] =	vst v2;
	v2 =	vmul.f32 $1.131370830e+01, v5  }
0x12f: {  	v5 =	vld [tilespmem:s19+$0x9C60];
	v6 =	vmul.f32 $1.131370830e+01, v6;
	[tilespmem:s19+$0x11C70] =	vst v7  }
0x130: {  	[tilespmem:s19+$0x11C00] =	vst v2;
	v2 =	vmul.f32 $1.131370830e+01, v4  }
0x131: {  	[tilespmem:s19+$0x11C10] =	vst v6;
	v3 =	vmul.f32 $1.131370830e+01, v3  }
0x132: {  	[tilespmem:s19+$0x11C20] =	vst v2;
	v0 =	vmul.f32 $1.131370830e+01, v0  }
0x133: {  	[tilespmem:s19+$0x11C30] =	vst v3;
	v1 =	vmul.f32 $1.131370830e+01, v1  }
0x134: {  	[tilespmem:s19+$0x11C40] =	vst v0;
	v0 =	vmul.f32 $1.131370830e+01, v5  }
0x135: {  	[tilespmem:s19+$0x11C50] =	vst v1  }
0x136: {  	s21 =	simm.s32 $0x0;
	s20 =	sadd.s32 s17, s10;
	[tilespmem:s19+$0x11C60] =	vst v0  }
0x137: {  	[hbm4b:s20+s21] =	stream.linear.scatter [tilespmem:s29], [sflag:$0x5], $0x4000, $0x38;
	[tilespmem:$0x19C00] =	vst v63  }
0x138: {  	s21 =	sadd.s32 $0x300, s18  }
0x139: {  	[tilespmem:s28], [sflag:$0x3] =	stream.indirect.gather [hbm4b:s2+s23], $0x80, s21, s23, $0xb8;
	[tilespmem:$0x19C00] =	vst v63  }
0x13a: {  	_ =	swait.ge [sflag:s12], $0x4000  }
0x13b: {  	[sflag:s12] =	ssyncset.done $0x0  }
0x13c: {  	[sflag:s12] =	ssyncadd.s32 $0xFFFFC000  }
0x13d: {  	_ =	swait.ge [sflag:s14], $0x4000  }
0x13e: {  	[sflag:s14] =	ssyncset.done $0x0  }
0x13f: {  	s20 =	simm.s32 $0x0;
	[sflag:s14] =	ssyncadd.s32 $0xFFFFC000  }
0x140: {  	v1 =	vld [tilespmem:s20+$0xDC70]  }
0x141: {  	v5 =	vld [tilespmem:s20+$0xDC00]  }
0x142: {  	v6 =	vld [tilespmem:s20+$0xDC10]  }
0x143: {  	v4 =	vld [tilespmem:s20+$0xDC20]  }
0x144: {  	v3 =	vld [tilespmem:s20+$0xDC30]  }
0x145: {  	v0 =	vld [tilespmem:s20+$0xDC40];
	v7 =	vmul.f32 $1.131370830e+01, v1  }
0x146: {  	v1 =	vld [tilespmem:s20+$0xDC50];
	v5 =	vmul.f32 $1.131370830e+01, v5  }
0x147: {  	s19 =	simm.s32 $0x80;
	s21 =	simm.s32 $0x400;
	v2 =	vld [tilespmem:s20+$0xDC60];
	v6 =	vmul.f32 $1.131370830e+01, v6;
	[tilespmem:s20+$0x15C70] =	vst v7  }
.LBB2_17:
0x148: {  	p0 =	sne.s32 s21, $0xFE00;
	v7 =	vld [tilespmem:s19+$0xDC70];
	[tilespmem:s20+$0x15C00] =	vst v5;
	v4 =	vmul.f32 $1.131370830e+01, v4  }
0x149: {  	v5 =	vld [tilespmem:s19+$0xDC00];
	[tilespmem:s20+$0x15C10] =	vst v6;
	v3 =	vmul.f32 $1.131370830e+01, v3  }
0x14a: {  	v6 =	vld [tilespmem:s19+$0xDC10];
	[tilespmem:s20+$0x15C20] =	vst v4;
	v0 =	vmul.f32 $1.131370830e+01, v0  }
.Ltmp7:
0x14b: {  	v4 =	vld [tilespmem:s19+$0xDC20];
	[tilespmem:s20+$0x15C30] =	vst v3;
	v1 =	vmul.f32 $1.131370830e+01, v1;
	(pc) =	sbr.rel @p0 .LBB2_17-.Ltmp7, $4  }
0x14c: {  	v3 =	vld [tilespmem:s19+$0xDC30];
	[tilespmem:s20+$0x15C40] =	vst v0;
	v2 =	vmul.f32 $1.131370830e+01, v2  }
0x14d: {  	v0 =	vld [tilespmem:s19+$0xDC40];
	v7 =	vmul.f32 $1.131370830e+01, v7;
	[tilespmem:s20+$0x15C50] =	vst v1  }
0x14e: {  	v5 =	vmul.f32 $1.131370830e+01, v5;
	v1 =	vld [tilespmem:s19+$0xDC50];
	[tilespmem:s20+$0x15C60] =	vst v2;
	s20 =	smov.u32 s19  }
0x14f: {  	s19 =	sshra.s32 s21, $0x2;
	s21 =	sadd.s32 $0x200, s21;
	v6 =	vmul.f32 $1.131370830e+01, v6;
	v2 =	vld [tilespmem:s20+$0xDC60];
	[tilespmem:s20+$0x15C70] =	vst v7  }
0x150: {  	v7 =	vld [tilespmem:s19+$0xDC70];
	[tilespmem:s20+$0x15C00] =	vst v5;
	v4 =	vmul.f32 $1.131370830e+01, v4  }
0x151: {  	v5 =	vld [tilespmem:s19+$0xDC00];
	[tilespmem:s20+$0x15C10] =	vst v6;
	v3 =	vmul.f32 $1.131370830e+01, v3  }
0x152: {  	v6 =	vld [tilespmem:s19+$0xDC10];
	[tilespmem:s20+$0x15C20] =	vst v4;
	v0 =	vmul.f32 $1.131370830e+01, v0  }
0x153: {  	v4 =	vld [tilespmem:s19+$0xDC20];
	[tilespmem:s20+$0x15C30] =	vst v3;
	v1 =	vmul.f32 $1.131370830e+01, v1  }
0x154: {  	v3 =	vld [tilespmem:s19+$0xDC30];
	[tilespmem:s20+$0x15C40] =	vst v0;
	v2 =	vmul.f32 $1.131370830e+01, v2  }
0x155: {  	v0 =	vld [tilespmem:s19+$0xDC40];
	[tilespmem:s20+$0x15C50] =	vst v1;
	v7 =	vmul.f32 $1.131370830e+01, v7  }
0x156: {  	v1 =	vld [tilespmem:s19+$0xDC50];
	[tilespmem:s20+$0x15C60] =	vst v2;
	v60 =	vmul.f32 $1.131370830e+01, v5  }
0x157: {  	v61 =	vld [tilespmem:s19+$0xDC60];
	v6 =	vmul.f32 $1.131370830e+01, v6;
	[tilespmem:s19+$0x15C70] =	vst v7  }
0x158: {  	[tilespmem:s19+$0x15C00] =	vst v60;
	v62 =	vmul.f32 $1.131370830e+01, v4  }
0x159: {  	[tilespmem:s19+$0x15C10] =	vst v6;
	v3 =	vmul.f32 $1.131370830e+01, v3  }
0x15a: {  	[tilespmem:s19+$0x15C20] =	vst v62;
	v0 =	vmul.f32 $1.131370830e+01, v0  }
0x15b: {  	s16 =	sadd.s32 $0x1, s16;
	[tilespmem:s19+$0x15C30] =	vst v3;
	v1 =	vmul.f32 $1.131370830e+01, v1  }
0x15c: {  	p0 =	sne.s32 s16, $0xB;
	[tilespmem:s19+$0x15C40] =	vst v0;
	v63 =	vmul.f32 $1.131370830e+01, v61  }
.Ltmp8:
0x15d: {  	[tilespmem:s19+$0x15C50] =	vst v1;
	(pc) =	sbr.rel @p0 .LBB2_10-.Ltmp8, $4  }
0x15e: {  	s17 =	sadd.s32 s17, s13;
	[tilespmem:s19+$0x15C60] =	vst v63  }
0x15f: {  	[hbm4b:s17+s4] =	stream.linear.scatter [tilespmem:s31], [sflag:$0x6], $0x4000, $0x38;
	[tilespmem:$0x19C00] =	vst v63  }
0x160: {  	s21 =	sadd.s32 $0x380, s18  }
0x161: {  	[tilespmem:s30], [sflag:$0x4] =	stream.indirect.gather [hbm4b:s2+s23], $0x80, s21, s23, $0xb8;
	[tilespmem:$0x19C00] =	vst v63  }
0x162: {  	_ =	swait.ge [sflag:s26], $0x4000  }
0x163: {  	[sflag:s26] =	ssyncset.done $0x0  }
0x164: {  	[sflag:s26] =	ssyncadd.s32 $0xFFFFC000  }
0x165: {  	_ =	swait.ge [sflag:s11], $0x4000  }
0x166: {  	[sflag:s11] =	ssyncset.done $0x0  }
0x167: {  	s17 =	simm.s32 $0x0;
	[sflag:s11] =	ssyncadd.s32 $0xFFFFC000  }
0x168: {  	v1 =	vld [tilespmem:s17+$0x1C70]  }
0x169: {  	v5 =	vld [tilespmem:s17+$0x1C00]  }
0x16a: {  	v6 =	vld [tilespmem:s17+$0x1C10]  }
0x16b: {  	v4 =	vld [tilespmem:s17+$0x1C20]  }
0x16c: {  	v3 =	vld [tilespmem:s17+$0x1C30]  }
0x16d: {  	v0 =	vld [tilespmem:s17+$0x1C40];
	v7 =	vmul.f32 $1.131370830e+01, v1  }
0x16e: {  	v1 =	vld [tilespmem:s17+$0x1C50];
	v5 =	vmul.f32 $1.131370830e+01, v5  }
0x16f: {  	s16 =	simm.s32 $0x80;
	s18 =	simm.s32 $0x400;
	v2 =	vld [tilespmem:s17+$0x1C60];
	v6 =	vmul.f32 $1.131370830e+01, v6;
	[tilespmem:s17+$0x11C70] =	vst v7  }
.LBB2_20:
0x170: {  	p0 =	sne.s32 s18, $0xFE00;
	v7 =	vld [tilespmem:s16+$0x1C70];
	[tilespmem:s17+$0x11C00] =	vst v5;
	v4 =	vmul.f32 $1.131370830e+01, v4  }
0x171: {  	v5 =	vld [tilespmem:s16+$0x1C00];
	[tilespmem:s17+$0x11C10] =	vst v6;
	v3 =	vmul.f32 $1.131370830e+01, v3  }
0x172: {  	v6 =	vld [tilespmem:s16+$0x1C10];
	[tilespmem:s17+$0x11C20] =	vst v4;
	v0 =	vmul.f32 $1.131370830e+01, v0  }
.Ltmp9:
0x173: {  	v4 =	vld [tilespmem:s16+$0x1C20];
	[tilespmem:s17+$0x11C30] =	vst v3;
	v1 =	vmul.f32 $1.131370830e+01, v1;
	(pc) =	sbr.rel @p0 .LBB2_20-.Ltmp9, $4  }
0x174: {  	v3 =	vld [tilespmem:s16+$0x1C30];
	[tilespmem:s17+$0x11C40] =	vst v0;
	v2 =	vmul.f32 $1.131370830e+01, v2  }
0x175: {  	v0 =	vld [tilespmem:s16+$0x1C40];
	v7 =	vmul.f32 $1.131370830e+01, v7;
	[tilespmem:s17+$0x11C50] =	vst v1  }
0x176: {  	v5 =	vmul.f32 $1.131370830e+01, v5;
	v1 =	vld [tilespmem:s16+$0x1C50];
	[tilespmem:s17+$0x11C60] =	vst v2;
	s17 =	smov.u32 s16  }
0x177: {  	s16 =	sshra.s32 s18, $0x2;
	s18 =	sadd.s32 $0x200, s18;
	v6 =	vmul.f32 $1.131370830e+01, v6;
	v2 =	vld [tilespmem:s17+$0x1C60];
	[tilespmem:s17+$0x11C70] =	vst v7  }
0x178: {  	v7 =	vld [tilespmem:s16+$0x1C70];
	[tilespmem:s17+$0x11C00] =	vst v5;
	v4 =	vmul.f32 $1.131370830e+01, v4  }
0x179: {  	v5 =	vld [tilespmem:s16+$0x1C00];
	[tilespmem:s17+$0x11C10] =	vst v6;
	v3 =	vmul.f32 $1.131370830e+01, v3  }
0x17a: {  	v6 =	vld [tilespmem:s16+$0x1C10];
	[tilespmem:s17+$0x11C20] =	vst v4;
	v0 =	vmul.f32 $1.131370830e+01, v0  }
0x17b: {  	v4 =	vld [tilespmem:s16+$0x1C20];
	[tilespmem:s17+$0x11C30] =	vst v3;
	v1 =	vmul.f32 $1.131370830e+01, v1  }
0x17c: {  	v3 =	vld [tilespmem:s16+$0x1C30];
	[tilespmem:s17+$0x11C40] =	vst v0;
	v2 =	vmul.f32 $1.131370830e+01, v2  }
0x17d: {  	v0 =	vld [tilespmem:s16+$0x1C40];
	[tilespmem:s17+$0x11C50] =	vst v1;
	v7 =	vmul.f32 $1.131370830e+01, v7  }
0x17e: {  	v1 =	vld [tilespmem:s16+$0x1C50];
	[tilespmem:s17+$0x11C60] =	vst v2;
	v2 =	vmul.f32 $1.131370830e+01, v5  }
0x17f: {  	v5 =	vld [tilespmem:s16+$0x1C60];
	v6 =	vmul.f32 $1.131370830e+01, v6;
	[tilespmem:s16+$0x11C70] =	vst v7  }
0x180: {  	[tilespmem:s16+$0x11C00] =	vst v2;
	v2 =	vmul.f32 $1.131370830e+01, v4  }
0x181: {  	[tilespmem:s16+$0x11C10] =	vst v6;
	v3 =	vmul.f32 $1.131370830e+01, v3  }
0x182: {  	[tilespmem:s16+$0x11C20] =	vst v2;
	v0 =	vmul.f32 $1.131370830e+01, v0  }
0x183: {  	[tilespmem:s16+$0x11C30] =	vst v3;
	v1 =	vmul.f32 $1.131370830e+01, v1  }
0x184: {  	[tilespmem:s16+$0x11C40] =	vst v0;
	v0 =	vmul.f32 $1.131370830e+01, v5  }
0x185: {  	[tilespmem:s16+$0x11C50] =	vst v1  }
0x186: {  	s20 =	simm.s32 $0x0;
	s21 =	rddreg [dreg:$0x7];
	[tilespmem:s16+$0x11C60] =	vst v0  }
0x187: {  	[hbm4b:s21+s20] =	stream.linear.scatter [tilespmem:s29], [sflag:$0x5], $0x4000, $0x38;
	[tilespmem:$0x19C00] =	vst v63  }
0x188: {  	s19 =	simm.s32 $0x1800  }
0x189: {  	[tilespmem:s24], [sflag:$0x1] =	stream.indirect.gather [hbm4b:s2+s23], $0x80, s19, s23, $0xb8;
	[tilespmem:$0x19C00] =	vst v63  }
0x18a: {  	_ =	swait.ge [sflag:s0], $0x4000  }
0x18b: {  	[sflag:s0] =	ssyncset.done $0x0  }
0x18c: {  	[sflag:s0] =	ssyncadd.s32 $0xFFFFC000  }
0x18d: {  	_ =	swait.ge [sflag:s14], $0x4000  }
0x18e: {  	[sflag:s14] =	ssyncset.done $0x0  }
0x18f: {  	s17 =	simm.s32 $0x0;
	[sflag:s14] =	ssyncadd.s32 $0xFFFFC000  }
0x190: {  	v1 =	vld [tilespmem:s17+$0x5C70]  }
0x191: {  	v5 =	vld [tilespmem:s17+$0x5C00]  }
0x192: {  	v6 =	vld [tilespmem:s17+$0x5C10]  }
0x193: {  	v4 =	vld [tilespmem:s17+$0x5C20]  }
0x194: {  	v3 =	vld [tilespmem:s17+$0x5C30]  }
0x195: {  	v0 =	vld [tilespmem:s17+$0x5C40];
	v7 =	vmul.f32 $1.131370830e+01, v1  }
0x196: {  	v1 =	vld [tilespmem:s17+$0x5C50];
	v5 =	vmul.f32 $1.131370830e+01, v5  }
0x197: {  	s18 =	simm.s32 $0x400;
	s16 =	simm.s32 $0x80;
	v2 =	vld [tilespmem:s17+$0x5C60];
	v6 =	vmul.f32 $1.131370830e+01, v6;
	[tilespmem:s17+$0x15C70] =	vst v7  }
.LBB2_22:
0x198: {  	p0 =	sne.s32 s18, $0xFE00;
	v7 =	vld [tilespmem:s16+$0x5C70];
	[tilespmem:s17+$0x15C00] =	vst v5;
	v4 =	vmul.f32 $1.131370830e+01, v4  }
0x199: {  	v5 =	vld [tilespmem:s16+$0x5C00];
	[tilespmem:s17+$0x15C10] =	vst v6;
	v3 =	vmul.f32 $1.131370830e+01, v3  }
0x19a: {  	v6 =	vld [tilespmem:s16+$0x5C10];
	[tilespmem:s17+$0x15C20] =	vst v4;
	v0 =	vmul.f32 $1.131370830e+01, v0  }
.Ltmp10:
0x19b: {  	v4 =	vld [tilespmem:s16+$0x5C20];
	[tilespmem:s17+$0x15C30] =	vst v3;
	v1 =	vmul.f32 $1.131370830e+01, v1;
	(pc) =	sbr.rel @p0 .LBB2_22-.Ltmp10, $4  }
0x19c: {  	v3 =	vld [tilespmem:s16+$0x5C30];
	[tilespmem:s17+$0x15C40] =	vst v0;
	v2 =	vmul.f32 $1.131370830e+01, v2  }
0x19d: {  	v0 =	vld [tilespmem:s16+$0x5C40];
	v7 =	vmul.f32 $1.131370830e+01, v7;
	[tilespmem:s17+$0x15C50] =	vst v1  }
0x19e: {  	v5 =	vmul.f32 $1.131370830e+01, v5;
	v1 =	vld [tilespmem:s16+$0x5C50];
	[tilespmem:s17+$0x15C60] =	vst v2;
	s17 =	smov.u32 s16  }
0x19f: {  	s16 =	sshra.s32 s18, $0x2;
	s18 =	sadd.s32 $0x200, s18;
	v6 =	vmul.f32 $1.131370830e+01, v6;
	v2 =	vld [tilespmem:s17+$0x5C60];
	[tilespmem:s17+$0x15C70] =	vst v7  }
0x1a0: {  	v7 =	vld [tilespmem:s16+$0x5C70];
	[tilespmem:s17+$0x15C00] =	vst v5;
	v4 =	vmul.f32 $1.131370830e+01, v4  }
0x1a1: {  	v5 =	vld [tilespmem:s16+$0x5C00];
	[tilespmem:s17+$0x15C10] =	vst v6;
	v3 =	vmul.f32 $1.131370830e+01, v3  }
0x1a2: {  	v6 =	vld [tilespmem:s16+$0x5C10];
	[tilespmem:s17+$0x15C20] =	vst v4;
	v0 =	vmul.f32 $1.131370830e+01, v0  }
0x1a3: {  	v4 =	vld [tilespmem:s16+$0x5C20];
	[tilespmem:s17+$0x15C30] =	vst v3;
	v1 =	vmul.f32 $1.131370830e+01, v1  }
0x1a4: {  	v3 =	vld [tilespmem:s16+$0x5C30];
	[tilespmem:s17+$0x15C40] =	vst v0;
	v2 =	vmul.f32 $1.131370830e+01, v2  }
0x1a5: {  	v0 =	vld [tilespmem:s16+$0x5C40];
	[tilespmem:s17+$0x15C50] =	vst v1;
	v7 =	vmul.f32 $1.131370830e+01, v7  }
0x1a6: {  	v1 =	vld [tilespmem:s16+$0x5C50];
	[tilespmem:s17+$0x15C60] =	vst v2;
	v2 =	vmul.f32 $1.131370830e+01, v5  }
0x1a7: {  	v5 =	vld [tilespmem:s16+$0x5C60];
	v6 =	vmul.f32 $1.131370830e+01, v6;
	[tilespmem:s16+$0x15C70] =	vst v7  }
0x1a8: {  	[tilespmem:s16+$0x15C00] =	vst v2;
	v2 =	vmul.f32 $1.131370830e+01, v4  }
0x1a9: {  	[tilespmem:s16+$0x15C10] =	vst v6;
	v3 =	vmul.f32 $1.131370830e+01, v3  }
0x1aa: {  	[tilespmem:s16+$0x15C20] =	vst v2;
	v0 =	vmul.f32 $1.131370830e+01, v0  }
0x1ab: {  	[tilespmem:s16+$0x15C30] =	vst v3;
	v1 =	vmul.f32 $1.131370830e+01, v1  }
0x1ac: {  	[tilespmem:s16+$0x15C40] =	vst v0;
	v0 =	vmul.f32 $1.131370830e+01, v5  }
0x1ad: {  	[tilespmem:s16+$0x15C50] =	vst v1  }
0x1ae: {  	s18 =	simm.s32 $0x0;
	s20 =	rddreg [dreg:$0x8];
	[tilespmem:s16+$0x15C60] =	vst v0  }
0x1af: {  	[hbm4b:s20+s18] =	stream.linear.scatter [tilespmem:s31], [sflag:$0x6], $0x4000, $0x38;
	[tilespmem:$0x19C00] =	vst v63  }
0x1b0: {  	s21 =	simm.s32 $0x1880  }
0x1b1: {  	[tilespmem:s25], [sflag:$0x2] =	stream.indirect.gather [hbm4b:s2+s23], $0x80, s21, s23, $0xb8;
	[tilespmem:$0x19C00] =	vst v63  }
0x1b2: {  	_ =	swait.ge [sflag:s1], $0x4000  }
0x1b3: {  	[sflag:s1] =	ssyncset.done $0x0  }
0x1b4: {  	[sflag:s1] =	ssyncadd.s32 $0xFFFFC000  }
0x1b5: {  	_ =	swait.ge [sflag:s11], $0x4000  }
0x1b6: {  	[sflag:s11] =	ssyncset.done $0x0  }
0x1b7: {  	s17 =	simm.s32 $0x0;
	[sflag:s11] =	ssyncadd.s32 $0xFFFFC000  }
0x1b8: {  	v1 =	vld [tilespmem:s17+$0x9C70]  }
0x1b9: {  	v5 =	vld [tilespmem:s17+$0x9C00]  }
0x1ba: {  	v6 =	vld [tilespmem:s17+$0x9C10]  }
0x1bb: {  	v4 =	vld [tilespmem:s17+$0x9C20]  }
0x1bc: {  	v3 =	vld [tilespmem:s17+$0x9C30]  }
0x1bd: {  	v0 =	vld [tilespmem:s17+$0x9C40];
	v7 =	vmul.f32 $1.131370830e+01, v1  }
0x1be: {  	v1 =	vld [tilespmem:s17+$0x9C50];
	v5 =	vmul.f32 $1.131370830e+01, v5  }
0x1bf: {  	s16 =	simm.s32 $0x80;
	s18 =	simm.s32 $0x400;
	v2 =	vld [tilespmem:s17+$0x9C60];
	v6 =	vmul.f32 $1.131370830e+01, v6;
	[tilespmem:s17+$0x11C70] =	vst v7  }
.LBB2_24:
0x1c0: {  	p0 =	sne.s32 s18, $0xFE00;
	v7 =	vld [tilespmem:s16+$0x9C70];
	[tilespmem:s17+$0x11C00] =	vst v5;
	v4 =	vmul.f32 $1.131370830e+01, v4  }
0x1c1: {  	v5 =	vld [tilespmem:s16+$0x9C00];
	[tilespmem:s17+$0x11C10] =	vst v6;
	v3 =	vmul.f32 $1.131370830e+01, v3  }
0x1c2: {  	v6 =	vld [tilespmem:s16+$0x9C10];
	[tilespmem:s17+$0x11C20] =	vst v4;
	v0 =	vmul.f32 $1.131370830e+01, v0  }
.Ltmp11:
0x1c3: {  	v4 =	vld [tilespmem:s16+$0x9C20];
	[tilespmem:s17+$0x11C30] =	vst v3;
	v1 =	vmul.f32 $1.131370830e+01, v1;
	(pc) =	sbr.rel @p0 .LBB2_24-.Ltmp11, $4  }
0x1c4: {  	v3 =	vld [tilespmem:s16+$0x9C30];
	[tilespmem:s17+$0x11C40] =	vst v0;
	v2 =	vmul.f32 $1.131370830e+01, v2  }
0x1c5: {  	v0 =	vld [tilespmem:s16+$0x9C40];
	v7 =	vmul.f32 $1.131370830e+01, v7;
	[tilespmem:s17+$0x11C50] =	vst v1  }
0x1c6: {  	v5 =	vmul.f32 $1.131370830e+01, v5;
	v1 =	vld [tilespmem:s16+$0x9C50];
	[tilespmem:s17+$0x11C60] =	vst v2;
	s17 =	smov.u32 s16  }
0x1c7: {  	s16 =	sshra.s32 s18, $0x2;
	s18 =	sadd.s32 $0x200, s18;
	v6 =	vmul.f32 $1.131370830e+01, v6;
	v2 =	vld [tilespmem:s17+$0x9C60];
	[tilespmem:s17+$0x11C70] =	vst v7  }
0x1c8: {  	v7 =	vld [tilespmem:s16+$0x9C70];
	[tilespmem:s17+$0x11C00] =	vst v5;
	v4 =	vmul.f32 $1.131370830e+01, v4  }
0x1c9: {  	v5 =	vld [tilespmem:s16+$0x9C00];
	[tilespmem:s17+$0x11C10] =	vst v6;
	v3 =	vmul.f32 $1.131370830e+01, v3  }
0x1ca: {  	v6 =	vld [tilespmem:s16+$0x9C10];
	[tilespmem:s17+$0x11C20] =	vst v4;
	v0 =	vmul.f32 $1.131370830e+01, v0  }
0x1cb: {  	v4 =	vld [tilespmem:s16+$0x9C20];
	[tilespmem:s17+$0x11C30] =	vst v3;
	v1 =	vmul.f32 $1.131370830e+01, v1  }
0x1cc: {  	v3 =	vld [tilespmem:s16+$0x9C30];
	[tilespmem:s17+$0x11C40] =	vst v0;
	v2 =	vmul.f32 $1.131370830e+01, v2  }
0x1cd: {  	v0 =	vld [tilespmem:s16+$0x9C40];
	[tilespmem:s17+$0x11C50] =	vst v1;
	v7 =	vmul.f32 $1.131370830e+01, v7  }
0x1ce: {  	v1 =	vld [tilespmem:s16+$0x9C50];
	[tilespmem:s17+$0x11C60] =	vst v2;
	v2 =	vmul.f32 $1.131370830e+01, v5  }
0x1cf: {  	v5 =	vld [tilespmem:s16+$0x9C60];
	v6 =	vmul.f32 $1.131370830e+01, v6;
	[tilespmem:s16+$0x11C70] =	vst v7  }
0x1d0: {  	[tilespmem:s16+$0x11C00] =	vst v2;
	v2 =	vmul.f32 $1.131370830e+01, v4  }
0x1d1: {  	[tilespmem:s16+$0x11C10] =	vst v6;
	v3 =	vmul.f32 $1.131370830e+01, v3  }
0x1d2: {  	[tilespmem:s16+$0x11C20] =	vst v2;
	v0 =	vmul.f32 $1.131370830e+01, v0  }
0x1d3: {  	[tilespmem:s16+$0x11C30] =	vst v3;
	v1 =	vmul.f32 $1.131370830e+01, v1  }
0x1d4: {  	[tilespmem:s16+$0x11C40] =	vst v0;
	v0 =	vmul.f32 $1.131370830e+01, v5  }
0x1d5: {  	[tilespmem:s16+$0x11C50] =	vst v1  }
0x1d6: {  	s20 =	simm.s32 $0x0;
	s21 =	rddreg [dreg:$0x9];
	[tilespmem:s16+$0x11C60] =	vst v0  }
0x1d7: {  	[hbm4b:s21+s20] =	stream.linear.scatter [tilespmem:s29], [sflag:$0x5], $0x4000, $0x38;
	[tilespmem:$0x19C00] =	vst v63  }
0x1d8: {  	_ =	swait.ge [sflag:s12], $0x4000  }
0x1d9: {  	[sflag:s12] =	ssyncset.done $0x0  }
0x1da: {  	[sflag:s12] =	ssyncadd.s32 $0xFFFFC000  }
0x1db: {  	_ =	swait.ge [sflag:s14], $0x4000  }
0x1dc: {  	[sflag:s14] =	ssyncset.done $0x0  }
0x1dd: {  	s17 =	simm.s32 $0x0;
	[sflag:s14] =	ssyncadd.s32 $0xFFFFC000  }
0x1de: {  	v1 =	vld [tilespmem:s17+$0xDC70]  }
0x1df: {  	v5 =	vld [tilespmem:s17+$0xDC00]  }
0x1e0: {  	v6 =	vld [tilespmem:s17+$0xDC10]  }
0x1e1: {  	v4 =	vld [tilespmem:s17+$0xDC20]  }
0x1e2: {  	v3 =	vld [tilespmem:s17+$0xDC30]  }
0x1e3: {  	v0 =	vld [tilespmem:s17+$0xDC40];
	v7 =	vmul.f32 $1.131370830e+01, v1  }
0x1e4: {  	v1 =	vld [tilespmem:s17+$0xDC50];
	v5 =	vmul.f32 $1.131370830e+01, v5  }
0x1e5: {  	s18 =	simm.s32 $0x400;
	s16 =	simm.s32 $0x80;
	v2 =	vld [tilespmem:s17+$0xDC60];
	v6 =	vmul.f32 $1.131370830e+01, v6;
	[tilespmem:s17+$0x15C70] =	vst v7  }
.LBB2_26:
0x1e6: {  	p0 =	sne.s32 s18, $0xFE00;
	v7 =	vld [tilespmem:s16+$0xDC70];
	[tilespmem:s17+$0x15C00] =	vst v5;
	v4 =	vmul.f32 $1.131370830e+01, v4  }
0x1e7: {  	v5 =	vld [tilespmem:s16+$0xDC00];
	[tilespmem:s17+$0x15C10] =	vst v6;
	v3 =	vmul.f32 $1.131370830e+01, v3  }
0x1e8: {  	v6 =	vld [tilespmem:s16+$0xDC10];
	[tilespmem:s17+$0x15C20] =	vst v4;
	v0 =	vmul.f32 $1.131370830e+01, v0  }
.Ltmp12:
0x1e9: {  	v4 =	vld [tilespmem:s16+$0xDC20];
	[tilespmem:s17+$0x15C30] =	vst v3;
	v1 =	vmul.f32 $1.131370830e+01, v1;
	(pc) =	sbr.rel @p0 .LBB2_26-.Ltmp12, $4  }
0x1ea: {  	v3 =	vld [tilespmem:s16+$0xDC30];
	[tilespmem:s17+$0x15C40] =	vst v0;
	v2 =	vmul.f32 $1.131370830e+01, v2  }
0x1eb: {  	v0 =	vld [tilespmem:s16+$0xDC40];
	v7 =	vmul.f32 $1.131370830e+01, v7;
	[tilespmem:s17+$0x15C50] =	vst v1  }
0x1ec: {  	v5 =	vmul.f32 $1.131370830e+01, v5;
	v1 =	vld [tilespmem:s16+$0xDC50];
	[tilespmem:s17+$0x15C60] =	vst v2;
	s17 =	smov.u32 s16  }
0x1ed: {  	s16 =	sshra.s32 s18, $0x2;
	s18 =	sadd.s32 $0x200, s18;
	v6 =	vmul.f32 $1.131370830e+01, v6;
	v2 =	vld [tilespmem:s17+$0xDC60];
	[tilespmem:s17+$0x15C70] =	vst v7  }
0x1ee: {  	v7 =	vld [tilespmem:s16+$0xDC70];
	[tilespmem:s17+$0x15C00] =	vst v5;
	v4 =	vmul.f32 $1.131370830e+01, v4  }
0x1ef: {  	v5 =	vld [tilespmem:s16+$0xDC00];
	[tilespmem:s17+$0x15C10] =	vst v6;
	v3 =	vmul.f32 $1.131370830e+01, v3  }
0x1f0: {  	v6 =	vld [tilespmem:s16+$0xDC10];
	[tilespmem:s17+$0x15C20] =	vst v4;
	v0 =	vmul.f32 $1.131370830e+01, v0  }
0x1f1: {  	v4 =	vld [tilespmem:s16+$0xDC20];
	[tilespmem:s17+$0x15C30] =	vst v3;
	v1 =	vmul.f32 $1.131370830e+01, v1  }
0x1f2: {  	v3 =	vld [tilespmem:s16+$0xDC30];
	[tilespmem:s17+$0x15C40] =	vst v0;
	v2 =	vmul.f32 $1.131370830e+01, v2  }
0x1f3: {  	v0 =	vld [tilespmem:s16+$0xDC40];
	[tilespmem:s17+$0x15C50] =	vst v1;
	v7 =	vmul.f32 $1.131370830e+01, v7  }
0x1f4: {  	v1 =	vld [tilespmem:s16+$0xDC50];
	[tilespmem:s17+$0x15C60] =	vst v2;
	v2 =	vmul.f32 $1.131370830e+01, v5  }
0x1f5: {  	v5 =	vld [tilespmem:s16+$0xDC60];
	v6 =	vmul.f32 $1.131370830e+01, v6;
	[tilespmem:s16+$0x15C70] =	vst v7  }
0x1f6: {  	[tilespmem:s16+$0x15C00] =	vst v2;
	v2 =	vmul.f32 $1.131370830e+01, v4  }
0x1f7: {  	[tilespmem:s16+$0x15C10] =	vst v6;
	v3 =	vmul.f32 $1.131370830e+01, v3  }
0x1f8: {  	[tilespmem:s16+$0x15C20] =	vst v2;
	v0 =	vmul.f32 $1.131370830e+01, v0  }
0x1f9: {  	[tilespmem:s16+$0x15C30] =	vst v3;
	v1 =	vmul.f32 $1.131370830e+01, v1  }
0x1fa: {  	[tilespmem:s16+$0x15C40] =	vst v0;
	v0 =	vmul.f32 $1.131370830e+01, v5  }
0x1fb: {  	[tilespmem:s16+$0x15C50] =	vst v1  }
0x1fc: {  	s20 =	simm.s32 $0x0;
	s21 =	rddreg [dreg:$0xa];
	[tilespmem:s16+$0x15C60] =	vst v0  }
0x1fd: {  	[hbm4b:s21+s20] =	stream.linear.scatter [tilespmem:s31], [sflag:$0x6], $0x4000, $0x38;
	[tilespmem:$0x19C00] =	vst v63  }
0x1fe: {  	_ =	swait.ge [sflag:s26], $0x4000  }
0x1ff: {  	[sflag:s26] =	ssyncset.done $0x0  }
0x200: {  	[sflag:s26] =	ssyncadd.s32 $0xFFFFC000  }
0x201: {  	_ =	swait.ge [sflag:s11], $0x4000  }
0x202: {  	[sflag:s11] =	ssyncset.done $0x0  }
0x203: {  	s17 =	simm.s32 $0x0;
	[sflag:s11] =	ssyncadd.s32 $0xFFFFC000  }
0x204: {  	v1 =	vld [tilespmem:s17+$0x1C70]  }
0x205: {  	v5 =	vld [tilespmem:s17+$0x1C00]  }
0x206: {  	v6 =	vld [tilespmem:s17+$0x1C10]  }
0x207: {  	v4 =	vld [tilespmem:s17+$0x1C20]  }
0x208: {  	v3 =	vld [tilespmem:s17+$0x1C30]  }
0x209: {  	v0 =	vld [tilespmem:s17+$0x1C40];
	v7 =	vmul.f32 $1.131370830e+01, v1  }
0x20a: {  	v1 =	vld [tilespmem:s17+$0x1C50];
	v5 =	vmul.f32 $1.131370830e+01, v5  }
0x20b: {  	s18 =	simm.s32 $0x400;
	s16 =	simm.s32 $0x80;
	v2 =	vld [tilespmem:s17+$0x1C60];
	v6 =	vmul.f32 $1.131370830e+01, v6;
	[tilespmem:s17+$0x11C70] =	vst v7  }
.LBB2_28:
0x20c: {  	p0 =	sne.s32 s18, $0xFE00;
	v7 =	vld [tilespmem:s16+$0x1C70];
	[tilespmem:s17+$0x11C00] =	vst v5;
	v4 =	vmul.f32 $1.131370830e+01, v4  }
0x20d: {  	v5 =	vld [tilespmem:s16+$0x1C00];
	[tilespmem:s17+$0x11C10] =	vst v6;
	v3 =	vmul.f32 $1.131370830e+01, v3  }
0x20e: {  	v6 =	vld [tilespmem:s16+$0x1C10];
	[tilespmem:s17+$0x11C20] =	vst v4;
	v0 =	vmul.f32 $1.131370830e+01, v0  }
.Ltmp13:
0x20f: {  	v4 =	vld [tilespmem:s16+$0x1C20];
	[tilespmem:s17+$0x11C30] =	vst v3;
	v1 =	vmul.f32 $1.131370830e+01, v1;
	(pc) =	sbr.rel @p0 .LBB2_28-.Ltmp13, $4  }
0x210: {  	v3 =	vld [tilespmem:s16+$0x1C30];
	[tilespmem:s17+$0x11C40] =	vst v0;
	v2 =	vmul.f32 $1.131370830e+01, v2  }
0x211: {  	v0 =	vld [tilespmem:s16+$0x1C40];
	v7 =	vmul.f32 $1.131370830e+01, v7;
	[tilespmem:s17+$0x11C50] =	vst v1  }
0x212: {  	v5 =	vmul.f32 $1.131370830e+01, v5;
	v1 =	vld [tilespmem:s16+$0x1C50];
	[tilespmem:s17+$0x11C60] =	vst v2;
	s17 =	smov.u32 s16  }
0x213: {  	s16 =	sshra.s32 s18, $0x2;
	s18 =	sadd.s32 $0x200, s18;
	v6 =	vmul.f32 $1.131370830e+01, v6;
	v2 =	vld [tilespmem:s17+$0x1C60];
	[tilespmem:s17+$0x11C70] =	vst v7  }
0x214: {  	v7 =	vld [tilespmem:s16+$0x1C70];
	[tilespmem:s17+$0x11C00] =	vst v5;
	v4 =	vmul.f32 $1.131370830e+01, v4  }
0x215: {  	v5 =	vld [tilespmem:s16+$0x1C00];
	[tilespmem:s17+$0x11C10] =	vst v6;
	v3 =	vmul.f32 $1.131370830e+01, v3  }
0x216: {  	v6 =	vld [tilespmem:s16+$0x1C10];
	[tilespmem:s17+$0x11C20] =	vst v4;
	v0 =	vmul.f32 $1.131370830e+01, v0  }
0x217: {  	v4 =	vld [tilespmem:s16+$0x1C20];
	[tilespmem:s17+$0x11C30] =	vst v3;
	v1 =	vmul.f32 $1.131370830e+01, v1  }
0x218: {  	v3 =	vld [tilespmem:s16+$0x1C30];
	[tilespmem:s17+$0x11C40] =	vst v0;
	v2 =	vmul.f32 $1.131370830e+01, v2  }
0x219: {  	v0 =	vld [tilespmem:s16+$0x1C40];
	[tilespmem:s17+$0x11C50] =	vst v1;
	v7 =	vmul.f32 $1.131370830e+01, v7  }
0x21a: {  	v1 =	vld [tilespmem:s16+$0x1C50];
	[tilespmem:s17+$0x11C60] =	vst v2;
	v2 =	vmul.f32 $1.131370830e+01, v5  }
0x21b: {  	v5 =	vld [tilespmem:s16+$0x1C60];
	v6 =	vmul.f32 $1.131370830e+01, v6;
	[tilespmem:s16+$0x11C70] =	vst v7  }
0x21c: {  	[tilespmem:s16+$0x11C00] =	vst v2;
	v2 =	vmul.f32 $1.131370830e+01, v4  }
0x21d: {  	[tilespmem:s16+$0x11C10] =	vst v6;
	v3 =	vmul.f32 $1.131370830e+01, v3  }
0x21e: {  	[tilespmem:s16+$0x11C20] =	vst v2;
	v0 =	vmul.f32 $1.131370830e+01, v0  }
0x21f: {  	[tilespmem:s16+$0x11C30] =	vst v3;
	v1 =	vmul.f32 $1.131370830e+01, v1  }
0x220: {  	[tilespmem:s16+$0x11C40] =	vst v0;
	v0 =	vmul.f32 $1.131370830e+01, v5  }
0x221: {  	[tilespmem:s16+$0x11C50] =	vst v1  }
0x222: {  	s20 =	simm.s32 $0x0;
	s21 =	rddreg [dreg:$0xb];
	[tilespmem:s16+$0x11C60] =	vst v0  }
0x223: {  	[hbm4b:s21+s20] =	stream.linear.scatter [tilespmem:s29], [sflag:$0x5], $0x4000, $0x38;
	[tilespmem:$0x19C00] =	vst v63  }
0x224: {  	_ =	swait.ge [sflag:s0], $0x4000  }
0x225: {  	[sflag:s0] =	ssyncset.done $0x0  }
0x226: {  	[sflag:s0] =	ssyncadd.s32 $0xFFFFC000  }
0x227: {  	_ =	swait.ge [sflag:s14], $0x4000  }
0x228: {  	[sflag:s14] =	ssyncset.done $0x0  }
0x229: {  	s17 =	simm.s32 $0x0;
	[sflag:s14] =	ssyncadd.s32 $0xFFFFC000  }
0x22a: {  	v1 =	vld [tilespmem:s17+$0x5C70]  }
0x22b: {  	v5 =	vld [tilespmem:s17+$0x5C00]  }
0x22c: {  	v6 =	vld [tilespmem:s17+$0x5C10]  }
0x22d: {  	v4 =	vld [tilespmem:s17+$0x5C20]  }
0x22e: {  	v3 =	vld [tilespmem:s17+$0x5C30]  }
0x22f: {  	v0 =	vld [tilespmem:s17+$0x5C40];
	v7 =	vmul.f32 $1.131370830e+01, v1  }
0x230: {  	v1 =	vld [tilespmem:s17+$0x5C50];
	v5 =	vmul.f32 $1.131370830e+01, v5  }
0x231: {  	s18 =	simm.s32 $0x400;
	s16 =	simm.s32 $0x80;
	v2 =	vld [tilespmem:s17+$0x5C60];
	v6 =	vmul.f32 $1.131370830e+01, v6;
	[tilespmem:s17+$0x15C70] =	vst v7  }
.LBB2_30:
0x232: {  	p0 =	sne.s32 s18, $0xFE00;
	v7 =	vld [tilespmem:s16+$0x5C70];
	[tilespmem:s17+$0x15C00] =	vst v5;
	v4 =	vmul.f32 $1.131370830e+01, v4  }
0x233: {  	v5 =	vld [tilespmem:s16+$0x5C00];
	[tilespmem:s17+$0x15C10] =	vst v6;
	v3 =	vmul.f32 $1.131370830e+01, v3  }
0x234: {  	v6 =	vld [tilespmem:s16+$0x5C10];
	[tilespmem:s17+$0x15C20] =	vst v4;
	v0 =	vmul.f32 $1.131370830e+01, v0  }
.Ltmp14:
0x235: {  	v4 =	vld [tilespmem:s16+$0x5C20];
	[tilespmem:s17+$0x15C30] =	vst v3;
	v1 =	vmul.f32 $1.131370830e+01, v1;
	(pc) =	sbr.rel @p0 .LBB2_30-.Ltmp14, $4  }
0x236: {  	v3 =	vld [tilespmem:s16+$0x5C30];
	[tilespmem:s17+$0x15C40] =	vst v0;
	v2 =	vmul.f32 $1.131370830e+01, v2  }
0x237: {  	v0 =	vld [tilespmem:s16+$0x5C40];
	v7 =	vmul.f32 $1.131370830e+01, v7;
	[tilespmem:s17+$0x15C50] =	vst v1  }
0x238: {  	v5 =	vmul.f32 $1.131370830e+01, v5;
	v1 =	vld [tilespmem:s16+$0x5C50];
	[tilespmem:s17+$0x15C60] =	vst v2;
	s17 =	smov.u32 s16  }
0x239: {  	s16 =	sshra.s32 s18, $0x2;
	s18 =	sadd.s32 $0x200, s18;
	v6 =	vmul.f32 $1.131370830e+01, v6;
	v2 =	vld [tilespmem:s17+$0x5C60];
	[tilespmem:s17+$0x15C70] =	vst v7  }
0x23a: {  	v7 =	vld [tilespmem:s16+$0x5C70];
	[tilespmem:s17+$0x15C00] =	vst v5;
	v4 =	vmul.f32 $1.131370830e+01, v4  }
0x23b: {  	v5 =	vld [tilespmem:s16+$0x5C00];
	[tilespmem:s17+$0x15C10] =	vst v6;
	v3 =	vmul.f32 $1.131370830e+01, v3  }
0x23c: {  	v6 =	vld [tilespmem:s16+$0x5C10];
	[tilespmem:s17+$0x15C20] =	vst v4;
	v0 =	vmul.f32 $1.131370830e+01, v0  }
0x23d: {  	v4 =	vld [tilespmem:s16+$0x5C20];
	[tilespmem:s17+$0x15C30] =	vst v3;
	v1 =	vmul.f32 $1.131370830e+01, v1  }
0x23e: {  	v3 =	vld [tilespmem:s16+$0x5C30];
	[tilespmem:s17+$0x15C40] =	vst v0;
	v2 =	vmul.f32 $1.131370830e+01, v2  }
0x23f: {  	v0 =	vld [tilespmem:s16+$0x5C40];
	[tilespmem:s17+$0x15C50] =	vst v1;
	v7 =	vmul.f32 $1.131370830e+01, v7  }
0x240: {  	v1 =	vld [tilespmem:s16+$0x5C50];
	[tilespmem:s17+$0x15C60] =	vst v2;
	v60 =	vmul.f32 $1.131370830e+01, v5  }
0x241: {  	v61 =	vld [tilespmem:s16+$0x5C60];
	v6 =	vmul.f32 $1.131370830e+01, v6;
	[tilespmem:s16+$0x15C70] =	vst v7  }
0x242: {  	[tilespmem:s16+$0x15C00] =	vst v60;
	v62 =	vmul.f32 $1.131370830e+01, v4  }
0x243: {  	[tilespmem:s16+$0x15C10] =	vst v6;
	v3 =	vmul.f32 $1.131370830e+01, v3  }
0x244: {  	[tilespmem:s16+$0x15C20] =	vst v62;
	v0 =	vmul.f32 $1.131370830e+01, v0  }
0x245: {  	[tilespmem:s16+$0x15C30] =	vst v3;
	v1 =	vmul.f32 $1.131370830e+01, v1  }
0x246: {  	[tilespmem:s16+$0x15C40] =	vst v0;
	v63 =	vmul.f32 $1.131370830e+01, v61  }
0x247: {  	[tilespmem:s16+$0x15C50] =	vst v1  }
0x248: {  	s20 =	rddreg [dreg:$0xc];
	[tilespmem:s16+$0x15C60] =	vst v63  }
0x249: {  	[hbm4b:s20+s4] =	stream.linear.scatter [tilespmem:s31], [sflag:$0x6], $0x4000, $0x38;
	[tilespmem:$0x19C00] =	vst v63  }
0x24a: {  	_ =	swait.ge [sflag:s11], $0x4000  }
0x24b: {  	[sflag:s11] =	ssyncset.done $0x0  }
0x24c: {  	[sflag:s11] =	ssyncadd.s32 $0xFFFFC000  }
0x24d: {  	_ =	swait.ge [sflag:s14], $0x4000  }
0x24e: {  	s15 =	sadd.s32 $0x1, s15;
	s21 =	rddreg [dreg:$0xd]  }
0x24f: {  	p0 =	sne.s32 s15, s21  }
.Ltmp15:
0x250: {  	_ = 	snop;
	(pc) =	sbr.rel @p0 .LBB2_1-.Ltmp15, $3  }
0x251: {  	_ =	sdelay $0x1  }
0x252: {  	[sflag:s14] =	ssyncset.done $0x0  }
0x253: {  	[sflag:s14] =	ssyncadd.s32 $0xFFFFC000  }
0x254: {  	_ =	sfence.sel $0x180000  }
0x255: {  	[bflag:$0x0] =	sbarrier.arrive $0xFFFF  }
0x256: {  	_ =	strace $0x90000047  }
0x257: {  	s0 =	stileid.u32;
	[bflag:$0x2] =	sbarrier.arrive $0xFFFF  }
0x258: {  	p0 =	sne.s32 s0, $0x0;
	s0 =	rddreg [dreg:$0x3]  }
0x259: {  	s0 =	sadd.s32 @!p0 $0x100000, s0  }
0x25a: {  	[sflag:s0] =	ssyncadd.tile.s32 @!p0 $0x1;
	_ =	shalt  }
.Lfunc_end2:
_tile_overlayer_lowered:
.L_overlay_start_2:
0x25b: {  	(tag) =	ssettag $0x2  }
0x25c: {  	s0 =	rddreg [dreg:$0x0];
	s2 =	stileid.u32  }
0x25d: {  	s1 =	rddreg [dreg:$0x1];
	p0 =	sne.s32 s2, $0x0  }
0x25e: {  	s3 =	rddreg [dreg:$0x2];
	[bflag:$0x3] =	sbarrier.arrive $0xFFFF;
	s2 =	simm.s32 @!p0 $0x1C07  }
0x25f: {  	[timem:s3], [sflag:s2] =	dma.local @!p0 [hbm:s0], s1  }
0x260: {  	s0 =	simm.s32 @!p0 $0x7  }
0x261: {  	_ =	swait.ge @!p0 [sflag:s0], s1  }
0x262: {  	s1 =	ssub.s32 @!p0 $0x0, s1;
	[sflag:s0] =	ssyncset.done @!p0 $0x0  }
0x263: {  	[sflag:s0] =	ssyncadd.s32 @!p0 s1  }
0x264: {  	[bflag:$0x3] =	sbarrier.arrive $0xFFFF  }
0x265: {  	_ =	shalt  }

</sc_bundles>
